<compile_context>
chip_gen: v7x
topology: tpu7x:2x2x1
jax: 0.10.2.dev20260603
libtpu: 0.0.44.dev20260713+nightly
codegen_flags: <defaults>
</compile_context>

<pallas_src>
import functools

import jax
import jax.numpy as jnp
from jax import lax
from jax.experimental import pallas as pl
from jax.experimental.pallas import tpu as pltpu
from jax.experimental.pallas import tpu_sc as plsc

VOCAB = 1000000
D = 32
DH = D // 2
B = 16384
NC = 2
NS = 16
NW = NC * NS
BPW = B // NW
L = 16
K = 4
G = BPW // K


def _rsqrt16(x):
    i = lax.bitcast_convert_type(x, jnp.int32)
    i = jnp.int32(0x5F3759DF) - lax.shift_right_logical(i, 1)
    y = lax.bitcast_convert_type(i, jnp.float32)
    half = x * jnp.float32(0.5)
    for _ in range(3):
        y = y * (jnp.float32(1.5) - half * y * y)
    return y


def _build():
    mesh = plsc.VectorSubcoreMesh(
        core_axis_name="c", subcore_axis_name="s", num_cores=NC, num_subcores=NS
    )
    params = pltpu.CompilerParams(needs_layout_passes=False)

    @functools.partial(
        pl.kernel,
        out_type=(
            jax.ShapeDtypeStruct((2, B, DH), jnp.float32),
            jax.ShapeDtypeStruct((NW, L), jnp.float32),
        ),
        mesh=mesh,
        scratch_types=[
            pltpu.VMEM((BPW,), jnp.int32),
            pltpu.VMEM((L,), jnp.int32),
            pltpu.VMEM((4, K, L, 128), jnp.float32),
            pltpu.VMEM((BPW, DH), jnp.float32),
            pltpu.VMEM((L,), jnp.float32),
            pltpu.VMEM((NW, L), jnp.float32),
            pltpu.SemaphoreType.DMA,
            pltpu.SemaphoreType.DMA,
            pltpu.SemaphoreType.DMA,
            pltpu.SemaphoreType.DMA,
            pltpu.SemaphoreType.REGULAR,
        ],
        compiler_params=params,
    )
    def fused(ids_hbm, tablet_hbm, out_hbm, part_hbm,
              ids_v, dvec_v, blk_v, cols_v, acc_v, part_v,
              sem0, sem1, sem2, sem3, xsem):
        cid = lax.axis_index("c")
        sid = lax.axis_index("s")
        wid = sid * NC + cid
        base = wid * BPW
        pltpu.sync_copy(ids_hbm.at[pl.ds(base, BPW)], ids_v)

        iot = lax.iota(jnp.int32, L)
        dvec_v[...] = iot * 2
        sems = (sem0, sem1, sem2, sem3)

        def src(idv):
            q128 = pl.multiple_of(
                lax.shift_left(lax.shift_right_logical(idv, 7), 7), 128
            )
            return tablet_hbm.at[:, pl.ds(q128, 128)].at[dvec_v]

        def fire(ids16, lane0, par):
            for j in range(K):
                pltpu.async_copy(
                    src(ids16[lane0 + j]), blk_v.at[par, j], sems[par]
                )

        def drain_use(ids16, lane0, c, par, acc):
            for j in range(K):
                i = c * K + j
                idv = ids16[lane0 + j]
                pltpu.make_async_copy(
                    src(idv), blk_v.at[par, j], sems[par]
                ).wait()
                r = jnp.full((L,), idv & 127, jnp.int32)
                gth = plsc.load_gather(
                    blk_v,
                    [jnp.full((L,), par, jnp.int32),
                     jnp.full((L,), j, jnp.int32), iot, r],
                )
                cols_v[i, :] = gth
                acc = acc + gth * gth
            return acc

        NQ = G // 4
        ids16_0 = ids_v[pl.ds(0, 16)]
        fire(ids16_0, 0, 0)
        fire(ids16_0, K, 1)
        fire(ids16_0, 2 * K, 2)

        def quad(q, acc):
            c0 = 4 * q
            ids16 = ids_v[pl.ds(16 * q, 16)]
            acc = drain_use(ids16, 0, c0, 0, acc)
            fire(ids16, 3 * K, 3)
            acc = drain_use(ids16, K, c0 + 1, 1, acc)

            @pl.when(q + 1 < NQ)
            def _():
                ids16n = ids_v[pl.ds(16 * (q + 1), 16)]
                fire(ids16n, 0, 0)

            acc = drain_use(ids16, 2 * K, c0 + 2, 2, acc)

            @pl.when(q + 1 < NQ)
            def _():
                ids16n = ids_v[pl.ds(16 * (q + 1), 16)]
                fire(ids16n, K, 1)

            acc = drain_use(ids16, 3 * K, c0 + 3, 3, acc)

            @pl.when(q + 1 < NQ)
            def _():
                ids16n = ids_v[pl.ds(16 * (q + 1), 16)]
                fire(ids16n, 2 * K, 2)

            return acc

        acc = lax.fori_loop(0, NQ, quad, jnp.zeros((L,), jnp.float32))
        acc_v[...] = acc
        pltpu.sync_copy(acc_v, part_hbm.at[wid])

        plsc.subcore_barrier()
        pltpu.semaphore_signal(xsem, 1, core_index=1 - cid)
        pl.semaphore_wait(xsem, 1)

        pltpu.sync_copy(part_hbm, part_v)

        def psum(j, t):
            return t + part_v[j, :]

        tot = lax.fori_loop(0, NW, psum, jnp.zeros((L,), jnp.float32))
        s = jnp.sum(tot) + jnp.float32(1e-12)
        r = _rsqrt16(lax.broadcast_in_dim(s, (L,), ()))
        z = jnp.zeros((L,), jnp.float32)

        def scale(i, _):
            for u in range(4):
                cols_v[4 * i + u, :] = cols_v[4 * i + u, :] * r
            return 0

        lax.fori_loop(0, BPW // 4, scale, 0)
        pltpu.sync_copy(cols_v, out_hbm.at[0].at[pl.ds(base, BPW)])

        def zero(i, _):
            for u in range(4):
                cols_v[4 * i + u, :] = z
            return 0

        lax.fori_loop(0, BPW // 4, zero, 0)
        pltpu.sync_copy(cols_v, out_hbm.at[1].at[pl.ds(base, BPW)])

    return fused


_FUSED = None


def kernel(input_ids, table):
    global _FUSED
    if _FUSED is None:
        _FUSED = _build()
    out, _ = _FUSED(input_ids, table.T)
    return out

# --- scband reference (transcript-rebuilt; emitter-appended) ---
"""Pipeline reference for scband-complex-embedding-6287832121570 (READ-ONLY COPY).

The authoritative reference and input builder live on the scoring server;
editing this copy changes nothing except your own understanding.
"""

import jax, jax.numpy as jnp
import numpy as np

VOCAB = 1000000
EMBED_DIM = 32
BATCH = 16384
N_QUBITS = 18  # 2**18 == BATCH * (EMBED_DIM // 2)


def setup_inputs(seed: int = 0) -> dict:
    key = jax.random.key(seed)
    k1, k2 = jax.random.split(key)
    input_ids = jax.random.randint(k1, (BATCH,), 0, VOCAB, dtype=jnp.int64 if jax.config.jax_enable_x64 else jnp.int32).astype(jnp.int32)
    table = jax.random.normal(k2, (VOCAB, EMBED_DIM), dtype=jnp.float32) * 0.02
    return {"input_ids": input_ids, "table": table}


def _create_superposition(amplitudes):
    # QuantumStateProcessor.create_superposition: treat the real amplitudes as
    # a quantum state over 2**n_qubits basis states (length matches exactly here)
    # and L2-normalize so it is a valid unit-norm superposition. Returned state
    # is complex: real part = normalized amplitudes, imag part = 0 (zero phase).
    norm = jnp.sqrt(jnp.sum(amplitudes * amplitudes) + 1e-12)
    sup_real = amplitudes / norm
    sup_imag = jnp.zeros_like(amplitudes)
    return sup_real, sup_imag


def reference(input_ids, table):
    # embedding lookup (gather)
    emb = jnp.take(table, input_ids, axis=0)            # [B, D]
    real = emb[:, ::2]                                   # [B, D//2]
    imag = emb[:, 1::2]                                  # [B, D//2]
    flat_real = real.reshape(-1)                         # [B * D//2] == 2**n_qubits
    sup_real, sup_imag = _create_superposition(flat_real)
    new_real = sup_real.reshape(real.shape)
    new_imag = sup_imag.reshape(imag.shape)
    # ComplexTensor(real, imag) represented as stacked array [2, B, D//2]
    return jnp.stack([new_real, new_imag], axis=0)

if __name__ == "__main__":
    import jax
    _d = setup_inputs()
    print(jax.jit(kernel)(*tuple(_d.values())))

</pallas_src>

<mosaic_0001>
#map = affine_map<(d0, d1) -> (0)>
#map1 = affine_map<(d0, d1) -> (0, 0)>
#map2 = affine_map<(d0, d1) -> (0, 0, 0)>
module attributes {stable_mosaic.version = 14 : i64} {
  func.func @fused(%arg0: i32, %arg1: i32, %arg2: memref<16384xi32, #tpu.memory_space<hbm>>, %arg3: memref<32x1000000xf32, #tpu.memory_space<hbm>>, %arg4: memref<2x16384x16xf32, #tpu.memory_space<hbm>>, %arg5: memref<32x16xf32, #tpu.memory_space<hbm>>, %arg6: memref<512xi32, #tpu.memory_space<vmem>>, %arg7: memref<16xi32, #tpu.memory_space<vmem>>, %arg8: memref<4x4x16x128xf32, #tpu.memory_space<vmem>>, %arg9: memref<512x16xf32, #tpu.memory_space<vmem>>, %arg10: memref<16xf32, #tpu.memory_space<vmem>>, %arg11: memref<32x16xf32, #tpu.memory_space<vmem>>, %arg12: memref<!tpu.dma_semaphore, #tpu.memory_space<semaphore_mem>>, %arg13: memref<!tpu.dma_semaphore, #tpu.memory_space<semaphore_mem>>, %arg14: memref<!tpu.dma_semaphore, #tpu.memory_space<semaphore_mem>>, %arg15: memref<!tpu.dma_semaphore, #tpu.memory_space<semaphore_mem>>, %arg16: memref<!tpu.semaphore, #tpu.memory_space<semaphore_mem>>) attributes {dimension_semantics = [#tpu.dimension_semantics<core_parallel>, #tpu.dimension_semantics<subcore_parallel>], iteration_bounds = array<i64: 2, 16>, scalar_prefetch = 0 : i64, scratch_operands = 11 : i64, tpu.core_type = #tpu.core_type<sc_vector_subcore>, window_params = [{transform_indices = #map}, {transform_indices = #map1}, {transform_indices = #map2}, {transform_indices = #map1}]} {
    %mul3A = arith.constant 2 : i32
    %mul3A_0 = arith.muli %arg1, %mul3A : i32
    %add3A = arith.addi %mul3A_0, %arg0 : i32
    %mul3A_1 = arith.constant 512 : i32
    %mul3A_2 = arith.muli %add3A, %mul3A_1 : i32
    "tpu.region"() ({
      %run_scoped3A_287 = tpu.sem_alloc : memref<!tpu.dma_semaphore, #tpu.memory_space<semaphore_mem>>
      %dma_start3A_288 = tpu.memref_slice %arg2[%mul3A_2] : memref<16384xi32, #tpu.memory_space<hbm>> -> memref<512xi32, #tpu.memory_space<hbm>>
      %dma_start3A_289 = tpu.memref_slice %arg2[%mul3A_2] : memref<16384xi32, #tpu.memory_space<hbm>> -> memref<512xi32, #tpu.memory_space<hbm>>
      tpu.enqueue_dma source(%dma_start3A_289 : memref<512xi32, #tpu.memory_space<hbm>>) target(%arg6 : memref<512xi32, #tpu.memory_space<vmem>>) target_semaphore(%run_scoped3A_287 : memref<!tpu.dma_semaphore, #tpu.memory_space<semaphore_mem>>)
      %dma_wait3A = tpu.memref_slice %arg2[%mul3A_2] : memref<16384xi32, #tpu.memory_space<hbm>> -> memref<512xi32, #tpu.memory_space<hbm>>
      %dma_wait3A_290 = tpu.memref_slice %arg2[%mul3A_2] : memref<16384xi32, #tpu.memory_space<hbm>> -> memref<512xi32, #tpu.memory_space<hbm>>
      tpu.wait_dma2 semaphore(%run_scoped3A_287 : memref<!tpu.dma_semaphore, #tpu.memory_space<semaphore_mem>>) src(%dma_wait3A_290 : memref<512xi32, #tpu.memory_space<hbm>>) dst(%arg6 : memref<512xi32, #tpu.memory_space<vmem>>)
      tpu.yield
    }) : () -> ()
    %iota3A = tpu.iota {dimensions = array<i32: 0>} : vector<16xi32>
    %mul3A_3 = arith.constant 2 : i32
    %mul3A_4 = vector.broadcast %mul3A_3 : i32 to vector<16xi32>
    %mul3A_5 = arith.muli %iota3A, %mul3A_4 : vector<16xi32>
    %swap3A = arith.constant 0 : index
    %swap3A_6 = tpu.vector_load %arg7[%swap3A] {strides = array<i32>} : memref<16xi32, #tpu.memory_space<vmem>>, vector<16xi32>,
    tpu.vector_store %arg7[%swap3A], %mul3A_5 {strides = array<i32>} : memref<16xi32, #tpu.memory_space<vmem>>, vector<16xi32>,
    %get3A = arith.constant 0 : index
    %get3A_7 = tpu.vector_load %arg6[%get3A] {strides = array<i32>} : memref<512xi32, #tpu.memory_space<vmem>>, vector<16xi32>,
    %slice3A = vector.extract_strided_slice %get3A_7 {offsets = [0], sizes = [1], strides = [1]} : vector<16xi32> to vector<1xi32>
    %squeeze3A = vector.extract %slice3A[0] : i32 from vector<1xi32>
    %shift_right_logical3A = arith.constant 7 : i32
    %shift_right_logical3A_8 = arith.shrui %squeeze3A, %shift_right_logical3A : i32
    %shift_left3A = arith.constant 7 : i32
    %shift_left3A_9 = arith.shli %shift_right_logical3A_8, %shift_left3A : i32
    %multiple_of3A = tpu.assume_multiple %shift_left3A_9, 128 : i32
    %dma_start3A = arith.constant 0 : i32
    %dma_start3A_10 = arith.constant 0 : i32
    %dma_start3A_11 = arith.constant 0 : i32
    %dma_start3A_12 = arith.constant 0 : i32
    %dma_start3A_13 = tpu.memref_slice %arg8[%dma_start3A, %dma_start3A_10, %dma_start3A_11, %dma_start3A_12] : memref<4x4x16x128xf32, #tpu.memory_space<vmem>> -> memref<1x1x16x128xf32, #tpu.memory_space<vmem>>
    %dma_start3A_14 = tpu.memref_squeeze %dma_start3A_13 : memref<1x1x16x128xf32, #tpu.memory_space<vmem>> -> memref<16x128xf32, #tpu.memory_space<vmem>>
    %dma_start3A_15 = arith.constant 0 : i32
    %dma_start3A_16 = tpu.memref_slice %arg3[%dma_start3A_15, %multiple_of3A] : memref<32x1000000xf32, #tpu.memory_space<hbm>> -> memref<32x128xf32, #tpu.memory_space<hbm>>
    %dma_start3A_17 = arith.constant 0 : i32
    %dma_start3A_18 = arith.constant 0 : i32
    %dma_start3A_19 = tpu.memref_slice %dma_start3A_16[%dma_start3A_17, %dma_start3A_18] : memref<32x128xf32, #tpu.memory_space<hbm>> -> memref<32x128xf32, #tpu.memory_space<hbm>>
    tpu.enqueue_indirect_dma source(%dma_start3A_19 : memref<32x128xf32, #tpu.memory_space<hbm>>) target(%dma_start3A_14 : memref<16x128xf32, #tpu.memory_space<vmem>>) offsets(%arg7 : memref<16xi32, #tpu.memory_space<vmem>>) semaphore(%arg12 : memref<!tpu.dma_semaphore, #tpu.memory_space<semaphore_mem>>)
    %slice3A_20 = vector.extract_strided_slice %get3A_7 {offsets = [1], sizes = [1], strides = [1]} : vector<16xi32> to vector<1xi32>
    %squeeze3A_21 = vector.extract %slice3A_20[0] : i32 from vector<1xi32>
    %shift_right_logical3A_22 = arith.constant 7 : i32
    %shift_right_logical3A_23 = arith.shrui %squeeze3A_21, %shift_right_logical3A_22 : i32
    %shift_left3A_24 = arith.constant 7 : i32
    %shift_left3A_25 = arith.shli %shift_right_logical3A_23, %shift_left3A_24 : i32
    %multiple_of3A_26 = tpu.assume_multiple %shift_left3A_25, 128 : i32
    %dma_start3A_27 = arith.constant 0 : i32
    %dma_start3A_28 = arith.constant 1 : i32
    %dma_start3A_29 = arith.constant 0 : i32
    %dma_start3A_30 = arith.constant 0 : i32
    %dma_start3A_31 = tpu.memref_slice %arg8[%dma_start3A_27, %dma_start3A_28, %dma_start3A_29, %dma_start3A_30] : memref<4x4x16x128xf32, #tpu.memory_space<vmem>> -> memref<1x1x16x128xf32, #tpu.memory_space<vmem>>
    %dma_start3A_32 = tpu.memref_squeeze %dma_start3A_31 : memref<1x1x16x128xf32, #tpu.memory_space<vmem>> -> memref<16x128xf32, #tpu.memory_space<vmem>>
    %dma_start3A_33 = arith.constant 0 : i32
    %dma_start3A_34 = tpu.memref_slice %arg3[%dma_start3A_33, %multiple_of3A_26] : memref<32x1000000xf32, #tpu.memory_space<hbm>> -> memref<32x128xf32, #tpu.memory_space<hbm>>
    %dma_start3A_35 = arith.constant 0 : i32
    %dma_start3A_36 = arith.constant 0 : i32
    %dma_start3A_37 = tpu.memref_slice %dma_start3A_34[%dma_start3A_35, %dma_start3A_36] : memref<32x128xf32, #tpu.memory_space<hbm>> -> memref<32x128xf32, #tpu.memory_space<hbm>>
    tpu.enqueue_indirect_dma source(%dma_start3A_37 : memref<32x128xf32, #tpu.memory_space<hbm>>) target(%dma_start3A_32 : memref<16x128xf32, #tpu.memory_space<vmem>>) offsets(%arg7 : memref<16xi32, #tpu.memory_space<vmem>>) semaphore(%arg12 : memref<!tpu.dma_semaphore, #tpu.memory_space<semaphore_mem>>)
    %slice3A_38 = vector.extract_strided_slice %get3A_7 {offsets = [2], sizes = [1], strides = [1]} : vector<16xi32> to vector<1xi32>
    %squeeze3A_39 = vector.extract %slice3A_38[0] : i32 from vector<1xi32>
    %shift_right_logical3A_40 = arith.constant 7 : i32
    %shift_right_logical3A_41 = arith.shrui %squeeze3A_39, %shift_right_logical3A_40 : i32
    %shift_left3A_42 = arith.constant 7 : i32
    %shift_left3A_43 = arith.shli %shift_right_logical3A_41, %shift_left3A_42 : i32
    %multiple_of3A_44 = tpu.assume_multiple %shift_left3A_43, 128 : i32
    %dma_start3A_45 = arith.constant 0 : i32
    %dma_start3A_46 = arith.constant 2 : i32
    %dma_start3A_47 = arith.constant 0 : i32
    %dma_start3A_48 = arith.constant 0 : i32
    %dma_start3A_49 = tpu.memref_slice %arg8[%dma_start3A_45, %dma_start3A_46, %dma_start3A_47, %dma_start3A_48] : memref<4x4x16x128xf32, #tpu.memory_space<vmem>> -> memref<1x1x16x128xf32, #tpu.memory_space<vmem>>
    %dma_start3A_50 = tpu.memref_squeeze %dma_start3A_49 : memref<1x1x16x128xf32, #tpu.memory_space<vmem>> -> memref<16x128xf32, #tpu.memory_space<vmem>>
    %dma_start3A_51 = arith.constant 0 : i32
    %dma_start3A_52 = tpu.memref_slice %arg3[%dma_start3A_51, %multiple_of3A_44] : memref<32x1000000xf32, #tpu.memory_space<hbm>> -> memref<32x128xf32, #tpu.memory_space<hbm>>
    %dma_start3A_53 = arith.constant 0 : i32
    %dma_start3A_54 = arith.constant 0 : i32
    %dma_start3A_55 = tpu.memref_slice %dma_start3A_52[%dma_start3A_53, %dma_start3A_54] : memref<32x128xf32, #tpu.memory_space<hbm>> -> memref<32x128xf32, #tpu.memory_space<hbm>>
    tpu.enqueue_indirect_dma source(%dma_start3A_55 : memref<32x128xf32, #tpu.memory_space<hbm>>) target(%dma_start3A_50 : memref<16x128xf32, #tpu.memory_space<vmem>>) offsets(%arg7 : memref<16xi32, #tpu.memory_space<vmem>>) semaphore(%arg12 : memref<!tpu.dma_semaphore, #tpu.memory_space<semaphore_mem>>)
    %slice3A_56 = vector.extract_strided_slice %get3A_7 {offsets = [3], sizes = [1], strides = [1]} : vector<16xi32> to vector<1xi32>
    %squeeze3A_57 = vector.extract %slice3A_56[0] : i32 from vector<1xi32>
    %shift_right_logical3A_58 = arith.constant 7 : i32
    %shift_right_logical3A_59 = arith.shrui %squeeze3A_57, %shift_right_logical3A_58 : i32
    %shift_left3A_60 = arith.constant 7 : i32
    %shift_left3A_61 = arith.shli %shift_right_logical3A_59, %shift_left3A_60 : i32
    %multiple_of3A_62 = tpu.assume_multiple %shift_left3A_61, 128 : i32
    %dma_start3A_63 = arith.constant 0 : i32
    %dma_start3A_64 = arith.constant 3 : i32
    %dma_start3A_65 = arith.constant 0 : i32
    %dma_start3A_66 = arith.constant 0 : i32
    %dma_start3A_67 = tpu.memref_slice %arg8[%dma_start3A_63, %dma_start3A_64, %dma_start3A_65, %dma_start3A_66] : memref<4x4x16x128xf32, #tpu.memory_space<vmem>> -> memref<1x1x16x128xf32, #tpu.memory_space<vmem>>
    %dma_start3A_68 = tpu.memref_squeeze %dma_start3A_67 : memref<1x1x16x128xf32, #tpu.memory_space<vmem>> -> memref<16x128xf32, #tpu.memory_space<vmem>>
    %dma_start3A_69 = arith.constant 0 : i32
    %dma_start3A_70 = tpu.memref_slice %arg3[%dma_start3A_69, %multiple_of3A_62] : memref<32x1000000xf32, #tpu.memory_space<hbm>> -> memref<32x128xf32, #tpu.memory_space<hbm>>
    %dma_start3A_71 = arith.constant 0 : i32
    %dma_start3A_72 = arith.constant 0 : i32
    %dma_start3A_73 = tpu.memref_slice %dma_start3A_70[%dma_start3A_71, %dma_start3A_72] : memref<32x128xf32, #tpu.memory_space<hbm>> -> memref<32x128xf32, #tpu.memory_space<hbm>>
    tpu.enqueue_indirect_dma source(%dma_start3A_73 : memref<32x128xf32, #tpu.memory_space<hbm>>) target(%dma_start3A_68 : memref<16x128xf32, #tpu.memory_space<vmem>>) offsets(%arg7 : memref<16xi32, #tpu.memory_space<vmem>>) semaphore(%arg12 : memref<!tpu.dma_semaphore, #tpu.memory_space<semaphore_mem>>)
    %slice3A_74 = vector.extract_strided_slice %get3A_7 {offsets = [4], sizes = [1], strides = [1]} : vector<16xi32> to vector<1xi32>
    %squeeze3A_75 = vector.extract %slice3A_74[0] : i32 from vector<1xi32>
    %shift_right_logical3A_76 = arith.constant 7 : i32
    %shift_right_logical3A_77 = arith.shrui %squeeze3A_75, %shift_right_logical3A_76 : i32
    %shift_left3A_78 = arith.constant 7 : i32
    %shift_left3A_79 = arith.shli %shift_right_logical3A_77, %shift_left3A_78 : i32
    %multiple_of3A_80 = tpu.assume_multiple %shift_left3A_79, 128 : i32
    %dma_start3A_81 = arith.constant 1 : i32
    %dma_start3A_82 = arith.constant 0 : i32
    %dma_start3A_83 = arith.constant 0 : i32
    %dma_start3A_84 = arith.constant 0 : i32
    %dma_start3A_85 = tpu.memref_slice %arg8[%dma_start3A_81, %dma_start3A_82, %dma_start3A_83, %dma_start3A_84] : memref<4x4x16x128xf32, #tpu.memory_space<vmem>> -> memref<1x1x16x128xf32, #tpu.memory_space<vmem>>
    %dma_start3A_86 = tpu.memref_squeeze %dma_start3A_85 : memref<1x1x16x128xf32, #tpu.memory_space<vmem>> -> memref<16x128xf32, #tpu.memory_space<vmem>>
    %dma_start3A_87 = arith.constant 0 : i32
    %dma_start3A_88 = tpu.memref_slice %arg3[%dma_start3A_87, %multiple_of3A_80] : memref<32x1000000xf32, #tpu.memory_space<hbm>> -> memref<32x128xf32, #tpu.memory_space<hbm>>
    %dma_start3A_89 = arith.constant 0 : i32
    %dma_start3A_90 = arith.constant 0 : i32
    %dma_start3A_91 = tpu.memref_slice %dma_start3A_88[%dma_start3A_89, %dma_start3A_90] : memref<32x128xf32, #tpu.memory_space<hbm>> -> memref<32x128xf32, #tpu.memory_space<hbm>>
    tpu.enqueue_indirect_dma source(%dma_start3A_91 : memref<32x128xf32, #tpu.memory_space<hbm>>) target(%dma_start3A_86 : memref<16x128xf32, #tpu.memory_space<vmem>>) offsets(%arg7 : memref<16xi32, #tpu.memory_space<vmem>>) semaphore(%arg13 : memref<!tpu.dma_semaphore, #tpu.memory_space<semaphore_mem>>)
    %slice3A_92 = vector.extract_strided_slice %get3A_7 {offsets = [5], sizes = [1], strides = [1]} : vector<16xi32> to vector<1xi32>
    %squeeze3A_93 = vector.extract %slice3A_92[0] : i32 from vector<1xi32>
    %shift_right_logical3A_94 = arith.constant 7 : i32
    %shift_right_logical3A_95 = arith.shrui %squeeze3A_93, %shift_right_logical3A_94 : i32
    %shift_left3A_96 = arith.constant 7 : i32
    %shift_left3A_97 = arith.shli %shift_right_logical3A_95, %shift_left3A_96 : i32
    %multiple_of3A_98 = tpu.assume_multiple %shift_left3A_97, 128 : i32
    %dma_start3A_99 = arith.constant 1 : i32
    %dma_start3A_100 = arith.constant 1 : i32
    %dma_start3A_101 = arith.constant 0 : i32
    %dma_start3A_102 = arith.constant 0 : i32
    %dma_start3A_103 = tpu.memref_slice %arg8[%dma_start3A_99, %dma_start3A_100, %dma_start3A_101, %dma_start3A_102] : memref<4x4x16x128xf32, #tpu.memory_space<vmem>> -> memref<1x1x16x128xf32, #tpu.memory_space<vmem>>
    %dma_start3A_104 = tpu.memref_squeeze %dma_start3A_103 : memref<1x1x16x128xf32, #tpu.memory_space<vmem>> -> memref<16x128xf32, #tpu.memory_space<vmem>>
    %dma_start3A_105 = arith.constant 0 : i32
    %dma_start3A_106 = tpu.memref_slice %arg3[%dma_start3A_105, %multiple_of3A_98] : memref<32x1000000xf32, #tpu.memory_space<hbm>> -> memref<32x128xf32, #tpu.memory_space<hbm>>
    %dma_start3A_107 = arith.constant 0 : i32
    %dma_start3A_108 = arith.constant 0 : i32
    %dma_start3A_109 = tpu.memref_slice %dma_start3A_106[%dma_start3A_107, %dma_start3A_108] : memref<32x128xf32, #tpu.memory_space<hbm>> -> memref<32x128xf32, #tpu.memory_space<hbm>>
    tpu.enqueue_indirect_dma source(%dma_start3A_109 : memref<32x128xf32, #tpu.memory_space<hbm>>) target(%dma_start3A_104 : memref<16x128xf32, #tpu.memory_space<vmem>>) offsets(%arg7 : memref<16xi32, #tpu.memory_space<vmem>>) semaphore(%arg13 : memref<!tpu.dma_semaphore, #tpu.memory_space<semaphore_mem>>)
    %slice3A_110 = vector.extract_strided_slice %get3A_7 {offsets = [6], sizes = [1], strides = [1]} : vector<16xi32> to vector<1xi32>
    %squeeze3A_111 = vector.extract %slice3A_110[0] : i32 from vector<1xi32>
    %shift_right_logical3A_112 = arith.constant 7 : i32
    %shift_right_logical3A_113 = arith.shrui %squeeze3A_111, %shift_right_logical3A_112 : i32
    %shift_left3A_114 = arith.constant 7 : i32
    %shift_left3A_115 = arith.shli %shift_right_logical3A_113, %shift_left3A_114 : i32
    %multiple_of3A_116 = tpu.assume_multiple %shift_left3A_115, 128 : i32
    %dma_start3A_117 = arith.constant 1 : i32
    %dma_start3A_118 = arith.constant 2 : i32
    %dma_start3A_119 = arith.constant 0 : i32
    %dma_start3A_120 = arith.constant 0 : i32
    %dma_start3A_121 = tpu.memref_slice %arg8[%dma_start3A_117, %dma_start3A_118, %dma_start3A_119, %dma_start3A_120] : memref<4x4x16x128xf32, #tpu.memory_space<vmem>> -> memref<1x1x16x128xf32, #tpu.memory_space<vmem>>
    %dma_start3A_122 = tpu.memref_squeeze %dma_start3A_121 : memref<1x1x16x128xf32, #tpu.memory_space<vmem>> -> memref<16x128xf32, #tpu.memory_space<vmem>>
    %dma_start3A_123 = arith.constant 0 : i32
    %dma_start3A_124 = tpu.memref_slice %arg3[%dma_start3A_123, %multiple_of3A_116] : memref<32x1000000xf32, #tpu.memory_space<hbm>> -> memref<32x128xf32, #tpu.memory_space<hbm>>
    %dma_start3A_125 = arith.constant 0 : i32
    %dma_start3A_126 = arith.constant 0 : i32
    %dma_start3A_127 = tpu.memref_slice %dma_start3A_124[%dma_start3A_125, %dma_start3A_126] : memref<32x128xf32, #tpu.memory_space<hbm>> -> memref<32x128xf32, #tpu.memory_space<hbm>>
    tpu.enqueue_indirect_dma source(%dma_start3A_127 : memref<32x128xf32, #tpu.memory_space<hbm>>) target(%dma_start3A_122 : memref<16x128xf32, #tpu.memory_space<vmem>>) offsets(%arg7 : memref<16xi32, #tpu.memory_space<vmem>>) semaphore(%arg13 : memref<!tpu.dma_semaphore, #tpu.memory_space<semaphore_mem>>)
    %slice3A_128 = vector.extract_strided_slice %get3A_7 {offsets = [7], sizes = [1], strides = [1]} : vector<16xi32> to vector<1xi32>
    %squeeze3A_129 = vector.extract %slice3A_128[0] : i32 from vector<1xi32>
    %shift_right_logical3A_130 = arith.constant 7 : i32
    %shift_right_logical3A_131 = arith.shrui %squeeze3A_129, %shift_right_logical3A_130 : i32
    %shift_left3A_132 = arith.constant 7 : i32
    %shift_left3A_133 = arith.shli %shift_right_logical3A_131, %shift_left3A_132 : i32
    %multiple_of3A_134 = tpu.assume_multiple %shift_left3A_133, 128 : i32
    %dma_start3A_135 = arith.constant 1 : i32
    %dma_start3A_136 = arith.constant 3 : i32
    %dma_start3A_137 = arith.constant 0 : i32
    %dma_start3A_138 = arith.constant 0 : i32
    %dma_start3A_139 = tpu.memref_slice %arg8[%dma_start3A_135, %dma_start3A_136, %dma_start3A_137, %dma_start3A_138] : memref<4x4x16x128xf32, #tpu.memory_space<vmem>> -> memref<1x1x16x128xf32, #tpu.memory_space<vmem>>
    %dma_start3A_140 = tpu.memref_squeeze %dma_start3A_139 : memref<1x1x16x128xf32, #tpu.memory_space<vmem>> -> memref<16x128xf32, #tpu.memory_space<vmem>>
    %dma_start3A_141 = arith.constant 0 : i32
    %dma_start3A_142 = tpu.memref_slice %arg3[%dma_start3A_141, %multiple_of3A_134] : memref<32x1000000xf32, #tpu.memory_space<hbm>> -> memref<32x128xf32, #tpu.memory_space<hbm>>
    %dma_start3A_143 = arith.constant 0 : i32
    %dma_start3A_144 = arith.constant 0 : i32
    %dma_start3A_145 = tpu.memref_slice %dma_start3A_142[%dma_start3A_143, %dma_start3A_144] : memref<32x128xf32, #tpu.memory_space<hbm>> -> memref<32x128xf32, #tpu.memory_space<hbm>>
    tpu.enqueue_indirect_dma source(%dma_start3A_145 : memref<32x128xf32, #tpu.memory_space<hbm>>) target(%dma_start3A_140 : memref<16x128xf32, #tpu.memory_space<vmem>>) offsets(%arg7 : memref<16xi32, #tpu.memory_space<vmem>>) semaphore(%arg13 : memref<!tpu.dma_semaphore, #tpu.memory_space<semaphore_mem>>)
    %slice3A_146 = vector.extract_strided_slice %get3A_7 {offsets = [8], sizes = [1], strides = [1]} : vector<16xi32> to vector<1xi32>
    %squeeze3A_147 = vector.extract %slice3A_146[0] : i32 from vector<1xi32>
    %shift_right_logical3A_148 = arith.constant 7 : i32
    %shift_right_logical3A_149 = arith.shrui %squeeze3A_147, %shift_right_logical3A_148 : i32
    %shift_left3A_150 = arith.constant 7 : i32
    %shift_left3A_151 = arith.shli %shift_right_logical3A_149, %shift_left3A_150 : i32
    %multiple_of3A_152 = tpu.assume_multiple %shift_left3A_151, 128 : i32
    %dma_start3A_153 = arith.constant 2 : i32
    %dma_start3A_154 = arith.constant 0 : i32
    %dma_start3A_155 = arith.constant 0 : i32
    %dma_start3A_156 = arith.constant 0 : i32
    %dma_start3A_157 = tpu.memref_slice %arg8[%dma_start3A_153, %dma_start3A_154, %dma_start3A_155, %dma_start3A_156] : memref<4x4x16x128xf32, #tpu.memory_space<vmem>> -> memref<1x1x16x128xf32, #tpu.memory_space<vmem>>
    %dma_start3A_158 = tpu.memref_squeeze %dma_start3A_157 : memref<1x1x16x128xf32, #tpu.memory_space<vmem>> -> memref<16x128xf32, #tpu.memory_space<vmem>>
    %dma_start3A_159 = arith.constant 0 : i32
    %dma_start3A_160 = tpu.memref_slice %arg3[%dma_start3A_159, %multiple_of3A_152] : memref<32x1000000xf32, #tpu.memory_space<hbm>> -> memref<32x128xf32, #tpu.memory_space<hbm>>
    %dma_start3A_161 = arith.constant 0 : i32
    %dma_start3A_162 = arith.constant 0 : i32
    %dma_start3A_163 = tpu.memref_slice %dma_start3A_160[%dma_start3A_161, %dma_start3A_162] : memref<32x128xf32, #tpu.memory_space<hbm>> -> memref<32x128xf32, #tpu.memory_space<hbm>>
    tpu.enqueue_indirect_dma source(%dma_start3A_163 : memref<32x128xf32, #tpu.memory_space<hbm>>) target(%dma_start3A_158 : memref<16x128xf32, #tpu.memory_space<vmem>>) offsets(%arg7 : memref<16xi32, #tpu.memory_space<vmem>>) semaphore(%arg14 : memref<!tpu.dma_semaphore, #tpu.memory_space<semaphore_mem>>)
    %slice3A_164 = vector.extract_strided_slice %get3A_7 {offsets = [9], sizes = [1], strides = [1]} : vector<16xi32> to vector<1xi32>
    %squeeze3A_165 = vector.extract %slice3A_164[0] : i32 from vector<1xi32>
    %shift_right_logical3A_166 = arith.constant 7 : i32
    %shift_right_logical3A_167 = arith.shrui %squeeze3A_165, %shift_right_logical3A_166 : i32
    %shift_left3A_168 = arith.constant 7 : i32
    %shift_left3A_169 = arith.shli %shift_right_logical3A_167, %shift_left3A_168 : i32
    %multiple_of3A_170 = tpu.assume_multiple %shift_left3A_169, 128 : i32
    %dma_start3A_171 = arith.constant 2 : i32
    %dma_start3A_172 = arith.constant 1 : i32
    %dma_start3A_173 = arith.constant 0 : i32
    %dma_start3A_174 = arith.constant 0 : i32
    %dma_start3A_175 = tpu.memref_slice %arg8[%dma_start3A_171, %dma_start3A_172, %dma_start3A_173, %dma_start3A_174] : memref<4x4x16x128xf32, #tpu.memory_space<vmem>> -> memref<1x1x16x128xf32, #tpu.memory_space<vmem>>
    %dma_start3A_176 = tpu.memref_squeeze %dma_start3A_175 : memref<1x1x16x128xf32, #tpu.memory_space<vmem>> -> memref<16x128xf32, #tpu.memory_space<vmem>>
    %dma_start3A_177 = arith.constant 0 : i32
    %dma_start3A_178 = tpu.memref_slice %arg3[%dma_start3A_177, %multiple_of3A_170] : memref<32x1000000xf32, #tpu.memory_space<hbm>> -> memref<32x128xf32, #tpu.memory_space<hbm>>
    %dma_start3A_179 = arith.constant 0 : i32
    %dma_start3A_180 = arith.constant 0 : i32
    %dma_start3A_181 = tpu.memref_slice %dma_start3A_178[%dma_start3A_179, %dma_start3A_180] : memref<32x128xf32, #tpu.memory_space<hbm>> -> memref<32x128xf32, #tpu.memory_space<hbm>>
    tpu.enqueue_indirect_dma source(%dma_start3A_181 : memref<32x128xf32, #tpu.memory_space<hbm>>) target(%dma_start3A_176 : memref<16x128xf32, #tpu.memory_space<vmem>>) offsets(%arg7 : memref<16xi32, #tpu.memory_space<vmem>>) semaphore(%arg14 : memref<!tpu.dma_semaphore, #tpu.memory_space<semaphore_mem>>)
    %slice3A_182 = vector.extract_strided_slice %get3A_7 {offsets = [10], sizes = [1], strides = [1]} : vector<16xi32> to vector<1xi32>
    %squeeze3A_183 = vector.extract %slice3A_182[0] : i32 from vector<1xi32>
    %shift_right_logical3A_184 = arith.constant 7 : i32
    %shift_right_logical3A_185 = arith.shrui %squeeze3A_183, %shift_right_logical3A_184 : i32
    %shift_left3A_186 = arith.constant 7 : i32
    %shift_left3A_187 = arith.shli %shift_right_logical3A_185, %shift_left3A_186 : i32
    %multiple_of3A_188 = tpu.assume_multiple %shift_left3A_187, 128 : i32
    %dma_start3A_189 = arith.constant 2 : i32
    %dma_start3A_190 = arith.constant 2 : i32
    %dma_start3A_191 = arith.constant 0 : i32
    %dma_start3A_192 = arith.constant 0 : i32
    %dma_start3A_193 = tpu.memref_slice %arg8[%dma_start3A_189, %dma_start3A_190, %dma_start3A_191, %dma_start3A_192] : memref<4x4x16x128xf32, #tpu.memory_space<vmem>> -> memref<1x1x16x128xf32, #tpu.memory_space<vmem>>
    %dma_start3A_194 = tpu.memref_squeeze %dma_start3A_193 : memref<1x1x16x128xf32, #tpu.memory_space<vmem>> -> memref<16x128xf32, #tpu.memory_space<vmem>>
    %dma_start3A_195 = arith.constant 0 : i32
    %dma_start3A_196 = tpu.memref_slice %arg3[%dma_start3A_195, %multiple_of3A_188] : memref<32x1000000xf32, #tpu.memory_space<hbm>> -> memref<32x128xf32, #tpu.memory_space<hbm>>
    %dma_start3A_197 = arith.constant 0 : i32
    %dma_start3A_198 = arith.constant 0 : i32
    %dma_start3A_199 = tpu.memref_slice %dma_start3A_196[%dma_start3A_197, %dma_start3A_198] : memref<32x128xf32, #tpu.memory_space<hbm>> -> memref<32x128xf32, #tpu.memory_space<hbm>>
    tpu.enqueue_indirect_dma source(%dma_start3A_199 : memref<32x128xf32, #tpu.memory_space<hbm>>) target(%dma_start3A_194 : memref<16x128xf32, #tpu.memory_space<vmem>>) offsets(%arg7 : memref<16xi32, #tpu.memory_space<vmem>>) semaphore(%arg14 : memref<!tpu.dma_semaphore, #tpu.memory_space<semaphore_mem>>)
    %slice3A_200 = vector.extract_strided_slice %get3A_7 {offsets = [11], sizes = [1], strides = [1]} : vector<16xi32> to vector<1xi32>
    %squeeze3A_201 = vector.extract %slice3A_200[0] : i32 from vector<1xi32>
    %shift_right_logical3A_202 = arith.constant 7 : i32
    %shift_right_logical3A_203 = arith.shrui %squeeze3A_201, %shift_right_logical3A_202 : i32
    %shift_left3A_204 = arith.constant 7 : i32
    %shift_left3A_205 = arith.shli %shift_right_logical3A_203, %shift_left3A_204 : i32
    %multiple_of3A_206 = tpu.assume_multiple %shift_left3A_205, 128 : i32
    %dma_start3A_207 = arith.constant 2 : i32
    %dma_start3A_208 = arith.constant 3 : i32
    %dma_start3A_209 = arith.constant 0 : i32
    %dma_start3A_210 = arith.constant 0 : i32
    %dma_start3A_211 = tpu.memref_slice %arg8[%dma_start3A_207, %dma_start3A_208, %dma_start3A_209, %dma_start3A_210] : memref<4x4x16x128xf32, #tpu.memory_space<vmem>> -> memref<1x1x16x128xf32, #tpu.memory_space<vmem>>
    %dma_start3A_212 = tpu.memref_squeeze %dma_start3A_211 : memref<1x1x16x128xf32, #tpu.memory_space<vmem>> -> memref<16x128xf32, #tpu.memory_space<vmem>>
    %dma_start3A_213 = arith.constant 0 : i32
    %dma_start3A_214 = tpu.memref_slice %arg3[%dma_start3A_213, %multiple_of3A_206] : memref<32x1000000xf32, #tpu.memory_space<hbm>> -> memref<32x128xf32, #tpu.memory_space<hbm>>
    %dma_start3A_215 = arith.constant 0 : i32
    %dma_start3A_216 = arith.constant 0 : i32
    %dma_start3A_217 = tpu.memref_slice %dma_start3A_214[%dma_start3A_215, %dma_start3A_216] : memref<32x128xf32, #tpu.memory_space<hbm>> -> memref<32x128xf32, #tpu.memory_space<hbm>>
    tpu.enqueue_indirect_dma source(%dma_start3A_217 : memref<32x128xf32, #tpu.memory_space<hbm>>) target(%dma_start3A_212 : memref<16x128xf32, #tpu.memory_space<vmem>>) offsets(%arg7 : memref<16xi32, #tpu.memory_space<vmem>>) semaphore(%arg14 : memref<!tpu.dma_semaphore, #tpu.memory_space<semaphore_mem>>)
    %broadcast_in_dim3A = arith.constant 0.000000e+00 : f32
    %broadcast_in_dim3A_218 = vector.broadcast %broadcast_in_dim3A : f32 to vector<16xf32>
    %scan3A = arith.constant 0 : i32
    %scan3A_219 = arith.constant 32 : i32
    %scan3A_220 = arith.addi %scan3A, %scan3A_219 : i32
    %scan3A_221 = arith.constant 1 : i32
    %scan3A_222 = scf.for %scan3A_287 = %scan3A to %scan3A_220 step %scan3A_221 iter_args(%scan3A_288 = %broadcast_in_dim3A_218) -> (vector<16xf32>)  : i32 {
      %mul3A_289 = arith.constant 4 : i32
      %mul3A_290 = arith.muli %mul3A_289, %scan3A_287 : i32
      %mul3A_291 = arith.constant 16 : i32
      %mul3A_292 = arith.muli %mul3A_291, %scan3A_287 : i32
      %get3A_293 = arith.index_cast %mul3A_292 : i32 to index
      %get3A_294 = tpu.vector_load %arg6[%get3A_293] {strides = array<i32>} : memref<512xi32, #tpu.memory_space<vmem>>, vector<16xi32>,
      %mul3A_295 = arith.constant 4 : i32
      %mul3A_296 = arith.muli %mul3A_290, %mul3A_295 : i32
      %add3A_297 = arith.constant 0 : i32
      %add3A_298 = arith.addi %mul3A_296, %add3A_297 : i32
      %slice3A_299 = vector.extract_strided_slice %get3A_294 {offsets = [0], sizes = [1], strides = [1]} : vector<16xi32> to vector<1xi32>
      %squeeze3A_300 = vector.extract %slice3A_299[0] : i32 from vector<1xi32>
      %shift_right_logical3A_301 = arith.constant 7 : i32
      %shift_right_logical3A_302 = arith.shrui %squeeze3A_300, %shift_right_logical3A_301 : i32
      %shift_left3A_303 = arith.constant 7 : i32
      %shift_left3A_304 = arith.shli %shift_right_logical3A_302, %shift_left3A_303 : i32
      %multiple_of3A_305 = tpu.assume_multiple %shift_left3A_304, 128 : i32
      %dma_wait3A = arith.constant 0 : i32
      %dma_wait3A_306 = arith.constant 0 : i32
      %dma_wait3A_307 = arith.constant 0 : i32
      %dma_wait3A_308 = arith.constant 0 : i32
      %dma_wait3A_309 = tpu.memref_slice %arg8[%dma_wait3A, %dma_wait3A_306, %dma_wait3A_307, %dma_wait3A_308] : memref<4x4x16x128xf32, #tpu.memory_space<vmem>> -> memref<1x1x16x128xf32, #tpu.memory_space<vmem>>
      %dma_wait3A_310 = tpu.memref_squeeze %dma_wait3A_309 : memref<1x1x16x128xf32, #tpu.memory_space<vmem>> -> memref<16x128xf32, #tpu.memory_space<vmem>>
      %dma_wait3A_311 = arith.constant 0 : i32
      %dma_wait3A_312 = tpu.memref_slice %arg3[%dma_wait3A_311, %multiple_of3A_305] : memref<32x1000000xf32, #tpu.memory_space<hbm>> -> memref<32x128xf32, #tpu.memory_space<hbm>>
      %dma_wait3A_313 = arith.constant 0 : i32
      %dma_wait3A_314 = arith.constant 0 : i32
      %dma_wait3A_315 = tpu.memref_slice %dma_wait3A_312[%dma_wait3A_313, %dma_wait3A_314] : memref<32x128xf32, #tpu.memory_space<hbm>> -> memref<32x128xf32, #tpu.memory_space<hbm>>
      tpu.wait_indirect_dma semaphore(%arg12 : memref<!tpu.dma_semaphore, #tpu.memory_space<semaphore_mem>>) src(%dma_wait3A_315 : memref<32x128xf32, #tpu.memory_space<hbm>>) dst(%dma_wait3A_310 : memref<16x128xf32, #tpu.memory_space<vmem>>)
      %and3A = arith.constant 127 : i32
      %and3A_316 = arith.andi %squeeze3A_300, %and3A : i32
      %broadcast_in_dim3A_317 = vector.broadcast %and3A_316 : i32 to vector<16xi32>
      %broadcast_in_dim3A_318 = arith.constant 0 : i32
      %broadcast_in_dim3A_319 = vector.broadcast %broadcast_in_dim3A_318 : i32 to vector<16xi32>
      %broadcast_in_dim3A_320 = arith.constant 0 : i32
      %broadcast_in_dim3A_321 = vector.broadcast %broadcast_in_dim3A_320 : i32 to vector<16xi32>
      %gather3A = tpu.vector_load_idx %arg8[%broadcast_in_dim3A_319, %broadcast_in_dim3A_321, %iota3A, %broadcast_in_dim3A_317] : memref<4x4x16x128xf32, #tpu.memory_space<vmem>>[vector<16xi32>, vector<16xi32>, vector<16xi32>, vector<16xi32>], vector<16xf32>,
      %swap3A_322 = arith.index_cast %add3A_298 : i32 to index
      %swap3A_323 = arith.constant 0 : index
      %swap3A_324 = tpu.vector_load %arg9[%swap3A_322, %swap3A_323] {strides = array<i32>} : memref<512x16xf32, #tpu.memory_space<vmem>>, vector<16xf32>,
      tpu.vector_store %arg9[%swap3A_322, %swap3A_323], %gather3A {strides = array<i32>} : memref<512x16xf32, #tpu.memory_space<vmem>>, vector<16xf32>,
      %mul3A_325 = arith.mulf %gather3A, %gather3A : vector<16xf32>
      %add3A_326 = arith.addf %scan3A_288, %mul3A_325 : vector<16xf32>
      %mul3A_327 = arith.constant 4 : i32
      %mul3A_328 = arith.muli %mul3A_290, %mul3A_327 : i32
      %add3A_329 = arith.constant 1 : i32
      %add3A_330 = arith.addi %mul3A_328, %add3A_329 : i32
      %slice3A_331 = vector.extract_strided_slice %get3A_294 {offsets = [1], sizes = [1], strides = [1]} : vector<16xi32> to vector<1xi32>
      %squeeze3A_332 = vector.extract %slice3A_331[0] : i32 from vector<1xi32>
      %shift_right_logical3A_333 = arith.constant 7 : i32
      %shift_right_logical3A_334 = arith.shrui %squeeze3A_332, %shift_right_logical3A_333 : i32
      %shift_left3A_335 = arith.constant 7 : i32
      %shift_left3A_336 = arith.shli %shift_right_logical3A_334, %shift_left3A_335 : i32
      %multiple_of3A_337 = tpu.assume_multiple %shift_left3A_336, 128 : i32
      %dma_wait3A_338 = arith.constant 0 : i32
      %dma_wait3A_339 = arith.constant 1 : i32
      %dma_wait3A_340 = arith.constant 0 : i32
      %dma_wait3A_341 = arith.constant 0 : i32
      %dma_wait3A_342 = tpu.memref_slice %arg8[%dma_wait3A_338, %dma_wait3A_339, %dma_wait3A_340, %dma_wait3A_341] : memref<4x4x16x128xf32, #tpu.memory_space<vmem>> -> memref<1x1x16x128xf32, #tpu.memory_space<vmem>>
      %dma_wait3A_343 = tpu.memref_squeeze %dma_wait3A_342 : memref<1x1x16x128xf32, #tpu.memory_space<vmem>> -> memref<16x128xf32, #tpu.memory_space<vmem>>
      %dma_wait3A_344 = arith.constant 0 : i32
      %dma_wait3A_345 = tpu.memref_slice %arg3[%dma_wait3A_344, %multiple_of3A_337] : memref<32x1000000xf32, #tpu.memory_space<hbm>> -> memref<32x128xf32, #tpu.memory_space<hbm>>
      %dma_wait3A_346 = arith.constant 0 : i32
      %dma_wait3A_347 = arith.constant 0 : i32
      %dma_wait3A_348 = tpu.memref_slice %dma_wait3A_345[%dma_wait3A_346, %dma_wait3A_347] : memref<32x128xf32, #tpu.memory_space<hbm>> -> memref<32x128xf32, #tpu.memory_space<hbm>>
      tpu.wait_indirect_dma semaphore(%arg12 : memref<!tpu.dma_semaphore, #tpu.memory_space<semaphore_mem>>) src(%dma_wait3A_348 : memref<32x128xf32, #tpu.memory_space<hbm>>) dst(%dma_wait3A_343 : memref<16x128xf32, #tpu.memory_space<vmem>>)
      %and3A_349 = arith.constant 127 : i32
      %and3A_350 = arith.andi %squeeze3A_332, %and3A_349 : i32
      %broadcast_in_dim3A_351 = vector.broadcast %and3A_350 : i32 to vector<16xi32>
      %broadcast_in_dim3A_352 = arith.constant 0 : i32
      %broadcast_in_dim3A_353 = vector.broadcast %broadcast_in_dim3A_352 : i32 to vector<16xi32>
      %broadcast_in_dim3A_354 = arith.constant 1 : i32
      %broadcast_in_dim3A_355 = vector.broadcast %broadcast_in_dim3A_354 : i32 to vector<16xi32>
      %gather3A_356 = tpu.vector_load_idx %arg8[%broadcast_in_dim3A_353, %broadcast_in_dim3A_355, %iota3A, %broadcast_in_dim3A_351] : memref<4x4x16x128xf32, #tpu.memory_space<vmem>>[vector<16xi32>, vector<16xi32>, vector<16xi32>, vector<16xi32>], vector<16xf32>,
      %swap3A_357 = arith.index_cast %add3A_330 : i32 to index
      %swap3A_358 = arith.constant 0 : index
      %swap3A_359 = tpu.vector_load %arg9[%swap3A_357, %swap3A_358] {strides = array<i32>} : memref<512x16xf32, #tpu.memory_space<vmem>>, vector<16xf32>,
      tpu.vector_store %arg9[%swap3A_357, %swap3A_358], %gather3A_356 {strides = array<i32>} : memref<512x16xf32, #tpu.memory_space<vmem>>, vector<16xf32>,
      %mul3A_360 = arith.mulf %gather3A_356, %gather3A_356 : vector<16xf32>
      %add3A_361 = arith.addf %add3A_326, %mul3A_360 : vector<16xf32>
      %mul3A_362 = arith.constant 4 : i32
      %mul3A_363 = arith.muli %mul3A_290, %mul3A_362 : i32
      %add3A_364 = arith.constant 2 : i32
      %add3A_365 = arith.addi %mul3A_363, %add3A_364 : i32
      %slice3A_366 = vector.extract_strided_slice %get3A_294 {offsets = [2], sizes = [1], strides = [1]} : vector<16xi32> to vector<1xi32>
      %squeeze3A_367 = vector.extract %slice3A_366[0] : i32 from vector<1xi32>
      %shift_right_logical3A_368 = arith.constant 7 : i32
      %shift_right_logical3A_369 = arith.shrui %squeeze3A_367, %shift_right_logical3A_368 : i32
      %shift_left3A_370 = arith.constant 7 : i32
      %shift_left3A_371 = arith.shli %shift_right_logical3A_369, %shift_left3A_370 : i32
      %multiple_of3A_372 = tpu.assume_multiple %shift_left3A_371, 128 : i32
      %dma_wait3A_373 = arith.constant 0 : i32
      %dma_wait3A_374 = arith.constant 2 : i32
      %dma_wait3A_375 = arith.constant 0 : i32
      %dma_wait3A_376 = arith.constant 0 : i32
      %dma_wait3A_377 = tpu.memref_slice %arg8[%dma_wait3A_373, %dma_wait3A_374, %dma_wait3A_375, %dma_wait3A_376] : memref<4x4x16x128xf32, #tpu.memory_space<vmem>> -> memref<1x1x16x128xf32, #tpu.memory_space<vmem>>
      %dma_wait3A_378 = tpu.memref_squeeze %dma_wait3A_377 : memref<1x1x16x128xf32, #tpu.memory_space<vmem>> -> memref<16x128xf32, #tpu.memory_space<vmem>>
      %dma_wait3A_379 = arith.constant 0 : i32
      %dma_wait3A_380 = tpu.memref_slice %arg3[%dma_wait3A_379, %multiple_of3A_372] : memref<32x1000000xf32, #tpu.memory_space<hbm>> -> memref<32x128xf32, #tpu.memory_space<hbm>>
      %dma_wait3A_381 = arith.constant 0 : i32
      %dma_wait3A_382 = arith.constant 0 : i32
      %dma_wait3A_383 = tpu.memref_slice %dma_wait3A_380[%dma_wait3A_381, %dma_wait3A_382] : memref<32x128xf32, #tpu.memory_space<hbm>> -> memref<32x128xf32, #tpu.memory_space<hbm>>
      tpu.wait_indirect_dma semaphore(%arg12 : memref<!tpu.dma_semaphore, #tpu.memory_space<semaphore_mem>>) src(%dma_wait3A_383 : memref<32x128xf32, #tpu.memory_space<hbm>>) dst(%dma_wait3A_378 : memref<16x128xf32, #tpu.memory_space<vmem>>)
      %and3A_384 = arith.constant 127 : i32
      %and3A_385 = arith.andi %squeeze3A_367, %and3A_384 : i32
      %broadcast_in_dim3A_386 = vector.broadcast %and3A_385 : i32 to vector<16xi32>
      %broadcast_in_dim3A_387 = arith.constant 0 : i32
      %broadcast_in_dim3A_388 = vector.broadcast %broadcast_in_dim3A_387 : i32 to vector<16xi32>
      %broadcast_in_dim3A_389 = arith.constant 2 : i32
      %broadcast_in_dim3A_390 = vector.broadcast %broadcast_in_dim3A_389 : i32 to vector<16xi32>
      %gather3A_391 = tpu.vector_load_idx %arg8[%broadcast_in_dim3A_388, %broadcast_in_dim3A_390, %iota3A, %broadcast_in_dim3A_386] : memref<4x4x16x128xf32, #tpu.memory_space<vmem>>[vector<16xi32>, vector<16xi32>, vector<16xi32>, vector<16xi32>], vector<16xf32>,
      %swap3A_392 = arith.index_cast %add3A_365 : i32 to index
      %swap3A_393 = arith.constant 0 : index
      %swap3A_394 = tpu.vector_load %arg9[%swap3A_392, %swap3A_393] {strides = array<i32>} : memref<512x16xf32, #tpu.memory_space<vmem>>, vector<16xf32>,
      tpu.vector_store %arg9[%swap3A_392, %swap3A_393], %gather3A_391 {strides = array<i32>} : memref<512x16xf32, #tpu.memory_space<vmem>>, vector<16xf32>,
      %mul3A_395 = arith.mulf %gather3A_391, %gather3A_391 : vector<16xf32>
      %add3A_396 = arith.addf %add3A_361, %mul3A_395 : vector<16xf32>
      %mul3A_397 = arith.constant 4 : i32
      %mul3A_398 = arith.muli %mul3A_290, %mul3A_397 : i32
      %add3A_399 = arith.constant 3 : i32
      %add3A_400 = arith.addi %mul3A_398, %add3A_399 : i32
      %slice3A_401 = vector.extract_strided_slice %get3A_294 {offsets = [3], sizes = [1], strides = [1]} : vector<16xi32> to vector<1xi32>
      %squeeze3A_402 = vector.extract %slice3A_401[0] : i32 from vector<1xi32>
      %shift_right_logical3A_403 = arith.constant 7 : i32
      %shift_right_logical3A_404 = arith.shrui %squeeze3A_402, %shift_right_logical3A_403 : i32
      %shift_left3A_405 = arith.constant 7 : i32
      %shift_left3A_406 = arith.shli %shift_right_logical3A_404, %shift_left3A_405 : i32
      %multiple_of3A_407 = tpu.assume_multiple %shift_left3A_406, 128 : i32
      %dma_wait3A_408 = arith.constant 0 : i32
      %dma_wait3A_409 = arith.constant 3 : i32
      %dma_wait3A_410 = arith.constant 0 : i32
      %dma_wait3A_411 = arith.constant 0 : i32
      %dma_wait3A_412 = tpu.memref_slice %arg8[%dma_wait3A_408, %dma_wait3A_409, %dma_wait3A_410, %dma_wait3A_411] : memref<4x4x16x128xf32, #tpu.memory_space<vmem>> -> memref<1x1x16x128xf32, #tpu.memory_space<vmem>>
      %dma_wait3A_413 = tpu.memref_squeeze %dma_wait3A_412 : memref<1x1x16x128xf32, #tpu.memory_space<vmem>> -> memref<16x128xf32, #tpu.memory_space<vmem>>
      %dma_wait3A_414 = arith.constant 0 : i32
      %dma_wait3A_415 = tpu.memref_slice %arg3[%dma_wait3A_414, %multiple_of3A_407] : memref<32x1000000xf32, #tpu.memory_space<hbm>> -> memref<32x128xf32, #tpu.memory_space<hbm>>
      %dma_wait3A_416 = arith.constant 0 : i32
      %dma_wait3A_417 = arith.constant 0 : i32
      %dma_wait3A_418 = tpu.memref_slice %dma_wait3A_415[%dma_wait3A_416, %dma_wait3A_417] : memref<32x128xf32, #tpu.memory_space<hbm>> -> memref<32x128xf32, #tpu.memory_space<hbm>>
      tpu.wait_indirect_dma semaphore(%arg12 : memref<!tpu.dma_semaphore, #tpu.memory_space<semaphore_mem>>) src(%dma_wait3A_418 : memref<32x128xf32, #tpu.memory_space<hbm>>) dst(%dma_wait3A_413 : memref<16x128xf32, #tpu.memory_space<vmem>>)
      %and3A_419 = arith.constant 127 : i32
      %and3A_420 = arith.andi %squeeze3A_402, %and3A_419 : i32
      %broadcast_in_dim3A_421 = vector.broadcast %and3A_420 : i32 to vector<16xi32>
      %broadcast_in_dim3A_422 = arith.constant 0 : i32
      %broadcast_in_dim3A_423 = vector.broadcast %broadcast_in_dim3A_422 : i32 to vector<16xi32>
      %broadcast_in_dim3A_424 = arith.constant 3 : i32
      %broadcast_in_dim3A_425 = vector.broadcast %broadcast_in_dim3A_424 : i32 to vector<16xi32>
      %gather3A_426 = tpu.vector_load_idx %arg8[%broadcast_in_dim3A_423, %broadcast_in_dim3A_425, %iota3A, %broadcast_in_dim3A_421] : memref<4x4x16x128xf32, #tpu.memory_space<vmem>>[vector<16xi32>, vector<16xi32>, vector<16xi32>, vector<16xi32>], vector<16xf32>,
      %swap3A_427 = arith.index_cast %add3A_400 : i32 to index
      %swap3A_428 = arith.constant 0 : index
      %swap3A_429 = tpu.vector_load %arg9[%swap3A_427, %swap3A_428] {strides = array<i32>} : memref<512x16xf32, #tpu.memory_space<vmem>>, vector<16xf32>,
      tpu.vector_store %arg9[%swap3A_427, %swap3A_428], %gather3A_426 {strides = array<i32>} : memref<512x16xf32, #tpu.memory_space<vmem>>, vector<16xf32>,
      %mul3A_430 = arith.mulf %gather3A_426, %gather3A_426 : vector<16xf32>
      %add3A_431 = arith.addf %add3A_396, %mul3A_430 : vector<16xf32>
      %slice3A_432 = vector.extract_strided_slice %get3A_294 {offsets = [12], sizes = [1], strides = [1]} : vector<16xi32> to vector<1xi32>
      %squeeze3A_433 = vector.extract %slice3A_432[0] : i32 from vector<1xi32>
      %shift_right_logical3A_434 = arith.constant 7 : i32
      %shift_right_logical3A_435 = arith.shrui %squeeze3A_433, %shift_right_logical3A_434 : i32
      %shift_left3A_436 = arith.constant 7 : i32
      %shift_left3A_437 = arith.shli %shift_right_logical3A_435, %shift_left3A_436 : i32
      %multiple_of3A_438 = tpu.assume_multiple %shift_left3A_437, 128 : i32
      %dma_start3A_439 = arith.constant 3 : i32
      %dma_start3A_440 = arith.constant 0 : i32
      %dma_start3A_441 = arith.constant 0 : i32
      %dma_start3A_442 = arith.constant 0 : i32
      %dma_start3A_443 = tpu.memref_slice %arg8[%dma_start3A_439, %dma_start3A_440, %dma_start3A_441, %dma_start3A_442] : memref<4x4x16x128xf32, #tpu.memory_space<vmem>> -> memref<1x1x16x128xf32, #tpu.memory_space<vmem>>
      %dma_start3A_444 = tpu.memref_squeeze %dma_start3A_443 : memref<1x1x16x128xf32, #tpu.memory_space<vmem>> -> memref<16x128xf32, #tpu.memory_space<vmem>>
      %dma_start3A_445 = arith.constant 0 : i32
      %dma_start3A_446 = tpu.memref_slice %arg3[%dma_start3A_445, %multiple_of3A_438] : memref<32x1000000xf32, #tpu.memory_space<hbm>> -> memref<32x128xf32, #tpu.memory_space<hbm>>
      %dma_start3A_447 = arith.constant 0 : i32
      %dma_start3A_448 = arith.constant 0 : i32
      %dma_start3A_449 = tpu.memref_slice %dma_start3A_446[%dma_start3A_447, %dma_start3A_448] : memref<32x128xf32, #tpu.memory_space<hbm>> -> memref<32x128xf32, #tpu.memory_space<hbm>>
      tpu.enqueue_indirect_dma source(%dma_start3A_449 : memref<32x128xf32, #tpu.memory_space<hbm>>) target(%dma_start3A_444 : memref<16x128xf32, #tpu.memory_space<vmem>>) offsets(%arg7 : memref<16xi32, #tpu.memory_space<vmem>>) semaphore(%arg15 : memref<!tpu.dma_semaphore, #tpu.memory_space<semaphore_mem>>)
      %slice3A_450 = vector.extract_strided_slice %get3A_294 {offsets = [13], sizes = [1], strides = [1]} : vector<16xi32> to vector<1xi32>
      %squeeze3A_451 = vector.extract %slice3A_450[0] : i32 from vector<1xi32>
      %shift_right_logical3A_452 = arith.constant 7 : i32
      %shift_right_logical3A_453 = arith.shrui %squeeze3A_451, %shift_right_logical3A_452 : i32
      %shift_left3A_454 = arith.constant 7 : i32
      %shift_left3A_455 = arith.shli %shift_right_logical3A_453, %shift_left3A_454 : i32
      %multiple_of3A_456 = tpu.assume_multiple %shift_left3A_455, 128 : i32
      %dma_start3A_457 = arith.constant 3 : i32
      %dma_start3A_458 = arith.constant 1 : i32
      %dma_start3A_459 = arith.constant 0 : i32
      %dma_start3A_460 = arith.constant 0 : i32
      %dma_start3A_461 = tpu.memref_slice %arg8[%dma_start3A_457, %dma_start3A_458, %dma_start3A_459, %dma_start3A_460] : memref<4x4x16x128xf32, #tpu.memory_space<vmem>> -> memref<1x1x16x128xf32, #tpu.memory_space<vmem>>
      %dma_start3A_462 = tpu.memref_squeeze %dma_start3A_461 : memref<1x1x16x128xf32, #tpu.memory_space<vmem>> -> memref<16x128xf32, #tpu.memory_space<vmem>>
      %dma_start3A_463 = arith.constant 0 : i32
      %dma_start3A_464 = tpu.memref_slice %arg3[%dma_start3A_463, %multiple_of3A_456] : memref<32x1000000xf32, #tpu.memory_space<hbm>> -> memref<32x128xf32, #tpu.memory_space<hbm>>
      %dma_start3A_465 = arith.constant 0 : i32
      %dma_start3A_466 = arith.constant 0 : i32
      %dma_start3A_467 = tpu.memref_slice %dma_start3A_464[%dma_start3A_465, %dma_start3A_466] : memref<32x128xf32, #tpu.memory_space<hbm>> -> memref<32x128xf32, #tpu.memory_space<hbm>>
      tpu.enqueue_indirect_dma source(%dma_start3A_467 : memref<32x128xf32, #tpu.memory_space<hbm>>) target(%dma_start3A_462 : memref<16x128xf32, #tpu.memory_space<vmem>>) offsets(%arg7 : memref<16xi32, #tpu.memory_space<vmem>>) semaphore(%arg15 : memref<!tpu.dma_semaphore, #tpu.memory_space<semaphore_mem>>)
      %slice3A_468 = vector.extract_strided_slice %get3A_294 {offsets = [14], sizes = [1], strides = [1]} : vector<16xi32> to vector<1xi32>
      %squeeze3A_469 = vector.extract %slice3A_468[0] : i32 from vector<1xi32>
      %shift_right_logical3A_470 = arith.constant 7 : i32
      %shift_right_logical3A_471 = arith.shrui %squeeze3A_469, %shift_right_logical3A_470 : i32
      %shift_left3A_472 = arith.constant 7 : i32
      %shift_left3A_473 = arith.shli %shift_right_logical3A_471, %shift_left3A_472 : i32
      %multiple_of3A_474 = tpu.assume_multiple %shift_left3A_473, 128 : i32
      %dma_start3A_475 = arith.constant 3 : i32
      %dma_start3A_476 = arith.constant 2 : i32
      %dma_start3A_477 = arith.constant 0 : i32
      %dma_start3A_478 = arith.constant 0 : i32
      %dma_start3A_479 = tpu.memref_slice %arg8[%dma_start3A_475, %dma_start3A_476, %dma_start3A_477, %dma_start3A_478] : memref<4x4x16x128xf32, #tpu.memory_space<vmem>> -> memref<1x1x16x128xf32, #tpu.memory_space<vmem>>
      %dma_start3A_480 = tpu.memref_squeeze %dma_start3A_479 : memref<1x1x16x128xf32, #tpu.memory_space<vmem>> -> memref<16x128xf32, #tpu.memory_space<vmem>>
      %dma_start3A_481 = arith.constant 0 : i32
      %dma_start3A_482 = tpu.memref_slice %arg3[%dma_start3A_481, %multiple_of3A_474] : memref<32x1000000xf32, #tpu.memory_space<hbm>> -> memref<32x128xf32, #tpu.memory_space<hbm>>
      %dma_start3A_483 = arith.constant 0 : i32
      %dma_start3A_484 = arith.constant 0 : i32
      %dma_start3A_485 = tpu.memref_slice %dma_start3A_482[%dma_start3A_483, %dma_start3A_484] : memref<32x128xf32, #tpu.memory_space<hbm>> -> memref<32x128xf32, #tpu.memory_space<hbm>>
      tpu.enqueue_indirect_dma source(%dma_start3A_485 : memref<32x128xf32, #tpu.memory_space<hbm>>) target(%dma_start3A_480 : memref<16x128xf32, #tpu.memory_space<vmem>>) offsets(%arg7 : memref<16xi32, #tpu.memory_space<vmem>>) semaphore(%arg15 : memref<!tpu.dma_semaphore, #tpu.memory_space<semaphore_mem>>)
      %slice3A_486 = vector.extract_strided_slice %get3A_294 {offsets = [15], sizes = [1], strides = [1]} : vector<16xi32> to vector<1xi32>
      %squeeze3A_487 = vector.extract %slice3A_486[0] : i32 from vector<1xi32>
      %shift_right_logical3A_488 = arith.constant 7 : i32
      %shift_right_logical3A_489 = arith.shrui %squeeze3A_487, %shift_right_logical3A_488 : i32
      %shift_left3A_490 = arith.constant 7 : i32
      %shift_left3A_491 = arith.shli %shift_right_logical3A_489, %shift_left3A_490 : i32
      %multiple_of3A_492 = tpu.assume_multiple %shift_left3A_491, 128 : i32
      %dma_start3A_493 = arith.constant 3 : i32
      %dma_start3A_494 = arith.constant 3 : i32
      %dma_start3A_495 = arith.constant 0 : i32
      %dma_start3A_496 = arith.constant 0 : i32
      %dma_start3A_497 = tpu.memref_slice %arg8[%dma_start3A_493, %dma_start3A_494, %dma_start3A_495, %dma_start3A_496] : memref<4x4x16x128xf32, #tpu.memory_space<vmem>> -> memref<1x1x16x128xf32, #tpu.memory_space<vmem>>
      %dma_start3A_498 = tpu.memref_squeeze %dma_start3A_497 : memref<1x1x16x128xf32, #tpu.memory_space<vmem>> -> memref<16x128xf32, #tpu.memory_space<vmem>>
      %dma_start3A_499 = arith.constant 0 : i32
      %dma_start3A_500 = tpu.memref_slice %arg3[%dma_start3A_499, %multiple_of3A_492] : memref<32x1000000xf32, #tpu.memory_space<hbm>> -> memref<32x128xf32, #tpu.memory_space<hbm>>
      %dma_start3A_501 = arith.constant 0 : i32
      %dma_start3A_502 = arith.constant 0 : i32
      %dma_start3A_503 = tpu.memref_slice %dma_start3A_500[%dma_start3A_501, %dma_start3A_502] : memref<32x128xf32, #tpu.memory_space<hbm>> -> memref<32x128xf32, #tpu.memory_space<hbm>>
      tpu.enqueue_indirect_dma source(%dma_start3A_503 : memref<32x128xf32, #tpu.memory_space<hbm>>) target(%dma_start3A_498 : memref<16x128xf32, #tpu.memory_space<vmem>>) offsets(%arg7 : memref<16xi32, #tpu.memory_space<vmem>>) semaphore(%arg15 : memref<!tpu.dma_semaphore, #tpu.memory_space<semaphore_mem>>)
      %add3A_504 = arith.constant 1 : i32
      %add3A_505 = arith.addi %mul3A_290, %add3A_504 : i32
      %mul3A_506 = arith.constant 4 : i32
      %mul3A_507 = arith.muli %add3A_505, %mul3A_506 : i32
      %add3A_508 = arith.constant 0 : i32
      %add3A_509 = arith.addi %mul3A_507, %add3A_508 : i32
      %slice3A_510 = vector.extract_strided_slice %get3A_294 {offsets = [4], sizes = [1], strides = [1]} : vector<16xi32> to vector<1xi32>
      %squeeze3A_511 = vector.extract %slice3A_510[0] : i32 from vector<1xi32>
      %shift_right_logical3A_512 = arith.constant 7 : i32
      %shift_right_logical3A_513 = arith.shrui %squeeze3A_511, %shift_right_logical3A_512 : i32
      %shift_left3A_514 = arith.constant 7 : i32
      %shift_left3A_515 = arith.shli %shift_right_logical3A_513, %shift_left3A_514 : i32
      %multiple_of3A_516 = tpu.assume_multiple %shift_left3A_515, 128 : i32
      %dma_wait3A_517 = arith.constant 1 : i32
      %dma_wait3A_518 = arith.constant 0 : i32
      %dma_wait3A_519 = arith.constant 0 : i32
      %dma_wait3A_520 = arith.constant 0 : i32
      %dma_wait3A_521 = tpu.memref_slice %arg8[%dma_wait3A_517, %dma_wait3A_518, %dma_wait3A_519, %dma_wait3A_520] : memref<4x4x16x128xf32, #tpu.memory_space<vmem>> -> memref<1x1x16x128xf32, #tpu.memory_space<vmem>>
      %dma_wait3A_522 = tpu.memref_squeeze %dma_wait3A_521 : memref<1x1x16x128xf32, #tpu.memory_space<vmem>> -> memref<16x128xf32, #tpu.memory_space<vmem>>
      %dma_wait3A_523 = arith.constant 0 : i32
      %dma_wait3A_524 = tpu.memref_slice %arg3[%dma_wait3A_523, %multiple_of3A_516] : memref<32x1000000xf32, #tpu.memory_space<hbm>> -> memref<32x128xf32, #tpu.memory_space<hbm>>
      %dma_wait3A_525 = arith.constant 0 : i32
      %dma_wait3A_526 = arith.constant 0 : i32
      %dma_wait3A_527 = tpu.memref_slice %dma_wait3A_524[%dma_wait3A_525, %dma_wait3A_526] : memref<32x128xf32, #tpu.memory_space<hbm>> -> memref<32x128xf32, #tpu.memory_space<hbm>>
      tpu.wait_indirect_dma semaphore(%arg13 : memref<!tpu.dma_semaphore, #tpu.memory_space<semaphore_mem>>) src(%dma_wait3A_527 : memref<32x128xf32, #tpu.memory_space<hbm>>) dst(%dma_wait3A_522 : memref<16x128xf32, #tpu.memory_space<vmem>>)
      %and3A_528 = arith.constant 127 : i32
      %and3A_529 = arith.andi %squeeze3A_511, %and3A_528 : i32
      %broadcast_in_dim3A_530 = vector.broadcast %and3A_529 : i32 to vector<16xi32>
      %broadcast_in_dim3A_531 = arith.constant 1 : i32
      %broadcast_in_dim3A_532 = vector.broadcast %broadcast_in_dim3A_531 : i32 to vector<16xi32>
      %broadcast_in_dim3A_533 = arith.constant 0 : i32
      %broadcast_in_dim3A_534 = vector.broadcast %broadcast_in_dim3A_533 : i32 to vector<16xi32>
      %gather3A_535 = tpu.vector_load_idx %arg8[%broadcast_in_dim3A_532, %broadcast_in_dim3A_534, %iota3A, %broadcast_in_dim3A_530] : memref<4x4x16x128xf32, #tpu.memory_space<vmem>>[vector<16xi32>, vector<16xi32>, vector<16xi32>, vector<16xi32>], vector<16xf32>,
      %swap3A_536 = arith.index_cast %add3A_509 : i32 to index
      %swap3A_537 = arith.constant 0 : index
      %swap3A_538 = tpu.vector_load %arg9[%swap3A_536, %swap3A_537] {strides = array<i32>} : memref<512x16xf32, #tpu.memory_space<vmem>>, vector<16xf32>,
      tpu.vector_store %arg9[%swap3A_536, %swap3A_537], %gather3A_535 {strides = array<i32>} : memref<512x16xf32, #tpu.memory_space<vmem>>, vector<16xf32>,
      %mul3A_539 = arith.mulf %gather3A_535, %gather3A_535 : vector<16xf32>
      %add3A_540 = arith.addf %add3A_431, %mul3A_539 : vector<16xf32>
      %mul3A_541 = arith.constant 4 : i32
      %mul3A_542 = arith.muli %add3A_505, %mul3A_541 : i32
      %add3A_543 = arith.constant 1 : i32
      %add3A_544 = arith.addi %mul3A_542, %add3A_543 : i32
      %slice3A_545 = vector.extract_strided_slice %get3A_294 {offsets = [5], sizes = [1], strides = [1]} : vector<16xi32> to vector<1xi32>
      %squeeze3A_546 = vector.extract %slice3A_545[0] : i32 from vector<1xi32>
      %shift_right_logical3A_547 = arith.constant 7 : i32
      %shift_right_logical3A_548 = arith.shrui %squeeze3A_546, %shift_right_logical3A_547 : i32
      %shift_left3A_549 = arith.constant 7 : i32
      %shift_left3A_550 = arith.shli %shift_right_logical3A_548, %shift_left3A_549 : i32
      %multiple_of3A_551 = tpu.assume_multiple %shift_left3A_550, 128 : i32
      %dma_wait3A_552 = arith.constant 1 : i32
      %dma_wait3A_553 = arith.constant 1 : i32
      %dma_wait3A_554 = arith.constant 0 : i32
      %dma_wait3A_555 = arith.constant 0 : i32
      %dma_wait3A_556 = tpu.memref_slice %arg8[%dma_wait3A_552, %dma_wait3A_553, %dma_wait3A_554, %dma_wait3A_555] : memref<4x4x16x128xf32, #tpu.memory_space<vmem>> -> memref<1x1x16x128xf32, #tpu.memory_space<vmem>>
      %dma_wait3A_557 = tpu.memref_squeeze %dma_wait3A_556 : memref<1x1x16x128xf32, #tpu.memory_space<vmem>> -> memref<16x128xf32, #tpu.memory_space<vmem>>
      %dma_wait3A_558 = arith.constant 0 : i32
      %dma_wait3A_559 = tpu.memref_slice %arg3[%dma_wait3A_558, %multiple_of3A_551] : memref<32x1000000xf32, #tpu.memory_space<hbm>> -> memref<32x128xf32, #tpu.memory_space<hbm>>
      %dma_wait3A_560 = arith.constant 0 : i32
      %dma_wait3A_561 = arith.constant 0 : i32
      %dma_wait3A_562 = tpu.memref_slice %dma_wait3A_559[%dma_wait3A_560, %dma_wait3A_561] : memref<32x128xf32, #tpu.memory_space<hbm>> -> memref<32x128xf32, #tpu.memory_space<hbm>>
      tpu.wait_indirect_dma semaphore(%arg13 : memref<!tpu.dma_semaphore, #tpu.memory_space<semaphore_mem>>) src(%dma_wait3A_562 : memref<32x128xf32, #tpu.memory_space<hbm>>) dst(%dma_wait3A_557 : memref<16x128xf32, #tpu.memory_space<vmem>>)
      %and3A_563 = arith.constant 127 : i32
      %and3A_564 = arith.andi %squeeze3A_546, %and3A_563 : i32
      %broadcast_in_dim3A_565 = vector.broadcast %and3A_564 : i32 to vector<16xi32>
      %broadcast_in_dim3A_566 = arith.constant 1 : i32
      %broadcast_in_dim3A_567 = vector.broadcast %broadcast_in_dim3A_566 : i32 to vector<16xi32>
      %broadcast_in_dim3A_568 = arith.constant 1 : i32
      %broadcast_in_dim3A_569 = vector.broadcast %broadcast_in_dim3A_568 : i32 to vector<16xi32>
      %gather3A_570 = tpu.vector_load_idx %arg8[%broadcast_in_dim3A_567, %broadcast_in_dim3A_569, %iota3A, %broadcast_in_dim3A_565] : memref<4x4x16x128xf32, #tpu.memory_space<vmem>>[vector<16xi32>, vector<16xi32>, vector<16xi32>, vector<16xi32>], vector<16xf32>,
      %swap3A_571 = arith.index_cast %add3A_544 : i32 to index
      %swap3A_572 = arith.constant 0 : index
      %swap3A_573 = tpu.vector_load %arg9[%swap3A_571, %swap3A_572] {strides = array<i32>} : memref<512x16xf32, #tpu.memory_space<vmem>>, vector<16xf32>,
      tpu.vector_store %arg9[%swap3A_571, %swap3A_572], %gather3A_570 {strides = array<i32>} : memref<512x16xf32, #tpu.memory_space<vmem>>, vector<16xf32>,
      %mul3A_574 = arith.mulf %gather3A_570, %gather3A_570 : vector<16xf32>
      %add3A_575 = arith.addf %add3A_540, %mul3A_574 : vector<16xf32>
      %mul3A_576 = arith.constant 4 : i32
      %mul3A_577 = arith.muli %add3A_505, %mul3A_576 : i32
      %add3A_578 = arith.constant 2 : i32
      %add3A_579 = arith.addi %mul3A_577, %add3A_578 : i32
      %slice3A_580 = vector.extract_strided_slice %get3A_294 {offsets = [6], sizes = [1], strides = [1]} : vector<16xi32> to vector<1xi32>
      %squeeze3A_581 = vector.extract %slice3A_580[0] : i32 from vector<1xi32>
      %shift_right_logical3A_582 = arith.constant 7 : i32
      %shift_right_logical3A_583 = arith.shrui %squeeze3A_581, %shift_right_logical3A_582 : i32
      %shift_left3A_584 = arith.constant 7 : i32
      %shift_left3A_585 = arith.shli %shift_right_logical3A_583, %shift_left3A_584 : i32
      %multiple_of3A_586 = tpu.assume_multiple %shift_left3A_585, 128 : i32
      %dma_wait3A_587 = arith.constant 1 : i32
      %dma_wait3A_588 = arith.constant 2 : i32
      %dma_wait3A_589 = arith.constant 0 : i32
      %dma_wait3A_590 = arith.constant 0 : i32
      %dma_wait3A_591 = tpu.memref_slice %arg8[%dma_wait3A_587, %dma_wait3A_588, %dma_wait3A_589, %dma_wait3A_590] : memref<4x4x16x128xf32, #tpu.memory_space<vmem>> -> memref<1x1x16x128xf32, #tpu.memory_space<vmem>>
      %dma_wait3A_592 = tpu.memref_squeeze %dma_wait3A_591 : memref<1x1x16x128xf32, #tpu.memory_space<vmem>> -> memref<16x128xf32, #tpu.memory_space<vmem>>
      %dma_wait3A_593 = arith.constant 0 : i32
      %dma_wait3A_594 = tpu.memref_slice %arg3[%dma_wait3A_593, %multiple_of3A_586] : memref<32x1000000xf32, #tpu.memory_space<hbm>> -> memref<32x128xf32, #tpu.memory_space<hbm>>
      %dma_wait3A_595 = arith.constant 0 : i32
      %dma_wait3A_596 = arith.constant 0 : i32
      %dma_wait3A_597 = tpu.memref_slice %dma_wait3A_594[%dma_wait3A_595, %dma_wait3A_596] : memref<32x128xf32, #tpu.memory_space<hbm>> -> memref<32x128xf32, #tpu.memory_space<hbm>>
      tpu.wait_indirect_dma semaphore(%arg13 : memref<!tpu.dma_semaphore, #tpu.memory_space<semaphore_mem>>) src(%dma_wait3A_597 : memref<32x128xf32, #tpu.memory_space<hbm>>) dst(%dma_wait3A_592 : memref<16x128xf32, #tpu.memory_space<vmem>>)
      %and3A_598 = arith.constant 127 : i32
      %and3A_599 = arith.andi %squeeze3A_581, %and3A_598 : i32
      %broadcast_in_dim3A_600 = vector.broadcast %and3A_599 : i32 to vector<16xi32>
      %broadcast_in_dim3A_601 = arith.constant 1 : i32
      %broadcast_in_dim3A_602 = vector.broadcast %broadcast_in_dim3A_601 : i32 to vector<16xi32>
      %broadcast_in_dim3A_603 = arith.constant 2 : i32
      %broadcast_in_dim3A_604 = vector.broadcast %broadcast_in_dim3A_603 : i32 to vector<16xi32>
      %gather3A_605 = tpu.vector_load_idx %arg8[%broadcast_in_dim3A_602, %broadcast_in_dim3A_604, %iota3A, %broadcast_in_dim3A_600] : memref<4x4x16x128xf32, #tpu.memory_space<vmem>>[vector<16xi32>, vector<16xi32>, vector<16xi32>, vector<16xi32>], vector<16xf32>,
      %swap3A_606 = arith.index_cast %add3A_579 : i32 to index
      %swap3A_607 = arith.constant 0 : index
      %swap3A_608 = tpu.vector_load %arg9[%swap3A_606, %swap3A_607] {strides = array<i32>} : memref<512x16xf32, #tpu.memory_space<vmem>>, vector<16xf32>,
      tpu.vector_store %arg9[%swap3A_606, %swap3A_607], %gather3A_605 {strides = array<i32>} : memref<512x16xf32, #tpu.memory_space<vmem>>, vector<16xf32>,
      %mul3A_609 = arith.mulf %gather3A_605, %gather3A_605 : vector<16xf32>
      %add3A_610 = arith.addf %add3A_575, %mul3A_609 : vector<16xf32>
      %mul3A_611 = arith.constant 4 : i32
      %mul3A_612 = arith.muli %add3A_505, %mul3A_611 : i32
      %add3A_613 = arith.constant 3 : i32
      %add3A_614 = arith.addi %mul3A_612, %add3A_613 : i32
      %slice3A_615 = vector.extract_strided_slice %get3A_294 {offsets = [7], sizes = [1], strides = [1]} : vector<16xi32> to vector<1xi32>
      %squeeze3A_616 = vector.extract %slice3A_615[0] : i32 from vector<1xi32>
      %shift_right_logical3A_617 = arith.constant 7 : i32
      %shift_right_logical3A_618 = arith.shrui %squeeze3A_616, %shift_right_logical3A_617 : i32
      %shift_left3A_619 = arith.constant 7 : i32
      %shift_left3A_620 = arith.shli %shift_right_logical3A_618, %shift_left3A_619 : i32
      %multiple_of3A_621 = tpu.assume_multiple %shift_left3A_620, 128 : i32
      %dma_wait3A_622 = arith.constant 1 : i32
      %dma_wait3A_623 = arith.constant 3 : i32
      %dma_wait3A_624 = arith.constant 0 : i32
      %dma_wait3A_625 = arith.constant 0 : i32
      %dma_wait3A_626 = tpu.memref_slice %arg8[%dma_wait3A_622, %dma_wait3A_623, %dma_wait3A_624, %dma_wait3A_625] : memref<4x4x16x128xf32, #tpu.memory_space<vmem>> -> memref<1x1x16x128xf32, #tpu.memory_space<vmem>>
      %dma_wait3A_627 = tpu.memref_squeeze %dma_wait3A_626 : memref<1x1x16x128xf32, #tpu.memory_space<vmem>> -> memref<16x128xf32, #tpu.memory_space<vmem>>
      %dma_wait3A_628 = arith.constant 0 : i32
      %dma_wait3A_629 = tpu.memref_slice %arg3[%dma_wait3A_628, %multiple_of3A_621] : memref<32x1000000xf32, #tpu.memory_space<hbm>> -> memref<32x128xf32, #tpu.memory_space<hbm>>
      %dma_wait3A_630 = arith.constant 0 : i32
      %dma_wait3A_631 = arith.constant 0 : i32
      %dma_wait3A_632 = tpu.memref_slice %dma_wait3A_629[%dma_wait3A_630, %dma_wait3A_631] : memref<32x128xf32, #tpu.memory_space<hbm>> -> memref<32x128xf32, #tpu.memory_space<hbm>>
      tpu.wait_indirect_dma semaphore(%arg13 : memref<!tpu.dma_semaphore, #tpu.memory_space<semaphore_mem>>) src(%dma_wait3A_632 : memref<32x128xf32, #tpu.memory_space<hbm>>) dst(%dma_wait3A_627 : memref<16x128xf32, #tpu.memory_space<vmem>>)
      %and3A_633 = arith.constant 127 : i32
      %and3A_634 = arith.andi %squeeze3A_616, %and3A_633 : i32
      %broadcast_in_dim3A_635 = vector.broadcast %and3A_634 : i32 to vector<16xi32>
      %broadcast_in_dim3A_636 = arith.constant 1 : i32
      %broadcast_in_dim3A_637 = vector.broadcast %broadcast_in_dim3A_636 : i32 to vector<16xi32>
      %broadcast_in_dim3A_638 = arith.constant 3 : i32
      %broadcast_in_dim3A_639 = vector.broadcast %broadcast_in_dim3A_638 : i32 to vector<16xi32>
      %gather3A_640 = tpu.vector_load_idx %arg8[%broadcast_in_dim3A_637, %broadcast_in_dim3A_639, %iota3A, %broadcast_in_dim3A_635] : memref<4x4x16x128xf32, #tpu.memory_space<vmem>>[vector<16xi32>, vector<16xi32>, vector<16xi32>, vector<16xi32>], vector<16xf32>,
      %swap3A_641 = arith.index_cast %add3A_614 : i32 to index
      %swap3A_642 = arith.constant 0 : index
      %swap3A_643 = tpu.vector_load %arg9[%swap3A_641, %swap3A_642] {strides = array<i32>} : memref<512x16xf32, #tpu.memory_space<vmem>>, vector<16xf32>,
      tpu.vector_store %arg9[%swap3A_641, %swap3A_642], %gather3A_640 {strides = array<i32>} : memref<512x16xf32, #tpu.memory_space<vmem>>, vector<16xf32>,
      %mul3A_644 = arith.mulf %gather3A_640, %gather3A_640 : vector<16xf32>
      %add3A_645 = arith.addf %add3A_610, %mul3A_644 : vector<16xf32>
      %add3A_646 = arith.constant 1 : i32
      %add3A_647 = arith.addi %scan3A_287, %add3A_646 : i32
      %lt3A = arith.constant 32 : i32
      %lt3A_648 = arith.cmpi slt, %add3A_647, %lt3A : i32
      %convert_element_type3A = arith.extui %lt3A_648 : i1 to i32
      %cond3A = arith.constant 0 : i32
      %cond3A_649 = arith.cmpi ne, %convert_element_type3A, %cond3A : i32
      scf.if %cond3A_649 {
        %add3A_948 = arith.constant 1 : i32
        %add3A_949 = arith.addi %scan3A_287, %add3A_948 : i32
        %mul3A_950 = arith.constant 16 : i32
        %mul3A_951 = arith.muli %mul3A_950, %add3A_949 : i32
        %get3A_952 = arith.index_cast %mul3A_951 : i32 to index
        %get3A_953 = tpu.vector_load %arg6[%get3A_952] {strides = array<i32>} : memref<512xi32, #tpu.memory_space<vmem>>, vector<16xi32>,
        %slice3A_954 = vector.extract_strided_slice %get3A_953 {offsets = [0], sizes = [1], strides = [1]} : vector<16xi32> to vector<1xi32>
        %squeeze3A_955 = vector.extract %slice3A_954[0] : i32 from vector<1xi32>
        %shift_right_logical3A_956 = arith.constant 7 : i32
        %shift_right_logical3A_957 = arith.shrui %squeeze3A_955, %shift_right_logical3A_956 : i32
        %shift_left3A_958 = arith.constant 7 : i32
        %shift_left3A_959 = arith.shli %shift_right_logical3A_957, %shift_left3A_958 : i32
        %multiple_of3A_960 = tpu.assume_multiple %shift_left3A_959, 128 : i32
        %dma_start3A_961 = arith.constant 0 : i32
        %dma_start3A_962 = arith.constant 0 : i32
        %dma_start3A_963 = arith.constant 0 : i32
        %dma_start3A_964 = arith.constant 0 : i32
        %dma_start3A_965 = tpu.memref_slice %arg8[%dma_start3A_961, %dma_start3A_962, %dma_start3A_963, %dma_start3A_964] : memref<4x4x16x128xf32, #tpu.memory_space<vmem>> -> memref<1x1x16x128xf32, #tpu.memory_space<vmem>>
        %dma_start3A_966 = tpu.memref_squeeze %dma_start3A_965 : memref<1x1x16x128xf32, #tpu.memory_space<vmem>> -> memref<16x128xf32, #tpu.memory_space<vmem>>
        %dma_start3A_967 = arith.constant 0 : i32
        %dma_start3A_968 = tpu.memref_slice %arg3[%dma_start3A_967, %multiple_of3A_960] : memref<32x1000000xf32, #tpu.memory_space<hbm>> -> memref<32x128xf32, #tpu.memory_space<hbm>>
        %dma_start3A_969 = arith.constant 0 : i32
        %dma_start3A_970 = arith.constant 0 : i32
        %dma_start3A_971 = tpu.memref_slice %dma_start3A_968[%dma_start3A_969, %dma_start3A_970] : memref<32x128xf32, #tpu.memory_space<hbm>> -> memref<32x128xf32, #tpu.memory_space<hbm>>
        tpu.enqueue_indirect_dma source(%dma_start3A_971 : memref<32x128xf32, #tpu.memory_space<hbm>>) target(%dma_start3A_966 : memref<16x128xf32, #tpu.memory_space<vmem>>) offsets(%arg7 : memref<16xi32, #tpu.memory_space<vmem>>) semaphore(%arg12 : memref<!tpu.dma_semaphore, #tpu.memory_space<semaphore_mem>>)
        %slice3A_972 = vector.extract_strided_slice %get3A_953 {offsets = [1], sizes = [1], strides = [1]} : vector<16xi32> to vector<1xi32>
        %squeeze3A_973 = vector.extract %slice3A_972[0] : i32 from vector<1xi32>
        %shift_right_logical3A_974 = arith.constant 7 : i32
        %shift_right_logical3A_975 = arith.shrui %squeeze3A_973, %shift_right_logical3A_974 : i32
        %shift_left3A_976 = arith.constant 7 : i32
        %shift_left3A_977 = arith.shli %shift_right_logical3A_975, %shift_left3A_976 : i32
        %multiple_of3A_978 = tpu.assume_multiple %shift_left3A_977, 128 : i32
        %dma_start3A_979 = arith.constant 0 : i32
        %dma_start3A_980 = arith.constant 1 : i32
        %dma_start3A_981 = arith.constant 0 : i32
        %dma_start3A_982 = arith.constant 0 : i32
        %dma_start3A_983 = tpu.memref_slice %arg8[%dma_start3A_979, %dma_start3A_980, %dma_start3A_981, %dma_start3A_982] : memref<4x4x16x128xf32, #tpu.memory_space<vmem>> -> memref<1x1x16x128xf32, #tpu.memory_space<vmem>>
        %dma_start3A_984 = tpu.memref_squeeze %dma_start3A_983 : memref<1x1x16x128xf32, #tpu.memory_space<vmem>> -> memref<16x128xf32, #tpu.memory_space<vmem>>
        %dma_start3A_985 = arith.constant 0 : i32
        %dma_start3A_986 = tpu.memref_slice %arg3[%dma_start3A_985, %multiple_of3A_978] : memref<32x1000000xf32, #tpu.memory_space<hbm>> -> memref<32x128xf32, #tpu.memory_space<hbm>>
        %dma_start3A_987 = arith.constant 0 : i32
        %dma_start3A_988 = arith.constant 0 : i32
        %dma_start3A_989 = tpu.memref_slice %dma_start3A_986[%dma_start3A_987, %dma_start3A_988] : memref<32x128xf32, #tpu.memory_space<hbm>> -> memref<32x128xf32, #tpu.memory_space<hbm>>
        tpu.enqueue_indirect_dma source(%dma_start3A_989 : memref<32x128xf32, #tpu.memory_space<hbm>>) target(%dma_start3A_984 : memref<16x128xf32, #tpu.memory_space<vmem>>) offsets(%arg7 : memref<16xi32, #tpu.memory_space<vmem>>) semaphore(%arg12 : memref<!tpu.dma_semaphore, #tpu.memory_space<semaphore_mem>>)
        %slice3A_990 = vector.extract_strided_slice %get3A_953 {offsets = [2], sizes = [1], strides = [1]} : vector<16xi32> to vector<1xi32>
        %squeeze3A_991 = vector.extract %slice3A_990[0] : i32 from vector<1xi32>
        %shift_right_logical3A_992 = arith.constant 7 : i32
        %shift_right_logical3A_993 = arith.shrui %squeeze3A_991, %shift_right_logical3A_992 : i32
        %shift_left3A_994 = arith.constant 7 : i32
        %shift_left3A_995 = arith.shli %shift_right_logical3A_993, %shift_left3A_994 : i32
        %multiple_of3A_996 = tpu.assume_multiple %shift_left3A_995, 128 : i32
        %dma_start3A_997 = arith.constant 0 : i32
        %dma_start3A_998 = arith.constant 2 : i32
        %dma_start3A_999 = arith.constant 0 : i32
        %dma_start3A_1000 = arith.constant 0 : i32
        %dma_start3A_1001 = tpu.memref_slice %arg8[%dma_start3A_997, %dma_start3A_998, %dma_start3A_999, %dma_start3A_1000] : memref<4x4x16x128xf32, #tpu.memory_space<vmem>> -> memref<1x1x16x128xf32, #tpu.memory_space<vmem>>
        %dma_start3A_1002 = tpu.memref_squeeze %dma_start3A_1001 : memref<1x1x16x128xf32, #tpu.memory_space<vmem>> -> memref<16x128xf32, #tpu.memory_space<vmem>>
        %dma_start3A_1003 = arith.constant 0 : i32
        %dma_start3A_1004 = tpu.memref_slice %arg3[%dma_start3A_1003, %multiple_of3A_996] : memref<32x1000000xf32, #tpu.memory_space<hbm>> -> memref<32x128xf32, #tpu.memory_space<hbm>>
        %dma_start3A_1005 = arith.constant 0 : i32
        %dma_start3A_1006 = arith.constant 0 : i32
        %dma_start3A_1007 = tpu.memref_slice %dma_start3A_1004[%dma_start3A_1005, %dma_start3A_1006] : memref<32x128xf32, #tpu.memory_space<hbm>> -> memref<32x128xf32, #tpu.memory_space<hbm>>
        tpu.enqueue_indirect_dma source(%dma_start3A_1007 : memref<32x128xf32, #tpu.memory_space<hbm>>) target(%dma_start3A_1002 : memref<16x128xf32, #tpu.memory_space<vmem>>) offsets(%arg7 : memref<16xi32, #tpu.memory_space<vmem>>) semaphore(%arg12 : memref<!tpu.dma_semaphore, #tpu.memory_space<semaphore_mem>>)
        %slice3A_1008 = vector.extract_strided_slice %get3A_953 {offsets = [3], sizes = [1], strides = [1]} : vector<16xi32> to vector<1xi32>
        %squeeze3A_1009 = vector.extract %slice3A_1008[0] : i32 from vector<1xi32>
        %shift_right_logical3A_1010 = arith.constant 7 : i32
        %shift_right_logical3A_1011 = arith.shrui %squeeze3A_1009, %shift_right_logical3A_1010 : i32
        %shift_left3A_1012 = arith.constant 7 : i32
        %shift_left3A_1013 = arith.shli %shift_right_logical3A_1011, %shift_left3A_1012 : i32
        %multiple_of3A_1014 = tpu.assume_multiple %shift_left3A_1013, 128 : i32
        %dma_start3A_1015 = arith.constant 0 : i32
        %dma_start3A_1016 = arith.constant 3 : i32
        %dma_start3A_1017 = arith.constant 0 : i32
        %dma_start3A_1018 = arith.constant 0 : i32
        %dma_start3A_1019 = tpu.memref_slice %arg8[%dma_start3A_1015, %dma_start3A_1016, %dma_start3A_1017, %dma_start3A_1018] : memref<4x4x16x128xf32, #tpu.memory_space<vmem>> -> memref<1x1x16x128xf32, #tpu.memory_space<vmem>>
        %dma_start3A_1020 = tpu.memref_squeeze %dma_start3A_1019 : memref<1x1x16x128xf32, #tpu.memory_space<vmem>> -> memref<16x128xf32, #tpu.memory_space<vmem>>
        %dma_start3A_1021 = arith.constant 0 : i32
        %dma_start3A_1022 = tpu.memref_slice %arg3[%dma_start3A_1021, %multiple_of3A_1014] : memref<32x1000000xf32, #tpu.memory_space<hbm>> -> memref<32x128xf32, #tpu.memory_space<hbm>>
        %dma_start3A_1023 = arith.constant 0 : i32
        %dma_start3A_1024 = arith.constant 0 : i32
        %dma_start3A_1025 = tpu.memref_slice %dma_start3A_1022[%dma_start3A_1023, %dma_start3A_1024] : memref<32x128xf32, #tpu.memory_space<hbm>> -> memref<32x128xf32, #tpu.memory_space<hbm>>
        tpu.enqueue_indirect_dma source(%dma_start3A_1025 : memref<32x128xf32, #tpu.memory_space<hbm>>) target(%dma_start3A_1020 : memref<16x128xf32, #tpu.memory_space<vmem>>) offsets(%arg7 : memref<16xi32, #tpu.memory_space<vmem>>) semaphore(%arg12 : memref<!tpu.dma_semaphore, #tpu.memory_space<semaphore_mem>>)
      } else {
      }
      %add3A_650 = arith.constant 2 : i32
      %add3A_651 = arith.addi %mul3A_290, %add3A_650 : i32
      %mul3A_652 = arith.constant 4 : i32
      %mul3A_653 = arith.muli %add3A_651, %mul3A_652 : i32
      %add3A_654 = arith.constant 0 : i32
      %add3A_655 = arith.addi %mul3A_653, %add3A_654 : i32
      %slice3A_656 = vector.extract_strided_slice %get3A_294 {offsets = [8], sizes = [1], strides = [1]} : vector<16xi32> to vector<1xi32>
      %squeeze3A_657 = vector.extract %slice3A_656[0] : i32 from vector<1xi32>
      %shift_right_logical3A_658 = arith.constant 7 : i32
      %shift_right_logical3A_659 = arith.shrui %squeeze3A_657, %shift_right_logical3A_658 : i32
      %shift_left3A_660 = arith.constant 7 : i32
      %shift_left3A_661 = arith.shli %shift_right_logical3A_659, %shift_left3A_660 : i32
      %multiple_of3A_662 = tpu.assume_multiple %shift_left3A_661, 128 : i32
      %dma_wait3A_663 = arith.constant 2 : i32
      %dma_wait3A_664 = arith.constant 0 : i32
      %dma_wait3A_665 = arith.constant 0 : i32
      %dma_wait3A_666 = arith.constant 0 : i32
      %dma_wait3A_667 = tpu.memref_slice %arg8[%dma_wait3A_663, %dma_wait3A_664, %dma_wait3A_665, %dma_wait3A_666] : memref<4x4x16x128xf32, #tpu.memory_space<vmem>> -> memref<1x1x16x128xf32, #tpu.memory_space<vmem>>
      %dma_wait3A_668 = tpu.memref_squeeze %dma_wait3A_667 : memref<1x1x16x128xf32, #tpu.memory_space<vmem>> -> memref<16x128xf32, #tpu.memory_space<vmem>>
      %dma_wait3A_669 = arith.constant 0 : i32
      %dma_wait3A_670 = tpu.memref_slice %arg3[%dma_wait3A_669, %multiple_of3A_662] : memref<32x1000000xf32, #tpu.memory_space<hbm>> -> memref<32x128xf32, #tpu.memory_space<hbm>>
      %dma_wait3A_671 = arith.constant 0 : i32
      %dma_wait3A_672 = arith.constant 0 : i32
      %dma_wait3A_673 = tpu.memref_slice %dma_wait3A_670[%dma_wait3A_671, %dma_wait3A_672] : memref<32x128xf32, #tpu.memory_space<hbm>> -> memref<32x128xf32, #tpu.memory_space<hbm>>
      tpu.wait_indirect_dma semaphore(%arg14 : memref<!tpu.dma_semaphore, #tpu.memory_space<semaphore_mem>>) src(%dma_wait3A_673 : memref<32x128xf32, #tpu.memory_space<hbm>>) dst(%dma_wait3A_668 : memref<16x128xf32, #tpu.memory_space<vmem>>)
      %and3A_674 = arith.constant 127 : i32
      %and3A_675 = arith.andi %squeeze3A_657, %and3A_674 : i32
      %broadcast_in_dim3A_676 = vector.broadcast %and3A_675 : i32 to vector<16xi32>
      %broadcast_in_dim3A_677 = arith.constant 2 : i32
      %broadcast_in_dim3A_678 = vector.broadcast %broadcast_in_dim3A_677 : i32 to vector<16xi32>
      %broadcast_in_dim3A_679 = arith.constant 0 : i32
      %broadcast_in_dim3A_680 = vector.broadcast %broadcast_in_dim3A_679 : i32 to vector<16xi32>
      %gather3A_681 = tpu.vector_load_idx %arg8[%broadcast_in_dim3A_678, %broadcast_in_dim3A_680, %iota3A, %broadcast_in_dim3A_676] : memref<4x4x16x128xf32, #tpu.memory_space<vmem>>[vector<16xi32>, vector<16xi32>, vector<16xi32>, vector<16xi32>], vector<16xf32>,
      %swap3A_682 = arith.index_cast %add3A_655 : i32 to index
      %swap3A_683 = arith.constant 0 : index
      %swap3A_684 = tpu.vector_load %arg9[%swap3A_682, %swap3A_683] {strides = array<i32>} : memref<512x16xf32, #tpu.memory_space<vmem>>, vector<16xf32>,
      tpu.vector_store %arg9[%swap3A_682, %swap3A_683], %gather3A_681 {strides = array<i32>} : memref<512x16xf32, #tpu.memory_space<vmem>>, vector<16xf32>,
      %mul3A_685 = arith.mulf %gather3A_681, %gather3A_681 : vector<16xf32>
      %add3A_686 = arith.addf %add3A_645, %mul3A_685 : vector<16xf32>
      %mul3A_687 = arith.constant 4 : i32
      %mul3A_688 = arith.muli %add3A_651, %mul3A_687 : i32
      %add3A_689 = arith.constant 1 : i32
      %add3A_690 = arith.addi %mul3A_688, %add3A_689 : i32
      %slice3A_691 = vector.extract_strided_slice %get3A_294 {offsets = [9], sizes = [1], strides = [1]} : vector<16xi32> to vector<1xi32>
      %squeeze3A_692 = vector.extract %slice3A_691[0] : i32 from vector<1xi32>
      %shift_right_logical3A_693 = arith.constant 7 : i32
      %shift_right_logical3A_694 = arith.shrui %squeeze3A_692, %shift_right_logical3A_693 : i32
      %shift_left3A_695 = arith.constant 7 : i32
      %shift_left3A_696 = arith.shli %shift_right_logical3A_694, %shift_left3A_695 : i32
      %multiple_of3A_697 = tpu.assume_multiple %shift_left3A_696, 128 : i32
      %dma_wait3A_698 = arith.constant 2 : i32
      %dma_wait3A_699 = arith.constant 1 : i32
      %dma_wait3A_700 = arith.constant 0 : i32
      %dma_wait3A_701 = arith.constant 0 : i32
      %dma_wait3A_702 = tpu.memref_slice %arg8[%dma_wait3A_698, %dma_wait3A_699, %dma_wait3A_700, %dma_wait3A_701] : memref<4x4x16x128xf32, #tpu.memory_space<vmem>> -> memref<1x1x16x128xf32, #tpu.memory_space<vmem>>
      %dma_wait3A_703 = tpu.memref_squeeze %dma_wait3A_702 : memref<1x1x16x128xf32, #tpu.memory_space<vmem>> -> memref<16x128xf32, #tpu.memory_space<vmem>>
      %dma_wait3A_704 = arith.constant 0 : i32
      %dma_wait3A_705 = tpu.memref_slice %arg3[%dma_wait3A_704, %multiple_of3A_697] : memref<32x1000000xf32, #tpu.memory_space<hbm>> -> memref<32x128xf32, #tpu.memory_space<hbm>>
      %dma_wait3A_706 = arith.constant 0 : i32
      %dma_wait3A_707 = arith.constant 0 : i32
      %dma_wait3A_708 = tpu.memref_slice %dma_wait3A_705[%dma_wait3A_706, %dma_wait3A_707] : memref<32x128xf32, #tpu.memory_space<hbm>> -> memref<32x128xf32, #tpu.memory_space<hbm>>
      tpu.wait_indirect_dma semaphore(%arg14 : memref<!tpu.dma_semaphore, #tpu.memory_space<semaphore_mem>>) src(%dma_wait3A_708 : memref<32x128xf32, #tpu.memory_space<hbm>>) dst(%dma_wait3A_703 : memref<16x128xf32, #tpu.memory_space<vmem>>)
      %and3A_709 = arith.constant 127 : i32
      %and3A_710 = arith.andi %squeeze3A_692, %and3A_709 : i32
      %broadcast_in_dim3A_711 = vector.broadcast %and3A_710 : i32 to vector<16xi32>
      %broadcast_in_dim3A_712 = arith.constant 2 : i32
      %broadcast_in_dim3A_713 = vector.broadcast %broadcast_in_dim3A_712 : i32 to vector<16xi32>
      %broadcast_in_dim3A_714 = arith.constant 1 : i32
      %broadcast_in_dim3A_715 = vector.broadcast %broadcast_in_dim3A_714 : i32 to vector<16xi32>
      %gather3A_716 = tpu.vector_load_idx %arg8[%broadcast_in_dim3A_713, %broadcast_in_dim3A_715, %iota3A, %broadcast_in_dim3A_711] : memref<4x4x16x128xf32, #tpu.memory_space<vmem>>[vector<16xi32>, vector<16xi32>, vector<16xi32>, vector<16xi32>], vector<16xf32>,
      %swap3A_717 = arith.index_cast %add3A_690 : i32 to index
      %swap3A_718 = arith.constant 0 : index
      %swap3A_719 = tpu.vector_load %arg9[%swap3A_717, %swap3A_718] {strides = array<i32>} : memref<512x16xf32, #tpu.memory_space<vmem>>, vector<16xf32>,
      tpu.vector_store %arg9[%swap3A_717, %swap3A_718], %gather3A_716 {strides = array<i32>} : memref<512x16xf32, #tpu.memory_space<vmem>>, vector<16xf32>,
      %mul3A_720 = arith.mulf %gather3A_716, %gather3A_716 : vector<16xf32>
      %add3A_721 = arith.addf %add3A_686, %mul3A_720 : vector<16xf32>
      %mul3A_722 = arith.constant 4 : i32
      %mul3A_723 = arith.muli %add3A_651, %mul3A_722 : i32
      %add3A_724 = arith.constant 2 : i32
      %add3A_725 = arith.addi %mul3A_723, %add3A_724 : i32
      %slice3A_726 = vector.extract_strided_slice %get3A_294 {offsets = [10], sizes = [1], strides = [1]} : vector<16xi32> to vector<1xi32>
      %squeeze3A_727 = vector.extract %slice3A_726[0] : i32 from vector<1xi32>
      %shift_right_logical3A_728 = arith.constant 7 : i32
      %shift_right_logical3A_729 = arith.shrui %squeeze3A_727, %shift_right_logical3A_728 : i32
      %shift_left3A_730 = arith.constant 7 : i32
      %shift_left3A_731 = arith.shli %shift_right_logical3A_729, %shift_left3A_730 : i32
      %multiple_of3A_732 = tpu.assume_multiple %shift_left3A_731, 128 : i32
      %dma_wait3A_733 = arith.constant 2 : i32
      %dma_wait3A_734 = arith.constant 2 : i32
      %dma_wait3A_735 = arith.constant 0 : i32
      %dma_wait3A_736 = arith.constant 0 : i32
      %dma_wait3A_737 = tpu.memref_slice %arg8[%dma_wait3A_733, %dma_wait3A_734, %dma_wait3A_735, %dma_wait3A_736] : memref<4x4x16x128xf32, #tpu.memory_space<vmem>> -> memref<1x1x16x128xf32, #tpu.memory_space<vmem>>
      %dma_wait3A_738 = tpu.memref_squeeze %dma_wait3A_737 : memref<1x1x16x128xf32, #tpu.memory_space<vmem>> -> memref<16x128xf32, #tpu.memory_space<vmem>>
      %dma_wait3A_739 = arith.constant 0 : i32
      %dma_wait3A_740 = tpu.memref_slice %arg3[%dma_wait3A_739, %multiple_of3A_732] : memref<32x1000000xf32, #tpu.memory_space<hbm>> -> memref<32x128xf32, #tpu.memory_space<hbm>>
      %dma_wait3A_741 = arith.constant 0 : i32
      %dma_wait3A_742 = arith.constant 0 : i32
      %dma_wait3A_743 = tpu.memref_slice %dma_wait3A_740[%dma_wait3A_741, %dma_wait3A_742] : memref<32x128xf32, #tpu.memory_space<hbm>> -> memref<32x128xf32, #tpu.memory_space<hbm>>
      tpu.wait_indirect_dma semaphore(%arg14 : memref<!tpu.dma_semaphore, #tpu.memory_space<semaphore_mem>>) src(%dma_wait3A_743 : memref<32x128xf32, #tpu.memory_space<hbm>>) dst(%dma_wait3A_738 : memref<16x128xf32, #tpu.memory_space<vmem>>)
      %and3A_744 = arith.constant 127 : i32
      %and3A_745 = arith.andi %squeeze3A_727, %and3A_744 : i32
      %broadcast_in_dim3A_746 = vector.broadcast %and3A_745 : i32 to vector<16xi32>
      %broadcast_in_dim3A_747 = arith.constant 2 : i32
      %broadcast_in_dim3A_748 = vector.broadcast %broadcast_in_dim3A_747 : i32 to vector<16xi32>
      %broadcast_in_dim3A_749 = arith.constant 2 : i32
      %broadcast_in_dim3A_750 = vector.broadcast %broadcast_in_dim3A_749 : i32 to vector<16xi32>
      %gather3A_751 = tpu.vector_load_idx %arg8[%broadcast_in_dim3A_748, %broadcast_in_dim3A_750, %iota3A, %broadcast_in_dim3A_746] : memref<4x4x16x128xf32, #tpu.memory_space<vmem>>[vector<16xi32>, vector<16xi32>, vector<16xi32>, vector<16xi32>], vector<16xf32>,
      %swap3A_752 = arith.index_cast %add3A_725 : i32 to index
      %swap3A_753 = arith.constant 0 : index
      %swap3A_754 = tpu.vector_load %arg9[%swap3A_752, %swap3A_753] {strides = array<i32>} : memref<512x16xf32, #tpu.memory_space<vmem>>, vector<16xf32>,
      tpu.vector_store %arg9[%swap3A_752, %swap3A_753], %gather3A_751 {strides = array<i32>} : memref<512x16xf32, #tpu.memory_space<vmem>>, vector<16xf32>,
      %mul3A_755 = arith.mulf %gather3A_751, %gather3A_751 : vector<16xf32>
      %add3A_756 = arith.addf %add3A_721, %mul3A_755 : vector<16xf32>
      %mul3A_757 = arith.constant 4 : i32
      %mul3A_758 = arith.muli %add3A_651, %mul3A_757 : i32
      %add3A_759 = arith.constant 3 : i32
      %add3A_760 = arith.addi %mul3A_758, %add3A_759 : i32
      %slice3A_761 = vector.extract_strided_slice %get3A_294 {offsets = [11], sizes = [1], strides = [1]} : vector<16xi32> to vector<1xi32>
      %squeeze3A_762 = vector.extract %slice3A_761[0] : i32 from vector<1xi32>
      %shift_right_logical3A_763 = arith.constant 7 : i32
      %shift_right_logical3A_764 = arith.shrui %squeeze3A_762, %shift_right_logical3A_763 : i32
      %shift_left3A_765 = arith.constant 7 : i32
      %shift_left3A_766 = arith.shli %shift_right_logical3A_764, %shift_left3A_765 : i32
      %multiple_of3A_767 = tpu.assume_multiple %shift_left3A_766, 128 : i32
      %dma_wait3A_768 = arith.constant 2 : i32
      %dma_wait3A_769 = arith.constant 3 : i32
      %dma_wait3A_770 = arith.constant 0 : i32
      %dma_wait3A_771 = arith.constant 0 : i32
      %dma_wait3A_772 = tpu.memref_slice %arg8[%dma_wait3A_768, %dma_wait3A_769, %dma_wait3A_770, %dma_wait3A_771] : memref<4x4x16x128xf32, #tpu.memory_space<vmem>> -> memref<1x1x16x128xf32, #tpu.memory_space<vmem>>
      %dma_wait3A_773 = tpu.memref_squeeze %dma_wait3A_772 : memref<1x1x16x128xf32, #tpu.memory_space<vmem>> -> memref<16x128xf32, #tpu.memory_space<vmem>>
      %dma_wait3A_774 = arith.constant 0 : i32
      %dma_wait3A_775 = tpu.memref_slice %arg3[%dma_wait3A_774, %multiple_of3A_767] : memref<32x1000000xf32, #tpu.memory_space<hbm>> -> memref<32x128xf32, #tpu.memory_space<hbm>>
      %dma_wait3A_776 = arith.constant 0 : i32
      %dma_wait3A_777 = arith.constant 0 : i32
      %dma_wait3A_778 = tpu.memref_slice %dma_wait3A_775[%dma_wait3A_776, %dma_wait3A_777] : memref<32x128xf32, #tpu.memory_space<hbm>> -> memref<32x128xf32, #tpu.memory_space<hbm>>
      tpu.wait_indirect_dma semaphore(%arg14 : memref<!tpu.dma_semaphore, #tpu.memory_space<semaphore_mem>>) src(%dma_wait3A_778 : memref<32x128xf32, #tpu.memory_space<hbm>>) dst(%dma_wait3A_773 : memref<16x128xf32, #tpu.memory_space<vmem>>)
      %and3A_779 = arith.constant 127 : i32
      %and3A_780 = arith.andi %squeeze3A_762, %and3A_779 : i32
      %broadcast_in_dim3A_781 = vector.broadcast %and3A_780 : i32 to vector<16xi32>
      %broadcast_in_dim3A_782 = arith.constant 2 : i32
      %broadcast_in_dim3A_783 = vector.broadcast %broadcast_in_dim3A_782 : i32 to vector<16xi32>
      %broadcast_in_dim3A_784 = arith.constant 3 : i32
      %broadcast_in_dim3A_785 = vector.broadcast %broadcast_in_dim3A_784 : i32 to vector<16xi32>
      %gather3A_786 = tpu.vector_load_idx %arg8[%broadcast_in_dim3A_783, %broadcast_in_dim3A_785, %iota3A, %broadcast_in_dim3A_781] : memref<4x4x16x128xf32, #tpu.memory_space<vmem>>[vector<16xi32>, vector<16xi32>, vector<16xi32>, vector<16xi32>], vector<16xf32>,
      %swap3A_787 = arith.index_cast %add3A_760 : i32 to index
      %swap3A_788 = arith.constant 0 : index
      %swap3A_789 = tpu.vector_load %arg9[%swap3A_787, %swap3A_788] {strides = array<i32>} : memref<512x16xf32, #tpu.memory_space<vmem>>, vector<16xf32>,
      tpu.vector_store %arg9[%swap3A_787, %swap3A_788], %gather3A_786 {strides = array<i32>} : memref<512x16xf32, #tpu.memory_space<vmem>>, vector<16xf32>,
      %mul3A_790 = arith.mulf %gather3A_786, %gather3A_786 : vector<16xf32>
      %add3A_791 = arith.addf %add3A_756, %mul3A_790 : vector<16xf32>
      %add3A_792 = arith.constant 1 : i32
      %add3A_793 = arith.addi %scan3A_287, %add3A_792 : i32
      %lt3A_794 = arith.constant 32 : i32
      %lt3A_795 = arith.cmpi slt, %add3A_793, %lt3A_794 : i32
      %convert_element_type3A_796 = arith.extui %lt3A_795 : i1 to i32
      %cond3A_797 = arith.constant 0 : i32
      %cond3A_798 = arith.cmpi ne, %convert_element_type3A_796, %cond3A_797 : i32
      scf.if %cond3A_798 {
        %add3A_948 = arith.constant 1 : i32
        %add3A_949 = arith.addi %scan3A_287, %add3A_948 : i32
        %mul3A_950 = arith.constant 16 : i32
        %mul3A_951 = arith.muli %mul3A_950, %add3A_949 : i32
        %get3A_952 = arith.index_cast %mul3A_951 : i32 to index
        %get3A_953 = tpu.vector_load %arg6[%get3A_952] {strides = array<i32>} : memref<512xi32, #tpu.memory_space<vmem>>, vector<16xi32>,
        %slice3A_954 = vector.extract_strided_slice %get3A_953 {offsets = [4], sizes = [1], strides = [1]} : vector<16xi32> to vector<1xi32>
        %squeeze3A_955 = vector.extract %slice3A_954[0] : i32 from vector<1xi32>
        %shift_right_logical3A_956 = arith.constant 7 : i32
        %shift_right_logical3A_957 = arith.shrui %squeeze3A_955, %shift_right_logical3A_956 : i32
        %shift_left3A_958 = arith.constant 7 : i32
        %shift_left3A_959 = arith.shli %shift_right_logical3A_957, %shift_left3A_958 : i32
        %multiple_of3A_960 = tpu.assume_multiple %shift_left3A_959, 128 : i32
        %dma_start3A_961 = arith.constant 1 : i32
        %dma_start3A_962 = arith.constant 0 : i32
        %dma_start3A_963 = arith.constant 0 : i32
        %dma_start3A_964 = arith.constant 0 : i32
        %dma_start3A_965 = tpu.memref_slice %arg8[%dma_start3A_961, %dma_start3A_962, %dma_start3A_963, %dma_start3A_964] : memref<4x4x16x128xf32, #tpu.memory_space<vmem>> -> memref<1x1x16x128xf32, #tpu.memory_space<vmem>>
        %dma_start3A_966 = tpu.memref_squeeze %dma_start3A_965 : memref<1x1x16x128xf32, #tpu.memory_space<vmem>> -> memref<16x128xf32, #tpu.memory_space<vmem>>
        %dma_start3A_967 = arith.constant 0 : i32
        %dma_start3A_968 = tpu.memref_slice %arg3[%dma_start3A_967, %multiple_of3A_960] : memref<32x1000000xf32, #tpu.memory_space<hbm>> -> memref<32x128xf32, #tpu.memory_space<hbm>>
        %dma_start3A_969 = arith.constant 0 : i32
        %dma_start3A_970 = arith.constant 0 : i32
        %dma_start3A_971 = tpu.memref_slice %dma_start3A_968[%dma_start3A_969, %dma_start3A_970] : memref<32x128xf32, #tpu.memory_space<hbm>> -> memref<32x128xf32, #tpu.memory_space<hbm>>
        tpu.enqueue_indirect_dma source(%dma_start3A_971 : memref<32x128xf32, #tpu.memory_space<hbm>>) target(%dma_start3A_966 : memref<16x128xf32, #tpu.memory_space<vmem>>) offsets(%arg7 : memref<16xi32, #tpu.memory_space<vmem>>) semaphore(%arg13 : memref<!tpu.dma_semaphore, #tpu.memory_space<semaphore_mem>>)
        %slice3A_972 = vector.extract_strided_slice %get3A_953 {offsets = [5], sizes = [1], strides = [1]} : vector<16xi32> to vector<1xi32>
        %squeeze3A_973 = vector.extract %slice3A_972[0] : i32 from vector<1xi32>
        %shift_right_logical3A_974 = arith.constant 7 : i32
        %shift_right_logical3A_975 = arith.shrui %squeeze3A_973, %shift_right_logical3A_974 : i32
        %shift_left3A_976 = arith.constant 7 : i32
        %shift_left3A_977 = arith.shli %shift_right_logical3A_975, %shift_left3A_976 : i32
        %multiple_of3A_978 = tpu.assume_multiple %shift_left3A_977, 128 : i32
        %dma_start3A_979 = arith.constant 1 : i32
        %dma_start3A_980 = arith.constant 1 : i32
        %dma_start3A_981 = arith.constant 0 : i32
        %dma_start3A_982 = arith.constant 0 : i32
        %dma_start3A_983 = tpu.memref_slice %arg8[%dma_start3A_979, %dma_start3A_980, %dma_start3A_981, %dma_start3A_982] : memref<4x4x16x128xf32, #tpu.memory_space<vmem>> -> memref<1x1x16x128xf32, #tpu.memory_space<vmem>>
        %dma_start3A_984 = tpu.memref_squeeze %dma_start3A_983 : memref<1x1x16x128xf32, #tpu.memory_space<vmem>> -> memref<16x128xf32, #tpu.memory_space<vmem>>
        %dma_start3A_985 = arith.constant 0 : i32
        %dma_start3A_986 = tpu.memref_slice %arg3[%dma_start3A_985, %multiple_of3A_978] : memref<32x1000000xf32, #tpu.memory_space<hbm>> -> memref<32x128xf32, #tpu.memory_space<hbm>>
        %dma_start3A_987 = arith.constant 0 : i32
        %dma_start3A_988 = arith.constant 0 : i32
        %dma_start3A_989 = tpu.memref_slice %dma_start3A_986[%dma_start3A_987, %dma_start3A_988] : memref<32x128xf32, #tpu.memory_space<hbm>> -> memref<32x128xf32, #tpu.memory_space<hbm>>
        tpu.enqueue_indirect_dma source(%dma_start3A_989 : memref<32x128xf32, #tpu.memory_space<hbm>>) target(%dma_start3A_984 : memref<16x128xf32, #tpu.memory_space<vmem>>) offsets(%arg7 : memref<16xi32, #tpu.memory_space<vmem>>) semaphore(%arg13 : memref<!tpu.dma_semaphore, #tpu.memory_space<semaphore_mem>>)
        %slice3A_990 = vector.extract_strided_slice %get3A_953 {offsets = [6], sizes = [1], strides = [1]} : vector<16xi32> to vector<1xi32>
        %squeeze3A_991 = vector.extract %slice3A_990[0] : i32 from vector<1xi32>
        %shift_right_logical3A_992 = arith.constant 7 : i32
        %shift_right_logical3A_993 = arith.shrui %squeeze3A_991, %shift_right_logical3A_992 : i32
        %shift_left3A_994 = arith.constant 7 : i32
        %shift_left3A_995 = arith.shli %shift_right_logical3A_993, %shift_left3A_994 : i32
        %multiple_of3A_996 = tpu.assume_multiple %shift_left3A_995, 128 : i32
        %dma_start3A_997 = arith.constant 1 : i32
        %dma_start3A_998 = arith.constant 2 : i32
        %dma_start3A_999 = arith.constant 0 : i32
        %dma_start3A_1000 = arith.constant 0 : i32
        %dma_start3A_1001 = tpu.memref_slice %arg8[%dma_start3A_997, %dma_start3A_998, %dma_start3A_999, %dma_start3A_1000] : memref<4x4x16x128xf32, #tpu.memory_space<vmem>> -> memref<1x1x16x128xf32, #tpu.memory_space<vmem>>
        %dma_start3A_1002 = tpu.memref_squeeze %dma_start3A_1001 : memref<1x1x16x128xf32, #tpu.memory_space<vmem>> -> memref<16x128xf32, #tpu.memory_space<vmem>>
        %dma_start3A_1003 = arith.constant 0 : i32
        %dma_start3A_1004 = tpu.memref_slice %arg3[%dma_start3A_1003, %multiple_of3A_996] : memref<32x1000000xf32, #tpu.memory_space<hbm>> -> memref<32x128xf32, #tpu.memory_space<hbm>>
        %dma_start3A_1005 = arith.constant 0 : i32
        %dma_start3A_1006 = arith.constant 0 : i32
        %dma_start3A_1007 = tpu.memref_slice %dma_start3A_1004[%dma_start3A_1005, %dma_start3A_1006] : memref<32x128xf32, #tpu.memory_space<hbm>> -> memref<32x128xf32, #tpu.memory_space<hbm>>
        tpu.enqueue_indirect_dma source(%dma_start3A_1007 : memref<32x128xf32, #tpu.memory_space<hbm>>) target(%dma_start3A_1002 : memref<16x128xf32, #tpu.memory_space<vmem>>) offsets(%arg7 : memref<16xi32, #tpu.memory_space<vmem>>) semaphore(%arg13 : memref<!tpu.dma_semaphore, #tpu.memory_space<semaphore_mem>>)
        %slice3A_1008 = vector.extract_strided_slice %get3A_953 {offsets = [7], sizes = [1], strides = [1]} : vector<16xi32> to vector<1xi32>
        %squeeze3A_1009 = vector.extract %slice3A_1008[0] : i32 from vector<1xi32>
        %shift_right_logical3A_1010 = arith.constant 7 : i32
        %shift_right_logical3A_1011 = arith.shrui %squeeze3A_1009, %shift_right_logical3A_1010 : i32
        %shift_left3A_1012 = arith.constant 7 : i32
        %shift_left3A_1013 = arith.shli %shift_right_logical3A_1011, %shift_left3A_1012 : i32
        %multiple_of3A_1014 = tpu.assume_multiple %shift_left3A_1013, 128 : i32
        %dma_start3A_1015 = arith.constant 1 : i32
        %dma_start3A_1016 = arith.constant 3 : i32
        %dma_start3A_1017 = arith.constant 0 : i32
        %dma_start3A_1018 = arith.constant 0 : i32
        %dma_start3A_1019 = tpu.memref_slice %arg8[%dma_start3A_1015, %dma_start3A_1016, %dma_start3A_1017, %dma_start3A_1018] : memref<4x4x16x128xf32, #tpu.memory_space<vmem>> -> memref<1x1x16x128xf32, #tpu.memory_space<vmem>>
        %dma_start3A_1020 = tpu.memref_squeeze %dma_start3A_1019 : memref<1x1x16x128xf32, #tpu.memory_space<vmem>> -> memref<16x128xf32, #tpu.memory_space<vmem>>
        %dma_start3A_1021 = arith.constant 0 : i32
        %dma_start3A_1022 = tpu.memref_slice %arg3[%dma_start3A_1021, %multiple_of3A_1014] : memref<32x1000000xf32, #tpu.memory_space<hbm>> -> memref<32x128xf32, #tpu.memory_space<hbm>>
        %dma_start3A_1023 = arith.constant 0 : i32
        %dma_start3A_1024 = arith.constant 0 : i32
        %dma_start3A_1025 = tpu.memref_slice %dma_start3A_1022[%dma_start3A_1023, %dma_start3A_1024] : memref<32x128xf32, #tpu.memory_space<hbm>> -> memref<32x128xf32, #tpu.memory_space<hbm>>
        tpu.enqueue_indirect_dma source(%dma_start3A_1025 : memref<32x128xf32, #tpu.memory_space<hbm>>) target(%dma_start3A_1020 : memref<16x128xf32, #tpu.memory_space<vmem>>) offsets(%arg7 : memref<16xi32, #tpu.memory_space<vmem>>) semaphore(%arg13 : memref<!tpu.dma_semaphore, #tpu.memory_space<semaphore_mem>>)
      } else {
      }
      %add3A_799 = arith.constant 3 : i32
      %add3A_800 = arith.addi %mul3A_290, %add3A_799 : i32
      %mul3A_801 = arith.constant 4 : i32
      %mul3A_802 = arith.muli %add3A_800, %mul3A_801 : i32
      %add3A_803 = arith.constant 0 : i32
      %add3A_804 = arith.addi %mul3A_802, %add3A_803 : i32
      %slice3A_805 = vector.extract_strided_slice %get3A_294 {offsets = [12], sizes = [1], strides = [1]} : vector<16xi32> to vector<1xi32>
      %squeeze3A_806 = vector.extract %slice3A_805[0] : i32 from vector<1xi32>
      %shift_right_logical3A_807 = arith.constant 7 : i32
      %shift_right_logical3A_808 = arith.shrui %squeeze3A_806, %shift_right_logical3A_807 : i32
      %shift_left3A_809 = arith.constant 7 : i32
      %shift_left3A_810 = arith.shli %shift_right_logical3A_808, %shift_left3A_809 : i32
      %multiple_of3A_811 = tpu.assume_multiple %shift_left3A_810, 128 : i32
      %dma_wait3A_812 = arith.constant 3 : i32
      %dma_wait3A_813 = arith.constant 0 : i32
      %dma_wait3A_814 = arith.constant 0 : i32
      %dma_wait3A_815 = arith.constant 0 : i32
      %dma_wait3A_816 = tpu.memref_slice %arg8[%dma_wait3A_812, %dma_wait3A_813, %dma_wait3A_814, %dma_wait3A_815] : memref<4x4x16x128xf32, #tpu.memory_space<vmem>> -> memref<1x1x16x128xf32, #tpu.memory_space<vmem>>
      %dma_wait3A_817 = tpu.memref_squeeze %dma_wait3A_816 : memref<1x1x16x128xf32, #tpu.memory_space<vmem>> -> memref<16x128xf32, #tpu.memory_space<vmem>>
      %dma_wait3A_818 = arith.constant 0 : i32
      %dma_wait3A_819 = tpu.memref_slice %arg3[%dma_wait3A_818, %multiple_of3A_811] : memref<32x1000000xf32, #tpu.memory_space<hbm>> -> memref<32x128xf32, #tpu.memory_space<hbm>>
      %dma_wait3A_820 = arith.constant 0 : i32
      %dma_wait3A_821 = arith.constant 0 : i32
      %dma_wait3A_822 = tpu.memref_slice %dma_wait3A_819[%dma_wait3A_820, %dma_wait3A_821] : memref<32x128xf32, #tpu.memory_space<hbm>> -> memref<32x128xf32, #tpu.memory_space<hbm>>
      tpu.wait_indirect_dma semaphore(%arg15 : memref<!tpu.dma_semaphore, #tpu.memory_space<semaphore_mem>>) src(%dma_wait3A_822 : memref<32x128xf32, #tpu.memory_space<hbm>>) dst(%dma_wait3A_817 : memref<16x128xf32, #tpu.memory_space<vmem>>)
      %and3A_823 = arith.constant 127 : i32
      %and3A_824 = arith.andi %squeeze3A_806, %and3A_823 : i32
      %broadcast_in_dim3A_825 = vector.broadcast %and3A_824 : i32 to vector<16xi32>
      %broadcast_in_dim3A_826 = arith.constant 3 : i32
      %broadcast_in_dim3A_827 = vector.broadcast %broadcast_in_dim3A_826 : i32 to vector<16xi32>
      %broadcast_in_dim3A_828 = arith.constant 0 : i32
      %broadcast_in_dim3A_829 = vector.broadcast %broadcast_in_dim3A_828 : i32 to vector<16xi32>
      %gather3A_830 = tpu.vector_load_idx %arg8[%broadcast_in_dim3A_827, %broadcast_in_dim3A_829, %iota3A, %broadcast_in_dim3A_825] : memref<4x4x16x128xf32, #tpu.memory_space<vmem>>[vector<16xi32>, vector<16xi32>, vector<16xi32>, vector<16xi32>], vector<16xf32>,
      %swap3A_831 = arith.index_cast %add3A_804 : i32 to index
      %swap3A_832 = arith.constant 0 : index
      %swap3A_833 = tpu.vector_load %arg9[%swap3A_831, %swap3A_832] {strides = array<i32>} : memref<512x16xf32, #tpu.memory_space<vmem>>, vector<16xf32>,
      tpu.vector_store %arg9[%swap3A_831, %swap3A_832], %gather3A_830 {strides = array<i32>} : memref<512x16xf32, #tpu.memory_space<vmem>>, vector<16xf32>,
      %mul3A_834 = arith.mulf %gather3A_830, %gather3A_830 : vector<16xf32>
      %add3A_835 = arith.addf %add3A_791, %mul3A_834 : vector<16xf32>
      %mul3A_836 = arith.constant 4 : i32
      %mul3A_837 = arith.muli %add3A_800, %mul3A_836 : i32
      %add3A_838 = arith.constant 1 : i32
      %add3A_839 = arith.addi %mul3A_837, %add3A_838 : i32
      %slice3A_840 = vector.extract_strided_slice %get3A_294 {offsets = [13], sizes = [1], strides = [1]} : vector<16xi32> to vector<1xi32>
      %squeeze3A_841 = vector.extract %slice3A_840[0] : i32 from vector<1xi32>
      %shift_right_logical3A_842 = arith.constant 7 : i32
      %shift_right_logical3A_843 = arith.shrui %squeeze3A_841, %shift_right_logical3A_842 : i32
      %shift_left3A_844 = arith.constant 7 : i32
      %shift_left3A_845 = arith.shli %shift_right_logical3A_843, %shift_left3A_844 : i32
      %multiple_of3A_846 = tpu.assume_multiple %shift_left3A_845, 128 : i32
      %dma_wait3A_847 = arith.constant 3 : i32
      %dma_wait3A_848 = arith.constant 1 : i32
      %dma_wait3A_849 = arith.constant 0 : i32
      %dma_wait3A_850 = arith.constant 0 : i32
      %dma_wait3A_851 = tpu.memref_slice %arg8[%dma_wait3A_847, %dma_wait3A_848, %dma_wait3A_849, %dma_wait3A_850] : memref<4x4x16x128xf32, #tpu.memory_space<vmem>> -> memref<1x1x16x128xf32, #tpu.memory_space<vmem>>
      %dma_wait3A_852 = tpu.memref_squeeze %dma_wait3A_851 : memref<1x1x16x128xf32, #tpu.memory_space<vmem>> -> memref<16x128xf32, #tpu.memory_space<vmem>>
      %dma_wait3A_853 = arith.constant 0 : i32
      %dma_wait3A_854 = tpu.memref_slice %arg3[%dma_wait3A_853, %multiple_of3A_846] : memref<32x1000000xf32, #tpu.memory_space<hbm>> -> memref<32x128xf32, #tpu.memory_space<hbm>>
      %dma_wait3A_855 = arith.constant 0 : i32
      %dma_wait3A_856 = arith.constant 0 : i32
      %dma_wait3A_857 = tpu.memref_slice %dma_wait3A_854[%dma_wait3A_855, %dma_wait3A_856] : memref<32x128xf32, #tpu.memory_space<hbm>> -> memref<32x128xf32, #tpu.memory_space<hbm>>
      tpu.wait_indirect_dma semaphore(%arg15 : memref<!tpu.dma_semaphore, #tpu.memory_space<semaphore_mem>>) src(%dma_wait3A_857 : memref<32x128xf32, #tpu.memory_space<hbm>>) dst(%dma_wait3A_852 : memref<16x128xf32, #tpu.memory_space<vmem>>)
      %and3A_858 = arith.constant 127 : i32
      %and3A_859 = arith.andi %squeeze3A_841, %and3A_858 : i32
      %broadcast_in_dim3A_860 = vector.broadcast %and3A_859 : i32 to vector<16xi32>
      %broadcast_in_dim3A_861 = arith.constant 3 : i32
      %broadcast_in_dim3A_862 = vector.broadcast %broadcast_in_dim3A_861 : i32 to vector<16xi32>
      %broadcast_in_dim3A_863 = arith.constant 1 : i32
      %broadcast_in_dim3A_864 = vector.broadcast %broadcast_in_dim3A_863 : i32 to vector<16xi32>
      %gather3A_865 = tpu.vector_load_idx %arg8[%broadcast_in_dim3A_862, %broadcast_in_dim3A_864, %iota3A, %broadcast_in_dim3A_860] : memref<4x4x16x128xf32, #tpu.memory_space<vmem>>[vector<16xi32>, vector<16xi32>, vector<16xi32>, vector<16xi32>], vector<16xf32>,
      %swap3A_866 = arith.index_cast %add3A_839 : i32 to index
      %swap3A_867 = arith.constant 0 : index
      %swap3A_868 = tpu.vector_load %arg9[%swap3A_866, %swap3A_867] {strides = array<i32>} : memref<512x16xf32, #tpu.memory_space<vmem>>, vector<16xf32>,
      tpu.vector_store %arg9[%swap3A_866, %swap3A_867], %gather3A_865 {strides = array<i32>} : memref<512x16xf32, #tpu.memory_space<vmem>>, vector<16xf32>,
      %mul3A_869 = arith.mulf %gather3A_865, %gather3A_865 : vector<16xf32>
      %add3A_870 = arith.addf %add3A_835, %mul3A_869 : vector<16xf32>
      %mul3A_871 = arith.constant 4 : i32
      %mul3A_872 = arith.muli %add3A_800, %mul3A_871 : i32
      %add3A_873 = arith.constant 2 : i32
      %add3A_874 = arith.addi %mul3A_872, %add3A_873 : i32
      %slice3A_875 = vector.extract_strided_slice %get3A_294 {offsets = [14], sizes = [1], strides = [1]} : vector<16xi32> to vector<1xi32>
      %squeeze3A_876 = vector.extract %slice3A_875[0] : i32 from vector<1xi32>
      %shift_right_logical3A_877 = arith.constant 7 : i32
      %shift_right_logical3A_878 = arith.shrui %squeeze3A_876, %shift_right_logical3A_877 : i32
      %shift_left3A_879 = arith.constant 7 : i32
      %shift_left3A_880 = arith.shli %shift_right_logical3A_878, %shift_left3A_879 : i32
      %multiple_of3A_881 = tpu.assume_multiple %shift_left3A_880, 128 : i32
      %dma_wait3A_882 = arith.constant 3 : i32
      %dma_wait3A_883 = arith.constant 2 : i32
      %dma_wait3A_884 = arith.constant 0 : i32
      %dma_wait3A_885 = arith.constant 0 : i32
      %dma_wait3A_886 = tpu.memref_slice %arg8[%dma_wait3A_882, %dma_wait3A_883, %dma_wait3A_884, %dma_wait3A_885] : memref<4x4x16x128xf32, #tpu.memory_space<vmem>> -> memref<1x1x16x128xf32, #tpu.memory_space<vmem>>
      %dma_wait3A_887 = tpu.memref_squeeze %dma_wait3A_886 : memref<1x1x16x128xf32, #tpu.memory_space<vmem>> -> memref<16x128xf32, #tpu.memory_space<vmem>>
      %dma_wait3A_888 = arith.constant 0 : i32
      %dma_wait3A_889 = tpu.memref_slice %arg3[%dma_wait3A_888, %multiple_of3A_881] : memref<32x1000000xf32, #tpu.memory_space<hbm>> -> memref<32x128xf32, #tpu.memory_space<hbm>>
      %dma_wait3A_890 = arith.constant 0 : i32
      %dma_wait3A_891 = arith.constant 0 : i32
      %dma_wait3A_892 = tpu.memref_slice %dma_wait3A_889[%dma_wait3A_890, %dma_wait3A_891] : memref<32x128xf32, #tpu.memory_space<hbm>> -> memref<32x128xf32, #tpu.memory_space<hbm>>
      tpu.wait_indirect_dma semaphore(%arg15 : memref<!tpu.dma_semaphore, #tpu.memory_space<semaphore_mem>>) src(%dma_wait3A_892 : memref<32x128xf32, #tpu.memory_space<hbm>>) dst(%dma_wait3A_887 : memref<16x128xf32, #tpu.memory_space<vmem>>)
      %and3A_893 = arith.constant 127 : i32
      %and3A_894 = arith.andi %squeeze3A_876, %and3A_893 : i32
      %broadcast_in_dim3A_895 = vector.broadcast %and3A_894 : i32 to vector<16xi32>
      %broadcast_in_dim3A_896 = arith.constant 3 : i32
      %broadcast_in_dim3A_897 = vector.broadcast %broadcast_in_dim3A_896 : i32 to vector<16xi32>
      %broadcast_in_dim3A_898 = arith.constant 2 : i32
      %broadcast_in_dim3A_899 = vector.broadcast %broadcast_in_dim3A_898 : i32 to vector<16xi32>
      %gather3A_900 = tpu.vector_load_idx %arg8[%broadcast_in_dim3A_897, %broadcast_in_dim3A_899, %iota3A, %broadcast_in_dim3A_895] : memref<4x4x16x128xf32, #tpu.memory_space<vmem>>[vector<16xi32>, vector<16xi32>, vector<16xi32>, vector<16xi32>], vector<16xf32>,
      %swap3A_901 = arith.index_cast %add3A_874 : i32 to index
      %swap3A_902 = arith.constant 0 : index
      %swap3A_903 = tpu.vector_load %arg9[%swap3A_901, %swap3A_902] {strides = array<i32>} : memref<512x16xf32, #tpu.memory_space<vmem>>, vector<16xf32>,
      tpu.vector_store %arg9[%swap3A_901, %swap3A_902], %gather3A_900 {strides = array<i32>} : memref<512x16xf32, #tpu.memory_space<vmem>>, vector<16xf32>,
      %mul3A_904 = arith.mulf %gather3A_900, %gather3A_900 : vector<16xf32>
      %add3A_905 = arith.addf %add3A_870, %mul3A_904 : vector<16xf32>
      %mul3A_906 = arith.constant 4 : i32
      %mul3A_907 = arith.muli %add3A_800, %mul3A_906 : i32
      %add3A_908 = arith.constant 3 : i32
      %add3A_909 = arith.addi %mul3A_907, %add3A_908 : i32
      %slice3A_910 = vector.extract_strided_slice %get3A_294 {offsets = [15], sizes = [1], strides = [1]} : vector<16xi32> to vector<1xi32>
      %squeeze3A_911 = vector.extract %slice3A_910[0] : i32 from vector<1xi32>
      %shift_right_logical3A_912 = arith.constant 7 : i32
      %shift_right_logical3A_913 = arith.shrui %squeeze3A_911, %shift_right_logical3A_912 : i32
      %shift_left3A_914 = arith.constant 7 : i32
      %shift_left3A_915 = arith.shli %shift_right_logical3A_913, %shift_left3A_914 : i32
      %multiple_of3A_916 = tpu.assume_multiple %shift_left3A_915, 128 : i32
      %dma_wait3A_917 = arith.constant 3 : i32
      %dma_wait3A_918 = arith.constant 3 : i32
      %dma_wait3A_919 = arith.constant 0 : i32
      %dma_wait3A_920 = arith.constant 0 : i32
      %dma_wait3A_921 = tpu.memref_slice %arg8[%dma_wait3A_917, %dma_wait3A_918, %dma_wait3A_919, %dma_wait3A_920] : memref<4x4x16x128xf32, #tpu.memory_space<vmem>> -> memref<1x1x16x128xf32, #tpu.memory_space<vmem>>
      %dma_wait3A_922 = tpu.memref_squeeze %dma_wait3A_921 : memref<1x1x16x128xf32, #tpu.memory_space<vmem>> -> memref<16x128xf32, #tpu.memory_space<vmem>>
      %dma_wait3A_923 = arith.constant 0 : i32
      %dma_wait3A_924 = tpu.memref_slice %arg3[%dma_wait3A_923, %multiple_of3A_916] : memref<32x1000000xf32, #tpu.memory_space<hbm>> -> memref<32x128xf32, #tpu.memory_space<hbm>>
      %dma_wait3A_925 = arith.constant 0 : i32
      %dma_wait3A_926 = arith.constant 0 : i32
      %dma_wait3A_927 = tpu.memref_slice %dma_wait3A_924[%dma_wait3A_925, %dma_wait3A_926] : memref<32x128xf32, #tpu.memory_space<hbm>> -> memref<32x128xf32, #tpu.memory_space<hbm>>
      tpu.wait_indirect_dma semaphore(%arg15 : memref<!tpu.dma_semaphore, #tpu.memory_space<semaphore_mem>>) src(%dma_wait3A_927 : memref<32x128xf32, #tpu.memory_space<hbm>>) dst(%dma_wait3A_922 : memref<16x128xf32, #tpu.memory_space<vmem>>)
      %and3A_928 = arith.constant 127 : i32
      %and3A_929 = arith.andi %squeeze3A_911, %and3A_928 : i32
      %broadcast_in_dim3A_930 = vector.broadcast %and3A_929 : i32 to vector<16xi32>
      %broadcast_in_dim3A_931 = arith.constant 3 : i32
      %broadcast_in_dim3A_932 = vector.broadcast %broadcast_in_dim3A_931 : i32 to vector<16xi32>
      %broadcast_in_dim3A_933 = arith.constant 3 : i32
      %broadcast_in_dim3A_934 = vector.broadcast %broadcast_in_dim3A_933 : i32 to vector<16xi32>
      %gather3A_935 = tpu.vector_load_idx %arg8[%broadcast_in_dim3A_932, %broadcast_in_dim3A_934, %iota3A, %broadcast_in_dim3A_930] : memref<4x4x16x128xf32, #tpu.memory_space<vmem>>[vector<16xi32>, vector<16xi32>, vector<16xi32>, vector<16xi32>], vector<16xf32>,
      %swap3A_936 = arith.index_cast %add3A_909 : i32 to index
      %swap3A_937 = arith.constant 0 : index
      %swap3A_938 = tpu.vector_load %arg9[%swap3A_936, %swap3A_937] {strides = array<i32>} : memref<512x16xf32, #tpu.memory_space<vmem>>, vector<16xf32>,
      tpu.vector_store %arg9[%swap3A_936, %swap3A_937], %gather3A_935 {strides = array<i32>} : memref<512x16xf32, #tpu.memory_space<vmem>>, vector<16xf32>,
      %mul3A_939 = arith.mulf %gather3A_935, %gather3A_935 : vector<16xf32>
      %add3A_940 = arith.addf %add3A_905, %mul3A_939 : vector<16xf32>
      %add3A_941 = arith.constant 1 : i32
      %add3A_942 = arith.addi %scan3A_287, %add3A_941 : i32
      %lt3A_943 = arith.constant 32 : i32
      %lt3A_944 = arith.cmpi slt, %add3A_942, %lt3A_943 : i32
      %convert_element_type3A_945 = arith.extui %lt3A_944 : i1 to i32
      %cond3A_946 = arith.constant 0 : i32
      %cond3A_947 = arith.cmpi ne, %convert_element_type3A_945, %cond3A_946 : i32
      scf.if %cond3A_947 {
        %add3A_948 = arith.constant 1 : i32
        %add3A_949 = arith.addi %scan3A_287, %add3A_948 : i32
        %mul3A_950 = arith.constant 16 : i32
        %mul3A_951 = arith.muli %mul3A_950, %add3A_949 : i32
        %get3A_952 = arith.index_cast %mul3A_951 : i32 to index
        %get3A_953 = tpu.vector_load %arg6[%get3A_952] {strides = array<i32>} : memref<512xi32, #tpu.memory_space<vmem>>, vector<16xi32>,
        %slice3A_954 = vector.extract_strided_slice %get3A_953 {offsets = [8], sizes = [1], strides = [1]} : vector<16xi32> to vector<1xi32>
        %squeeze3A_955 = vector.extract %slice3A_954[0] : i32 from vector<1xi32>
        %shift_right_logical3A_956 = arith.constant 7 : i32
        %shift_right_logical3A_957 = arith.shrui %squeeze3A_955, %shift_right_logical3A_956 : i32
        %shift_left3A_958 = arith.constant 7 : i32
        %shift_left3A_959 = arith.shli %shift_right_logical3A_957, %shift_left3A_958 : i32
        %multiple_of3A_960 = tpu.assume_multiple %shift_left3A_959, 128 : i32
        %dma_start3A_961 = arith.constant 2 : i32
        %dma_start3A_962 = arith.constant 0 : i32
        %dma_start3A_963 = arith.constant 0 : i32
        %dma_start3A_964 = arith.constant 0 : i32
        %dma_start3A_965 = tpu.memref_slice %arg8[%dma_start3A_961, %dma_start3A_962, %dma_start3A_963, %dma_start3A_964] : memref<4x4x16x128xf32, #tpu.memory_space<vmem>> -> memref<1x1x16x128xf32, #tpu.memory_space<vmem>>
        %dma_start3A_966 = tpu.memref_squeeze %dma_start3A_965 : memref<1x1x16x128xf32, #tpu.memory_space<vmem>> -> memref<16x128xf32, #tpu.memory_space<vmem>>
        %dma_start3A_967 = arith.constant 0 : i32
        %dma_start3A_968 = tpu.memref_slice %arg3[%dma_start3A_967, %multiple_of3A_960] : memref<32x1000000xf32, #tpu.memory_space<hbm>> -> memref<32x128xf32, #tpu.memory_space<hbm>>
        %dma_start3A_969 = arith.constant 0 : i32
        %dma_start3A_970 = arith.constant 0 : i32
        %dma_start3A_971 = tpu.memref_slice %dma_start3A_968[%dma_start3A_969, %dma_start3A_970] : memref<32x128xf32, #tpu.memory_space<hbm>> -> memref<32x128xf32, #tpu.memory_space<hbm>>
        tpu.enqueue_indirect_dma source(%dma_start3A_971 : memref<32x128xf32, #tpu.memory_space<hbm>>) target(%dma_start3A_966 : memref<16x128xf32, #tpu.memory_space<vmem>>) offsets(%arg7 : memref<16xi32, #tpu.memory_space<vmem>>) semaphore(%arg14 : memref<!tpu.dma_semaphore, #tpu.memory_space<semaphore_mem>>)
        %slice3A_972 = vector.extract_strided_slice %get3A_953 {offsets = [9], sizes = [1], strides = [1]} : vector<16xi32> to vector<1xi32>
        %squeeze3A_973 = vector.extract %slice3A_972[0] : i32 from vector<1xi32>
        %shift_right_logical3A_974 = arith.constant 7 : i32
        %shift_right_logical3A_975 = arith.shrui %squeeze3A_973, %shift_right_logical3A_974 : i32
        %shift_left3A_976 = arith.constant 7 : i32
        %shift_left3A_977 = arith.shli %shift_right_logical3A_975, %shift_left3A_976 : i32
        %multiple_of3A_978 = tpu.assume_multiple %shift_left3A_977, 128 : i32
        %dma_start3A_979 = arith.constant 2 : i32
        %dma_start3A_980 = arith.constant 1 : i32
        %dma_start3A_981 = arith.constant 0 : i32
        %dma_start3A_982 = arith.constant 0 : i32
        %dma_start3A_983 = tpu.memref_slice %arg8[%dma_start3A_979, %dma_start3A_980, %dma_start3A_981, %dma_start3A_982] : memref<4x4x16x128xf32, #tpu.memory_space<vmem>> -> memref<1x1x16x128xf32, #tpu.memory_space<vmem>>
        %dma_start3A_984 = tpu.memref_squeeze %dma_start3A_983 : memref<1x1x16x128xf32, #tpu.memory_space<vmem>> -> memref<16x128xf32, #tpu.memory_space<vmem>>
        %dma_start3A_985 = arith.constant 0 : i32
        %dma_start3A_986 = tpu.memref_slice %arg3[%dma_start3A_985, %multiple_of3A_978] : memref<32x1000000xf32, #tpu.memory_space<hbm>> -> memref<32x128xf32, #tpu.memory_space<hbm>>
        %dma_start3A_987 = arith.constant 0 : i32
        %dma_start3A_988 = arith.constant 0 : i32
        %dma_start3A_989 = tpu.memref_slice %dma_start3A_986[%dma_start3A_987, %dma_start3A_988] : memref<32x128xf32, #tpu.memory_space<hbm>> -> memref<32x128xf32, #tpu.memory_space<hbm>>
        tpu.enqueue_indirect_dma source(%dma_start3A_989 : memref<32x128xf32, #tpu.memory_space<hbm>>) target(%dma_start3A_984 : memref<16x128xf32, #tpu.memory_space<vmem>>) offsets(%arg7 : memref<16xi32, #tpu.memory_space<vmem>>) semaphore(%arg14 : memref<!tpu.dma_semaphore, #tpu.memory_space<semaphore_mem>>)
        %slice3A_990 = vector.extract_strided_slice %get3A_953 {offsets = [10], sizes = [1], strides = [1]} : vector<16xi32> to vector<1xi32>
        %squeeze3A_991 = vector.extract %slice3A_990[0] : i32 from vector<1xi32>
        %shift_right_logical3A_992 = arith.constant 7 : i32
        %shift_right_logical3A_993 = arith.shrui %squeeze3A_991, %shift_right_logical3A_992 : i32
        %shift_left3A_994 = arith.constant 7 : i32
        %shift_left3A_995 = arith.shli %shift_right_logical3A_993, %shift_left3A_994 : i32
        %multiple_of3A_996 = tpu.assume_multiple %shift_left3A_995, 128 : i32
        %dma_start3A_997 = arith.constant 2 : i32
        %dma_start3A_998 = arith.constant 2 : i32
        %dma_start3A_999 = arith.constant 0 : i32
        %dma_start3A_1000 = arith.constant 0 : i32
        %dma_start3A_1001 = tpu.memref_slice %arg8[%dma_start3A_997, %dma_start3A_998, %dma_start3A_999, %dma_start3A_1000] : memref<4x4x16x128xf32, #tpu.memory_space<vmem>> -> memref<1x1x16x128xf32, #tpu.memory_space<vmem>>
        %dma_start3A_1002 = tpu.memref_squeeze %dma_start3A_1001 : memref<1x1x16x128xf32, #tpu.memory_space<vmem>> -> memref<16x128xf32, #tpu.memory_space<vmem>>
        %dma_start3A_1003 = arith.constant 0 : i32
        %dma_start3A_1004 = tpu.memref_slice %arg3[%dma_start3A_1003, %multiple_of3A_996] : memref<32x1000000xf32, #tpu.memory_space<hbm>> -> memref<32x128xf32, #tpu.memory_space<hbm>>
        %dma_start3A_1005 = arith.constant 0 : i32
        %dma_start3A_1006 = arith.constant 0 : i32
        %dma_start3A_1007 = tpu.memref_slice %dma_start3A_1004[%dma_start3A_1005, %dma_start3A_1006] : memref<32x128xf32, #tpu.memory_space<hbm>> -> memref<32x128xf32, #tpu.memory_space<hbm>>
        tpu.enqueue_indirect_dma source(%dma_start3A_1007 : memref<32x128xf32, #tpu.memory_space<hbm>>) target(%dma_start3A_1002 : memref<16x128xf32, #tpu.memory_space<vmem>>) offsets(%arg7 : memref<16xi32, #tpu.memory_space<vmem>>) semaphore(%arg14 : memref<!tpu.dma_semaphore, #tpu.memory_space<semaphore_mem>>)
        %slice3A_1008 = vector.extract_strided_slice %get3A_953 {offsets = [11], sizes = [1], strides = [1]} : vector<16xi32> to vector<1xi32>
        %squeeze3A_1009 = vector.extract %slice3A_1008[0] : i32 from vector<1xi32>
        %shift_right_logical3A_1010 = arith.constant 7 : i32
        %shift_right_logical3A_1011 = arith.shrui %squeeze3A_1009, %shift_right_logical3A_1010 : i32
        %shift_left3A_1012 = arith.constant 7 : i32
        %shift_left3A_1013 = arith.shli %shift_right_logical3A_1011, %shift_left3A_1012 : i32
        %multiple_of3A_1014 = tpu.assume_multiple %shift_left3A_1013, 128 : i32
        %dma_start3A_1015 = arith.constant 2 : i32
        %dma_start3A_1016 = arith.constant 3 : i32
        %dma_start3A_1017 = arith.constant 0 : i32
        %dma_start3A_1018 = arith.constant 0 : i32
        %dma_start3A_1019 = tpu.memref_slice %arg8[%dma_start3A_1015, %dma_start3A_1016, %dma_start3A_1017, %dma_start3A_1018] : memref<4x4x16x128xf32, #tpu.memory_space<vmem>> -> memref<1x1x16x128xf32, #tpu.memory_space<vmem>>
        %dma_start3A_1020 = tpu.memref_squeeze %dma_start3A_1019 : memref<1x1x16x128xf32, #tpu.memory_space<vmem>> -> memref<16x128xf32, #tpu.memory_space<vmem>>
        %dma_start3A_1021 = arith.constant 0 : i32
        %dma_start3A_1022 = tpu.memref_slice %arg3[%dma_start3A_1021, %multiple_of3A_1014] : memref<32x1000000xf32, #tpu.memory_space<hbm>> -> memref<32x128xf32, #tpu.memory_space<hbm>>
        %dma_start3A_1023 = arith.constant 0 : i32
        %dma_start3A_1024 = arith.constant 0 : i32
        %dma_start3A_1025 = tpu.memref_slice %dma_start3A_1022[%dma_start3A_1023, %dma_start3A_1024] : memref<32x128xf32, #tpu.memory_space<hbm>> -> memref<32x128xf32, #tpu.memory_space<hbm>>
        tpu.enqueue_indirect_dma source(%dma_start3A_1025 : memref<32x128xf32, #tpu.memory_space<hbm>>) target(%dma_start3A_1020 : memref<16x128xf32, #tpu.memory_space<vmem>>) offsets(%arg7 : memref<16xi32, #tpu.memory_space<vmem>>) semaphore(%arg14 : memref<!tpu.dma_semaphore, #tpu.memory_space<semaphore_mem>>)
      } else {
      }
      scf.yield %add3A_940 : vector<16xf32>
    }
    %scan3A_223 = arith.constant 32 : i32
    %swap3A_224 = arith.constant 0 : index
    %swap3A_225 = tpu.vector_load %arg10[%swap3A_224] {strides = array<i32>} : memref<16xf32, #tpu.memory_space<vmem>>, vector<16xf32>,
    tpu.vector_store %arg10[%swap3A_224], %scan3A_222 {strides = array<i32>} : memref<16xf32, #tpu.memory_space<vmem>>, vector<16xf32>,
    "tpu.region"() ({
      %run_scoped3A_287 = tpu.sem_alloc : memref<!tpu.dma_semaphore, #tpu.memory_space<semaphore_mem>>
      %dma_start3A_288 = arith.constant 0 : i32
      %dma_start3A_289 = tpu.memref_slice %arg5[%add3A, %dma_start3A_288] : memref<32x16xf32, #tpu.memory_space<hbm>> -> memref<1x16xf32, #tpu.memory_space<hbm>>
      %dma_start3A_290 = tpu.memref_squeeze %dma_start3A_289 : memref<1x16xf32, #tpu.memory_space<hbm>> -> memref<16xf32, #tpu.memory_space<hbm>>
      %dma_start3A_291 = arith.constant 0 : i32
      %dma_start3A_292 = tpu.memref_slice %arg5[%add3A, %dma_start3A_291] : memref<32x16xf32, #tpu.memory_space<hbm>> -> memref<1x16xf32, #tpu.memory_space<hbm>>
      %dma_start3A_293 = tpu.memref_squeeze %dma_start3A_292 : memref<1x16xf32, #tpu.memory_space<hbm>> -> memref<16xf32, #tpu.memory_space<hbm>>
      tpu.enqueue_dma source(%arg10 : memref<16xf32, #tpu.memory_space<vmem>>) target(%dma_start3A_293 : memref<16xf32, #tpu.memory_space<hbm>>) target_semaphore(%run_scoped3A_287 : memref<!tpu.dma_semaphore, #tpu.memory_space<semaphore_mem>>)
      %dma_wait3A = arith.constant 0 : i32
      %dma_wait3A_294 = tpu.memref_slice %arg5[%add3A, %dma_wait3A] : memref<32x16xf32, #tpu.memory_space<hbm>> -> memref<1x16xf32, #tpu.memory_space<hbm>>
      %dma_wait3A_295 = tpu.memref_squeeze %dma_wait3A_294 : memref<1x16xf32, #tpu.memory_space<hbm>> -> memref<16xf32, #tpu.memory_space<hbm>>
      %dma_wait3A_296 = arith.constant 0 : i32
      %dma_wait3A_297 = tpu.memref_slice %arg5[%add3A, %dma_wait3A_296] : memref<32x16xf32, #tpu.memory_space<hbm>> -> memref<1x16xf32, #tpu.memory_space<hbm>>
      %dma_wait3A_298 = tpu.memref_squeeze %dma_wait3A_297 : memref<1x16xf32, #tpu.memory_space<hbm>> -> memref<16xf32, #tpu.memory_space<hbm>>
      tpu.wait_dma2 semaphore(%run_scoped3A_287 : memref<!tpu.dma_semaphore, #tpu.memory_space<semaphore_mem>>) src(%arg10 : memref<16xf32, #tpu.memory_space<vmem>>) dst(%dma_wait3A_298 : memref<16xf32, #tpu.memory_space<hbm>>)
      tpu.yield
    }) : () -> ()
    %barrier3A = arith.constant 0 : index
    tpu.barrier barrier_id(%barrier3A)
    %sub3A = arith.constant 1 : i32
    %sub3A_226 = arith.subi %sub3A, %arg0 : i32
    %semaphore_signal3A = arith.constant 1 : i32
    tpu.sem_signal %arg16, %semaphore_signal3A core_id %sub3A_226 : memref<!tpu.semaphore, #tpu.memory_space<semaphore_mem>>
    %semaphore_wait3A = arith.constant 1 : i32
    %semaphore_wait3A_227 = arith.constant true
    tpu.sem_wait %arg16, %semaphore_wait3A : memref<!tpu.semaphore, #tpu.memory_space<semaphore_mem>>
    "tpu.region"() ({
      %run_scoped3A_287 = tpu.sem_alloc : memref<!tpu.dma_semaphore, #tpu.memory_space<semaphore_mem>>
      tpu.enqueue_dma source(%arg5 : memref<32x16xf32, #tpu.memory_space<hbm>>) target(%arg11 : memref<32x16xf32, #tpu.memory_space<vmem>>) target_semaphore(%run_scoped3A_287 : memref<!tpu.dma_semaphore, #tpu.memory_space<semaphore_mem>>)
      tpu.wait_dma2 semaphore(%run_scoped3A_287 : memref<!tpu.dma_semaphore, #tpu.memory_space<semaphore_mem>>) src(%arg5 : memref<32x16xf32, #tpu.memory_space<hbm>>) dst(%arg11 : memref<32x16xf32, #tpu.memory_space<vmem>>)
      tpu.yield
    }) : () -> ()
    %broadcast_in_dim3A_228 = arith.constant 0.000000e+00 : f32
    %broadcast_in_dim3A_229 = vector.broadcast %broadcast_in_dim3A_228 : f32 to vector<16xf32>
    %scan3A_230 = arith.constant 0 : i32
    %scan3A_231 = arith.constant 32 : i32
    %scan3A_232 = arith.addi %scan3A_230, %scan3A_231 : i32
    %scan3A_233 = arith.constant 1 : i32
    %scan3A_234 = scf.for %scan3A_287 = %scan3A_230 to %scan3A_232 step %scan3A_233 iter_args(%scan3A_288 = %broadcast_in_dim3A_229) -> (vector<16xf32>)  : i32 {
      %get3A_289 = arith.index_cast %scan3A_287 : i32 to index
      %get3A_290 = arith.constant 0 : index
      %get3A_291 = tpu.vector_load %arg11[%get3A_289, %get3A_290] {strides = array<i32>} : memref<32x16xf32, #tpu.memory_space<vmem>>, vector<16xf32>,
      %add3A_292 = arith.addf %scan3A_288, %get3A_291 : vector<16xf32>
      scf.yield %add3A_292 : vector<16xf32>
    }
    %scan3A_235 = arith.constant 32 : i32
    %reduce_sum3A = arith.constant true
    %reduce_sum3A_236 = vector.broadcast %reduce_sum3A : i1 to vector<16xi1>
    %reduce_sum3A_237 = tpu.scan <sum>, %scan3A_234 masked %reduce_sum3A_236 : vector<16xf32>, vector<16xi1> -> vector<16xf32>
    %reduce_sum3A_238 = vector.extract %reduce_sum3A_237[15] : f32 from vector<16xf32>
    %add3A_239 = arith.constant 9.99999996E-13 : f32
    %add3A_240 = arith.addf %reduce_sum3A_238, %add3A_239 : f32
    %broadcast_in_dim3A_241 = vector.broadcast %add3A_240 : f32 to vector<16xf32>
    %bitcast_convert_type3A = tpu.bitcast %broadcast_in_dim3A_241 : vector<16xf32> -> vector<16xi32>
    %shift_right_logical3A_242 = arith.constant 1 : i32
    %shift_right_logical3A_243 = vector.broadcast %shift_right_logical3A_242 : i32 to vector<16xi32>
    %shift_right_logical3A_244 = arith.shrui %bitcast_convert_type3A, %shift_right_logical3A_243 : vector<16xi32>
    %sub3A_245 = arith.constant 1597463007 : i32
    %sub3A_246 = vector.broadcast %sub3A_245 : i32 to vector<16xi32>
    %sub3A_247 = arith.subi %sub3A_246, %shift_right_logical3A_244 : vector<16xi32>
    %bitcast_convert_type3A_248 = tpu.bitcast %sub3A_247 : vector<16xi32> -> vector<16xf32>
    %mul3A_249 = arith.constant 5.000000e-01 : f32
    %mul3A_250 = vector.broadcast %mul3A_249 : f32 to vector<16xf32>
    %mul3A_251 = arith.mulf %broadcast_in_dim3A_241, %mul3A_250 : vector<16xf32>
    %mul3A_252 = arith.mulf %mul3A_251, %bitcast_convert_type3A_248 : vector<16xf32>
    %mul3A_253 = arith.mulf %mul3A_252, %bitcast_convert_type3A_248 : vector<16xf32>
    %sub3A_254 = arith.constant 1.500000e+00 : f32
    %sub3A_255 = vector.broadcast %sub3A_254 : f32 to vector<16xf32>
    %sub3A_256 = arith.subf %sub3A_255, %mul3A_253 : vector<16xf32>
    %mul3A_257 = arith.mulf %bitcast_convert_type3A_248, %sub3A_256 : vector<16xf32>
    %mul3A_258 = arith.mulf %mul3A_251, %mul3A_257 : vector<16xf32>
    %mul3A_259 = arith.mulf %mul3A_258, %mul3A_257 : vector<16xf32>
    %sub3A_260 = arith.constant 1.500000e+00 : f32
    %sub3A_261 = vector.broadcast %sub3A_260 : f32 to vector<16xf32>
    %sub3A_262 = arith.subf %sub3A_261, %mul3A_259 : vector<16xf32>
    %mul3A_263 = arith.mulf %mul3A_257, %sub3A_262 : vector<16xf32>
    %mul3A_264 = arith.mulf %mul3A_251, %mul3A_263 : vector<16xf32>
    %mul3A_265 = arith.mulf %mul3A_264, %mul3A_263 : vector<16xf32>
    %sub3A_266 = arith.constant 1.500000e+00 : f32
    %sub3A_267 = vector.broadcast %sub3A_266 : f32 to vector<16xf32>
    %sub3A_268 = arith.subf %sub3A_267, %mul3A_265 : vector<16xf32>
    %mul3A_269 = arith.mulf %mul3A_263, %sub3A_268 : vector<16xf32>
    %broadcast_in_dim3A_270 = arith.constant 0.000000e+00 : f32
    %broadcast_in_dim3A_271 = vector.broadcast %broadcast_in_dim3A_270 : f32 to vector<16xf32>
    %scan3A_272 = arith.constant 0 : i32
    %scan3A_273 = arith.constant 0 : i32
    %scan3A_274 = arith.constant 128 : i32
    %scan3A_275 = arith.addi %scan3A_273, %scan3A_274 : i32
    %scan3A_276 = arith.constant 1 : i32
    %scan3A_277 = scf.for %scan3A_287 = %scan3A_273 to %scan3A_275 step %scan3A_276 iter_args(%scan3A_288 = %scan3A_272) -> (i32)  : i32 {
      %mul3A_289 = arith.constant 4 : i32
      %mul3A_290 = arith.muli %mul3A_289, %scan3A_287 : i32
      %add3A_291 = arith.constant 0 : i32
      %add3A_292 = arith.addi %mul3A_290, %add3A_291 : i32
      %get3A_293 = arith.index_cast %add3A_292 : i32 to index
      %get3A_294 = arith.constant 0 : index
      %get3A_295 = tpu.vector_load %arg9[%get3A_293, %get3A_294] {strides = array<i32>} : memref<512x16xf32, #tpu.memory_space<vmem>>, vector<16xf32>,
      %mul3A_296 = arith.mulf %get3A_295, %mul3A_269 : vector<16xf32>
      %mul3A_297 = arith.constant 4 : i32
      %mul3A_298 = arith.muli %mul3A_297, %scan3A_287 : i32
      %add3A_299 = arith.constant 0 : i32
      %add3A_300 = arith.addi %mul3A_298, %add3A_299 : i32
      %swap3A_301 = arith.index_cast %add3A_300 : i32 to index
      %swap3A_302 = arith.constant 0 : index
      %swap3A_303 = tpu.vector_load %arg9[%swap3A_301, %swap3A_302] {strides = array<i32>} : memref<512x16xf32, #tpu.memory_space<vmem>>, vector<16xf32>,
      tpu.vector_store %arg9[%swap3A_301, %swap3A_302], %mul3A_296 {strides = array<i32>} : memref<512x16xf32, #tpu.memory_space<vmem>>, vector<16xf32>,
      %mul3A_304 = arith.constant 4 : i32
      %mul3A_305 = arith.muli %mul3A_304, %scan3A_287 : i32
      %add3A_306 = arith.constant 1 : i32
      %add3A_307 = arith.addi %mul3A_305, %add3A_306 : i32
      %get3A_308 = arith.index_cast %add3A_307 : i32 to index
      %get3A_309 = arith.constant 0 : index
      %get3A_310 = tpu.vector_load %arg9[%get3A_308, %get3A_309] {strides = array<i32>} : memref<512x16xf32, #tpu.memory_space<vmem>>, vector<16xf32>,
      %mul3A_311 = arith.mulf %get3A_310, %mul3A_269 : vector<16xf32>
      %mul3A_312 = arith.constant 4 : i32
      %mul3A_313 = arith.muli %mul3A_312, %scan3A_287 : i32
      %add3A_314 = arith.constant 1 : i32
      %add3A_315 = arith.addi %mul3A_313, %add3A_314 : i32
      %swap3A_316 = arith.index_cast %add3A_315 : i32 to index
      %swap3A_317 = arith.constant 0 : index
      %swap3A_318 = tpu.vector_load %arg9[%swap3A_316, %swap3A_317] {strides = array<i32>} : memref<512x16xf32, #tpu.memory_space<vmem>>, vector<16xf32>,
      tpu.vector_store %arg9[%swap3A_316, %swap3A_317], %mul3A_311 {strides = array<i32>} : memref<512x16xf32, #tpu.memory_space<vmem>>, vector<16xf32>,
      %mul3A_319 = arith.constant 4 : i32
      %mul3A_320 = arith.muli %mul3A_319, %scan3A_287 : i32
      %add3A_321 = arith.constant 2 : i32
      %add3A_322 = arith.addi %mul3A_320, %add3A_321 : i32
      %get3A_323 = arith.index_cast %add3A_322 : i32 to index
      %get3A_324 = arith.constant 0 : index
      %get3A_325 = tpu.vector_load %arg9[%get3A_323, %get3A_324] {strides = array<i32>} : memref<512x16xf32, #tpu.memory_space<vmem>>, vector<16xf32>,
      %mul3A_326 = arith.mulf %get3A_325, %mul3A_269 : vector<16xf32>
      %mul3A_327 = arith.constant 4 : i32
      %mul3A_328 = arith.muli %mul3A_327, %scan3A_287 : i32
      %add3A_329 = arith.constant 2 : i32
      %add3A_330 = arith.addi %mul3A_328, %add3A_329 : i32
      %swap3A_331 = arith.index_cast %add3A_330 : i32 to index
      %swap3A_332 = arith.constant 0 : index
      %swap3A_333 = tpu.vector_load %arg9[%swap3A_331, %swap3A_332] {strides = array<i32>} : memref<512x16xf32, #tpu.memory_space<vmem>>, vector<16xf32>,
      tpu.vector_store %arg9[%swap3A_331, %swap3A_332], %mul3A_326 {strides = array<i32>} : memref<512x16xf32, #tpu.memory_space<vmem>>, vector<16xf32>,
      %mul3A_334 = arith.constant 4 : i32
      %mul3A_335 = arith.muli %mul3A_334, %scan3A_287 : i32
      %add3A_336 = arith.constant 3 : i32
      %add3A_337 = arith.addi %mul3A_335, %add3A_336 : i32
      %get3A_338 = arith.index_cast %add3A_337 : i32 to index
      %get3A_339 = arith.constant 0 : index
      %get3A_340 = tpu.vector_load %arg9[%get3A_338, %get3A_339] {strides = array<i32>} : memref<512x16xf32, #tpu.memory_space<vmem>>, vector<16xf32>,
      %mul3A_341 = arith.mulf %get3A_340, %mul3A_269 : vector<16xf32>
      %mul3A_342 = arith.constant 4 : i32
      %mul3A_343 = arith.muli %mul3A_342, %scan3A_287 : i32
      %add3A_344 = arith.constant 3 : i32
      %add3A_345 = arith.addi %mul3A_343, %add3A_344 : i32
      %swap3A_346 = arith.index_cast %add3A_345 : i32 to index
      %swap3A_347 = arith.constant 0 : index
      %swap3A_348 = tpu.vector_load %arg9[%swap3A_346, %swap3A_347] {strides = array<i32>} : memref<512x16xf32, #tpu.memory_space<vmem>>, vector<16xf32>,
      tpu.vector_store %arg9[%swap3A_346, %swap3A_347], %mul3A_341 {strides = array<i32>} : memref<512x16xf32, #tpu.memory_space<vmem>>, vector<16xf32>,
      %scan3A_349 = arith.constant 0 : i32
      scf.yield %scan3A_349 : i32
    }
    %scan3A_278 = arith.constant 128 : i32
    %run_scoped3A = arith.constant 0 : i32
    "tpu.region"() ({
      %run_scoped3A_287 = tpu.sem_alloc : memref<!tpu.dma_semaphore, #tpu.memory_space<semaphore_mem>>
      %dma_start3A_288 = arith.constant 0 : i32
      %dma_start3A_289 = arith.constant 0 : i32
      %dma_start3A_290 = tpu.memref_slice %arg4[%run_scoped3A, %dma_start3A_288, %dma_start3A_289] : memref<2x16384x16xf32, #tpu.memory_space<hbm>> -> memref<1x16384x16xf32, #tpu.memory_space<hbm>>
      %dma_start3A_291 = tpu.memref_squeeze %dma_start3A_290 : memref<1x16384x16xf32, #tpu.memory_space<hbm>> -> memref<16384x16xf32, #tpu.memory_space<hbm>>
      %dma_start3A_292 = arith.constant 0 : i32
      %dma_start3A_293 = tpu.memref_slice %dma_start3A_291[%mul3A_2, %dma_start3A_292] : memref<16384x16xf32, #tpu.memory_space<hbm>> -> memref<512x16xf32, #tpu.memory_space<hbm>>
      %dma_start3A_294 = arith.constant 0 : i32
      %dma_start3A_295 = arith.constant 0 : i32
      %dma_start3A_296 = tpu.memref_slice %arg4[%run_scoped3A, %dma_start3A_294, %dma_start3A_295] : memref<2x16384x16xf32, #tpu.memory_space<hbm>> -> memref<1x16384x16xf32, #tpu.memory_space<hbm>>
      %dma_start3A_297 = tpu.memref_squeeze %dma_start3A_296 : memref<1x16384x16xf32, #tpu.memory_space<hbm>> -> memref<16384x16xf32, #tpu.memory_space<hbm>>
      %dma_start3A_298 = arith.constant 0 : i32
      %dma_start3A_299 = tpu.memref_slice %dma_start3A_297[%mul3A_2, %dma_start3A_298] : memref<16384x16xf32, #tpu.memory_space<hbm>> -> memref<512x16xf32, #tpu.memory_space<hbm>>
      tpu.enqueue_dma source(%arg9 : memref<512x16xf32, #tpu.memory_space<vmem>>) target(%dma_start3A_299 : memref<512x16xf32, #tpu.memory_space<hbm>>) target_semaphore(%run_scoped3A_287 : memref<!tpu.dma_semaphore, #tpu.memory_space<semaphore_mem>>)
      %dma_wait3A = arith.constant 0 : i32
      %dma_wait3A_300 = arith.constant 0 : i32
      %dma_wait3A_301 = tpu.memref_slice %arg4[%run_scoped3A, %dma_wait3A, %dma_wait3A_300] : memref<2x16384x16xf32, #tpu.memory_space<hbm>> -> memref<1x16384x16xf32, #tpu.memory_space<hbm>>
      %dma_wait3A_302 = tpu.memref_squeeze %dma_wait3A_301 : memref<1x16384x16xf32, #tpu.memory_space<hbm>> -> memref<16384x16xf32, #tpu.memory_space<hbm>>
      %dma_wait3A_303 = arith.constant 0 : i32
      %dma_wait3A_304 = tpu.memref_slice %dma_wait3A_302[%mul3A_2, %dma_wait3A_303] : memref<16384x16xf32, #tpu.memory_space<hbm>> -> memref<512x16xf32, #tpu.memory_space<hbm>>
      %dma_wait3A_305 = arith.constant 0 : i32
      %dma_wait3A_306 = arith.constant 0 : i32
      %dma_wait3A_307 = tpu.memref_slice %arg4[%run_scoped3A, %dma_wait3A_305, %dma_wait3A_306] : memref<2x16384x16xf32, #tpu.memory_space<hbm>> -> memref<1x16384x16xf32, #tpu.memory_space<hbm>>
      %dma_wait3A_308 = tpu.memref_squeeze %dma_wait3A_307 : memref<1x16384x16xf32, #tpu.memory_space<hbm>> -> memref<16384x16xf32, #tpu.memory_space<hbm>>
      %dma_wait3A_309 = arith.constant 0 : i32
      %dma_wait3A_310 = tpu.memref_slice %dma_wait3A_308[%mul3A_2, %dma_wait3A_309] : memref<16384x16xf32, #tpu.memory_space<hbm>> -> memref<512x16xf32, #tpu.memory_space<hbm>>
      tpu.wait_dma2 semaphore(%run_scoped3A_287 : memref<!tpu.dma_semaphore, #tpu.memory_space<semaphore_mem>>) src(%arg9 : memref<512x16xf32, #tpu.memory_space<vmem>>) dst(%dma_wait3A_310 : memref<512x16xf32, #tpu.memory_space<hbm>>)
      tpu.yield
    }) : () -> ()
    %scan3A_279 = arith.constant 0 : i32
    %scan3A_280 = arith.constant 0 : i32
    %scan3A_281 = arith.constant 128 : i32
    %scan3A_282 = arith.addi %scan3A_280, %scan3A_281 : i32
    %scan3A_283 = arith.constant 1 : i32
    %scan3A_284 = scf.for %scan3A_287 = %scan3A_280 to %scan3A_282 step %scan3A_283 iter_args(%scan3A_288 = %scan3A_279) -> (i32)  : i32 {
      %mul3A_289 = arith.constant 4 : i32
      %mul3A_290 = arith.muli %mul3A_289, %scan3A_287 : i32
      %add3A_291 = arith.constant 0 : i32
      %add3A_292 = arith.addi %mul3A_290, %add3A_291 : i32
      %swap3A_293 = arith.index_cast %add3A_292 : i32 to index
      %swap3A_294 = arith.constant 0 : index
      %swap3A_295 = tpu.vector_load %arg9[%swap3A_293, %swap3A_294] {strides = array<i32>} : memref<512x16xf32, #tpu.memory_space<vmem>>, vector<16xf32>,
      tpu.vector_store %arg9[%swap3A_293, %swap3A_294], %broadcast_in_dim3A_271 {strides = array<i32>} : memref<512x16xf32, #tpu.memory_space<vmem>>, vector<16xf32>,
      %mul3A_296 = arith.constant 4 : i32
      %mul3A_297 = arith.muli %mul3A_296, %scan3A_287 : i32
      %add3A_298 = arith.constant 1 : i32
      %add3A_299 = arith.addi %mul3A_297, %add3A_298 : i32
      %swap3A_300 = arith.index_cast %add3A_299 : i32 to index
      %swap3A_301 = arith.constant 0 : index
      %swap3A_302 = tpu.vector_load %arg9[%swap3A_300, %swap3A_301] {strides = array<i32>} : memref<512x16xf32, #tpu.memory_space<vmem>>, vector<16xf32>,
      tpu.vector_store %arg9[%swap3A_300, %swap3A_301], %broadcast_in_dim3A_271 {strides = array<i32>} : memref<512x16xf32, #tpu.memory_space<vmem>>, vector<16xf32>,
      %mul3A_303 = arith.constant 4 : i32
      %mul3A_304 = arith.muli %mul3A_303, %scan3A_287 : i32
      %add3A_305 = arith.constant 2 : i32
      %add3A_306 = arith.addi %mul3A_304, %add3A_305 : i32
      %swap3A_307 = arith.index_cast %add3A_306 : i32 to index
      %swap3A_308 = arith.constant 0 : index
      %swap3A_309 = tpu.vector_load %arg9[%swap3A_307, %swap3A_308] {strides = array<i32>} : memref<512x16xf32, #tpu.memory_space<vmem>>, vector<16xf32>,
      tpu.vector_store %arg9[%swap3A_307, %swap3A_308], %broadcast_in_dim3A_271 {strides = array<i32>} : memref<512x16xf32, #tpu.memory_space<vmem>>, vector<16xf32>,
      %mul3A_310 = arith.constant 4 : i32
      %mul3A_311 = arith.muli %mul3A_310, %scan3A_287 : i32
      %add3A_312 = arith.constant 3 : i32
      %add3A_313 = arith.addi %mul3A_311, %add3A_312 : i32
      %swap3A_314 = arith.index_cast %add3A_313 : i32 to index
      %swap3A_315 = arith.constant 0 : index
      %swap3A_316 = tpu.vector_load %arg9[%swap3A_314, %swap3A_315] {strides = array<i32>} : memref<512x16xf32, #tpu.memory_space<vmem>>, vector<16xf32>,
      tpu.vector_store %arg9[%swap3A_314, %swap3A_315], %broadcast_in_dim3A_271 {strides = array<i32>} : memref<512x16xf32, #tpu.memory_space<vmem>>, vector<16xf32>,
      %scan3A_317 = arith.constant 0 : i32
      scf.yield %scan3A_317 : i32
    }
    %scan3A_285 = arith.constant 128 : i32
    %run_scoped3A_286 = arith.constant 1 : i32
    "tpu.region"() ({
      %run_scoped3A_287 = tpu.sem_alloc : memref<!tpu.dma_semaphore, #tpu.memory_space<semaphore_mem>>
      %dma_start3A_288 = arith.constant 0 : i32
      %dma_start3A_289 = arith.constant 0 : i32
      %dma_start3A_290 = tpu.memref_slice %arg4[%run_scoped3A_286, %dma_start3A_288, %dma_start3A_289] : memref<2x16384x16xf32, #tpu.memory_space<hbm>> -> memref<1x16384x16xf32, #tpu.memory_space<hbm>>
      %dma_start3A_291 = tpu.memref_squeeze %dma_start3A_290 : memref<1x16384x16xf32, #tpu.memory_space<hbm>> -> memref<16384x16xf32, #tpu.memory_space<hbm>>
      %dma_start3A_292 = arith.constant 0 : i32
      %dma_start3A_293 = tpu.memref_slice %dma_start3A_291[%mul3A_2, %dma_start3A_292] : memref<16384x16xf32, #tpu.memory_space<hbm>> -> memref<512x16xf32, #tpu.memory_space<hbm>>
      %dma_start3A_294 = arith.constant 0 : i32
      %dma_start3A_295 = arith.constant 0 : i32
      %dma_start3A_296 = tpu.memref_slice %arg4[%run_scoped3A_286, %dma_start3A_294, %dma_start3A_295] : memref<2x16384x16xf32, #tpu.memory_space<hbm>> -> memref<1x16384x16xf32, #tpu.memory_space<hbm>>
      %dma_start3A_297 = tpu.memref_squeeze %dma_start3A_296 : memref<1x16384x16xf32, #tpu.memory_space<hbm>> -> memref<16384x16xf32, #tpu.memory_space<hbm>>
      %dma_start3A_298 = arith.constant 0 : i32
      %dma_start3A_299 = tpu.memref_slice %dma_start3A_297[%mul3A_2, %dma_start3A_298] : memref<16384x16xf32, #tpu.memory_space<hbm>> -> memref<512x16xf32, #tpu.memory_space<hbm>>
      tpu.enqueue_dma source(%arg9 : memref<512x16xf32, #tpu.memory_space<vmem>>) target(%dma_start3A_299 : memref<512x16xf32, #tpu.memory_space<hbm>>) target_semaphore(%run_scoped3A_287 : memref<!tpu.dma_semaphore, #tpu.memory_space<semaphore_mem>>)
      %dma_wait3A = arith.constant 0 : i32
      %dma_wait3A_300 = arith.constant 0 : i32
      %dma_wait3A_301 = tpu.memref_slice %arg4[%run_scoped3A_286, %dma_wait3A, %dma_wait3A_300] : memref<2x16384x16xf32, #tpu.memory_space<hbm>> -> memref<1x16384x16xf32, #tpu.memory_space<hbm>>
      %dma_wait3A_302 = tpu.memref_squeeze %dma_wait3A_301 : memref<1x16384x16xf32, #tpu.memory_space<hbm>> -> memref<16384x16xf32, #tpu.memory_space<hbm>>
      %dma_wait3A_303 = arith.constant 0 : i32
      %dma_wait3A_304 = tpu.memref_slice %dma_wait3A_302[%mul3A_2, %dma_wait3A_303] : memref<16384x16xf32, #tpu.memory_space<hbm>> -> memref<512x16xf32, #tpu.memory_space<hbm>>
      %dma_wait3A_305 = arith.constant 0 : i32
      %dma_wait3A_306 = arith.constant 0 : i32
      %dma_wait3A_307 = tpu.memref_slice %arg4[%run_scoped3A_286, %dma_wait3A_305, %dma_wait3A_306] : memref<2x16384x16xf32, #tpu.memory_space<hbm>> -> memref<1x16384x16xf32, #tpu.memory_space<hbm>>
      %dma_wait3A_308 = tpu.memref_squeeze %dma_wait3A_307 : memref<1x16384x16xf32, #tpu.memory_space<hbm>> -> memref<16384x16xf32, #tpu.memory_space<hbm>>
      %dma_wait3A_309 = arith.constant 0 : i32
      %dma_wait3A_310 = tpu.memref_slice %dma_wait3A_308[%mul3A_2, %dma_wait3A_309] : memref<16384x16xf32, #tpu.memory_space<hbm>> -> memref<512x16xf32, #tpu.memory_space<hbm>>
      tpu.wait_dma2 semaphore(%run_scoped3A_287 : memref<!tpu.dma_semaphore, #tpu.memory_space<semaphore_mem>>) src(%arg9 : memref<512x16xf32, #tpu.memory_space<vmem>>) dst(%dma_wait3A_310 : memref<512x16xf32, #tpu.memory_space<hbm>>)
      tpu.yield
    }) : () -> ()
    return
  }
}

</mosaic_0001>

<sc_bundles>
// kernel: kernel.3.cloned.1.call-start
scs
__scs_entry_jumppad:
0x0: {  	(pc) =	sbr.rel $0x88, $3  }
0x1: {  	(tag) =	ssettag $0x0;
	lr =	simm.s32 $0x1  }
0x2: {  	[smem:$0x3F9F] =	sst lr;
	_ =	strace $0xD0000000  }
0x3: {  	_ = 	snop  }
0x4: {  	_ = 	snop  }
0x5: {  	_ = 	snop  }
0x6: {  	_ = 	snop  }
0x7: {  	_ = 	snop  }
__scs_overlays_trampoline_lowered:
0x8: {  	[smem:$0x3FAE] =	sst s0  }
0x9: {  	[smem:$0x3FAF] =	sst s1  }
0xa: {  	[smem:$0x3FB0] =	sst s2  }
0xb: {  	[smem:$0x3FB1] =	sst s3  }
0xc: {  	[smem:$0x3FB2] =	sst s4  }
0xd: {  	[smem:$0x3FB3] =	sst s5  }
0xe: {  	[smem:$0x3FB4] =	sst s6  }
0xf: {  	[smem:$0x3FB5] =	sst s7  }
0x10: {  	[smem:$0x3FB6] =	sst s8  }
0x11: {  	[smem:$0x3FB7] =	sst s9;
	s0 =	simm.s32 @!p0 $0x0  }
0x12: {  	s1 =	sld [smem:$0x3F9D];
	s0 =	simm.s32 @p0 $0x1  }
0x13: {  	[smem:$0x3FB8] =	sst s0;
	s0 =	simm.s32 @!p1 $0x0  }
0x14: {  	s2 =	sld [smem:$0x3F9C];
	s0 =	simm.s32 @p1 $0x1  }
0x15: {  	[smem:$0x3FB9] =	sst s0;
	s0 =	simm.s32 @!p2 $0x0  }
0x16: {  	s3 =	sld [smem:$0x3FDB];
	s0 =	simm.s32 @p2 $0x1  }
0x17: {  	s4 =	simm.s32 $0x1BF5;
	[smem:$0x3FBB] =	sst s0  }
0x18: {  	s0 =	sld [smem:$0x3F9E];
	_ =	swait.ge [sflag:s4], $0x0  }
0x19: {  	s7 =	sld [smem:$0x3F9F]  }
0x1a: {  	s8 =	sadd.s32 $0xFFFFE003, lr  }
0x1b: {  	s9 =	sadd.s32 $0xFFFFFEF7, lr;
	s5 =	simm.s32 $0xFFFFFFFF;
	p2 =	slt.u32 s8, $0xFFFFF086  }
0x1c: {  	p1 =	slt.u32 s9, $0xF7A;
	s5 =	simm.s32 @!p2 $0x0  }
0x1d: {  	s5 =	simm.s32 @p1 $0x1;
	p0 =	seq.s32 s7, s2  }
0x1e: {  	s7 =	smul.u32 @!p0 $0xF7A, s2;
	p2 =	seq.s32 @!p0 s5, $0x0  }
0x1f: {  	s9 =	smul.u32 $0xF7A, s1;
	s8 =	simm.s32 @!p0 $0x1BF5;
	p2 =	por !p2, p0  }
0x20: {  	[sflag:s8] =	ssyncset.s32 @!p0 $0xFFFFF086;
	s6 =	sadd.s32 @!p0 s3, s7;
	s7 =	simm.s32 @!p0 $0x108  }
0x21: {  	s3 =	sadd.s32 s3, s9;
	s6 =	sadd.s32 @!p0 $0x88, s6;
	s7 =	simm.s32 @p2 $0x1082  }
0x22: {  	[simem:s7], [sflag:s8] =	dma.local @!p0 [hbm:s6], $0xF7A  }
0x23: {  	s9 =	sor.u32 $0xD0000000, s2;
	s6 =	simm.s32 $0x108;
	_ =	swait.ge @!p0 [sflag:s8], $0x0  }
0x24: {  	s3 =	sadd.s32 $0x88, s3;
	s6 =	simm.s32 @!p1 $0x1082;
	[sflag:s4] =	ssyncset.s32 $0xFFFFF086  }
0x25: {  	[simem:s6], [sflag:s4] =	dma.local [hbm:s3], $0xF7A  }
0x26: {  	[smem:$0x3F9F] =	sst s1;
	(tag) =	ssettag s2;
	_ =	strace s9  }
0x27: {  	s1 =	sld [smem:$0x3FAF]  }
0x28: {  	s2 =	sld [smem:$0x3FB0]  }
0x29: {  	s4 =	sld [smem:$0x3FB2]  }
0x2a: {  	p0 =	seq.s32 s5, $0x0;
	s5 =	sld [smem:$0x3FB3]  }
0x2b: {  	s6 =	sld [smem:$0x3FB4]  }
0x2c: {  	s7 =	sld [smem:$0x3FB5]  }
0x2d: {  	s3 =	simm.s32 $0x108;
	s8 =	sld [smem:$0x3FB6]  }
0x2e: {  	s3 =	simm.s32 @!p0 $0x1082;
	s9 =	sld [smem:$0x3FB7]  }
0x2f: {  	lr =	sadd.s32 s0, s3;
	s0 =	sld [smem:$0x3FAE]  }
0x30: {  	s3 =	sld [smem:$0x3FB1]  }
0x31: {  	[smem:$0x3FBA] =	sst s10  }
0x32: {  	s10 =	sld [smem:$0x3FB8];
	_ =	sdelay $0x3  }
0x33: {  	p0 =	seq.s32 s10, $0x1;
	s10 =	sld [smem:$0x3FBA];
	_ =	sdelay $0x3  }
0x34: {  	[smem:$0x3FBA] =	sst s10  }
0x35: {  	s10 =	sld [smem:$0x3FB9];
	_ =	sdelay $0x3  }
0x36: {  	p1 =	seq.s32 s10, $0x1;
	s10 =	sld [smem:$0x3FBA];
	_ =	sdelay $0x3  }
0x37: {  	[smem:$0x3FBA] =	sst s10  }
0x38: {  	s10 =	sld [smem:$0x3FBB]  }
0x39: {  	_ = 	snop;
	(pc) =	sbr.ind lr, $3  }
0x3a: {  	_ = 	snop  }
0x3b: {  	_ = 	snop  }
0x3c: {  	p2 =	seq.s32 s10, $0x1;
	s10 =	sld [smem:$0x3FBA]  }
0x3d: {  	_ =	shalt  }
0x3e: {  	_ =	shalt  }
0x3f: {  	_ =	shalt  }
0x40: {  	_ =	shalt  }
0x41: {  	_ =	shalt  }
0x42: {  	_ =	shalt  }
0x43: {  	_ =	shalt  }
0x44: {  	_ =	shalt  }
0x45: {  	_ =	shalt  }
0x46: {  	_ =	shalt  }
0x47: {  	_ =	shalt  }
0x48: {  	_ =	shalt  }
0x49: {  	_ =	shalt  }
0x4a: {  	_ =	shalt  }
0x4b: {  	_ =	shalt  }
0x4c: {  	_ =	shalt  }
0x4d: {  	_ =	shalt  }
0x4e: {  	_ =	shalt  }
0x4f: {  	_ =	shalt  }
0x50: {  	_ =	shalt  }
0x51: {  	_ =	shalt  }
0x52: {  	_ =	shalt  }
0x53: {  	_ =	shalt  }
0x54: {  	_ =	shalt  }
0x55: {  	_ =	shalt  }
0x56: {  	_ =	shalt  }
0x57: {  	_ =	shalt  }
0x58: {  	_ =	shalt  }
0x59: {  	_ =	shalt  }
0x5a: {  	_ =	shalt  }
0x5b: {  	_ =	shalt  }
0x5c: {  	_ =	shalt  }
0x5d: {  	_ =	shalt  }
0x5e: {  	_ =	shalt  }
0x5f: {  	_ =	shalt  }
0x60: {  	_ =	shalt  }
0x61: {  	_ =	shalt  }
0x62: {  	_ =	shalt  }
0x63: {  	_ =	shalt  }
0x64: {  	_ =	shalt  }
0x65: {  	_ =	shalt  }
0x66: {  	_ =	shalt  }
0x67: {  	_ =	shalt  }
0x68: {  	_ =	shalt  }
0x69: {  	_ =	shalt  }
0x6a: {  	_ =	shalt  }
0x6b: {  	_ =	shalt  }
0x6c: {  	_ =	shalt  }
0x6d: {  	_ =	shalt  }
0x6e: {  	_ =	shalt  }
0x6f: {  	_ =	shalt  }
0x70: {  	_ =	shalt  }
0x71: {  	_ =	shalt  }
0x72: {  	_ =	shalt  }
0x73: {  	_ =	shalt  }
0x74: {  	_ =	shalt  }
0x75: {  	_ =	shalt  }
0x76: {  	_ =	shalt  }
0x77: {  	_ =	shalt  }
0x78: {  	_ =	shalt  }
0x79: {  	_ =	shalt  }
0x7a: {  	_ =	shalt  }
0x7b: {  	_ =	shalt  }
0x7c: {  	_ =	shalt  }
0x7d: {  	_ =	shalt  }
0x7e: {  	_ =	shalt  }
0x7f: {  	_ =	shalt  }
0x80: {  	_ =	shalt  }
0x81: {  	_ =	shalt  }
0x82: {  	_ =	shalt  }
0x83: {  	_ =	shalt  }
0x84: {  	_ =	shalt  }
0x85: {  	_ =	shalt  }
0x86: {  	_ =	shalt  }
0x87: {  	_ =	shalt  }
.Lfunc_end0:
.L_simem_size_0:
called_computation_lowered:
.L_overlay_start_0:
0x88: {  	s2 =	sld [smem:$0x3FD9]  }
0x89: {  	s3 =	sld [smem:$0x3FFE];
	_ =	sdelay $0x1  }
0x8a: {  	s1 =	srdreg.scid  }
0x8b: {  	s0 =	sand.u32 $0x1, s1  }
0x8c: {  	s17 =	sshll.u32 s0, $0xA;
	s2 =	sadd.s32 s3, s2  }
0x8d: {  	s2 =	sadd.s32 s2, s17  }
0x8e: {  	[smem:$0x3FC6] =	sst s2  }
0x8f: {  	_ = 	snop  }
0x90: {  	s2 =	sld [smem:$0x3FC9]  }
0x91: {  	s18 =	sld [smem:$0x3FC8]  }
0x92: {  	s4 =	sld [smem:$0x3FD0];
	(tm) =	ssettm $0x1  }
0x93: {  	s5 =	sld [smem:$0x3FFB];
	_ =	sdelay $0x3  }
0x94: {  	_ =	strace s5  }
0x95: {  	s5 =	sld [smem:$0x3FFC];
	_ =	sdelay $0x3  }
0x96: {  	_ =	strace s5  }
0x97: {  	s5 =	sld [smem:$0x3FFD];
	_ =	sdelay $0x3  }
0x98: {  	_ =	strace s5  }
0x99: {  	_ =	strace $0x8FFFFFFF  }
0x9a: {  	s19 =	sld [smem:$0x3FDB];
	_ =	sdelay $0x1  }
0x9b: {  	s6 =	simm.s32 $_scs_section_size  }
0x9c: {  	s7 =	simm.s32 $_size__tile_overlayer_lowered;
	s8 =	simm.s32 $_tile_overlayer_lowered  }
0x9d: {  	s22 =	simm.s32 $0x1BFF;
	s21 =	sshll.u32 s8, $0x1;
	s5 =	sadd.s32 s6, s19  }
0x9e: {  	s9 =	simm.s32 $0x0;
	s20 =	sshll.u32 s7, $0x1;
	s7 =	sadd.s32 s21, s5  }
0x9f: {  	[timem:s9], [sflag:s22] =	dma.local [hbm:s7], s20  }
0xa0: {  	_ =	swait.ge [sflag:s22], s20  }
0xa1: {  	s6 =	ssub.s32 $0x0, s20;
	[sflag:s22] =	ssyncset.done $0x0  }
0xa2: {  	[sflag:s22] =	ssyncadd.s32 s6;
	_ =	sdelay $0x1  }
0xa3: {  	s23 =	simm.s32 $0x1B8B  }
0xa4: {  	_ =	swait.ge [sflag:s23], $0x1  }
0xa5: {  	[sflag:s23] =	ssyncset.done $0x0  }
0xa6: {  	s25 =	simm.s32 $0x1B8E;
	s24 =	sld [smem:$0x3FFE];
	[sflag:s23] =	ssyncadd.s32 $0xFFFFFFFF  }
0xa7: {  	s26 =	simm.s32 $execute0_lowered;
	[smem:$0x3FD2] =	sst s25  }
0xa8: {  	s7 =	sshll.u32 s26, $0x1;
	_ =	strace $0x80000046;
	[dreg:$0x1] =	wrdreg $0xFFFFFFFF  }
0xa9: {  	s28 =	simm.s32 $_size_execute0_lowered;
	s5 =	sadd.s32 s5, s7;
	[dreg:$0x0] =	wrdreg $0x0  }
0xaa: {  	s7 =	sshll.u32 s28, $0x1;
	[dreg:$0x2] =	wrdreg s5  }
0xab: {  	[dreg:$0x3] =	wrdreg s7  }
0xac: {  	[dreg:$0x4] =	wrdreg $0xC0  }
0xad: {  	_ =	task [dreg:s9], $0x5FFFF  }
0xae: {  	[dreg:$0x1] =	wrdreg $0xFFFFFFFF  }
0xaf: {  	[dreg:$0x0] =	wrdreg $0x60  }
0xb0: {  	[dreg:$0x2] =	wrdreg s2  }
0xb1: {  	[dreg:$0x3] =	wrdreg s18  }
0xb2: {  	[dreg:$0x4] =	wrdreg s24  }
0xb3: {  	[dreg:$0x5] =	wrdreg s4  }
0xb4: {  	[dreg:$0x6] =	wrdreg $0x9  }
0xb5: {  	_ =	task.clear_ibuf [dreg:s9], $0x7FFFF;
	_ =	strace $0x90000046  }
0xb6: {  	s29 =	simm.s32 $0x9;
	_ =	strace $0x80000048  }
0xb7: {  	_ =	swait.ge [sflag:s29], $0x1  }
0xb8: {  	[sflag:s29] =	ssyncadd.s32 $0xFFFFFFFF  }
0xb9: {  	_ =	strace $0x90000048  }
0xba: {  	_ =	sfence  }
0xbb: {  	s30 =	sld [smem:$0x0];
	_ =	sdelay $0x2  }
0xbc: {  	s31 =	sshll.u32 s1, $0xD;
	s1 =	sshrl.u32 s1, $0x2  }
0xbd: {  	s3 =	sand.u32 $0x4000, s31;
	s1 =	sadd.s32 s1, s30  }
0xbe: {  	s0 =	sor.u32 s3, s0;
	s1 =	sshll.u32 s1, $0x11  }
0xbf: {  	s0 =	sor.u32 s1, s0  }
0xc0: {  	s0 =	sadd.s32 $0x8F2B, s0  }
0xc1: {  	[sflag:s0] =	ssyncadd.remote.s32 $0x1  }
0xc2: {  	_ =	sfence.sel $0xFFFF  }
0xc3: {  	[dreg:$0x0] =	wrdreg $0xFFFFFFFF;
	(pc) =	sbr.abs _section_cstart, $3  }
0xc4: {  	[dreg:$0x1] =	wrdreg $0xFFFFFFFF  }
0xc5: {  	_ =	task.clear_ibuf [dreg:s9], $0x2FFFF;
	_ =	strace $0x9FFFFFFF  }
0xc6: {  	(tm) =	ssettm $0x7FFFFFFF  }
0xc7: {  	_ =	shalt  }
tec
execute0_lowered:
.L_overlay_start_1:
0x0: {  	(tag) =	ssettag $0x1  }
0x1: {  	v0 =	vimm.s32 $0x6040200  }
0x2: {  	v0 =	vunpack.c.0.s8.s32 v0  }
0x3: {  	vm0 =	vcmask $0xF00;
	v29 =	vlaneseq.u32;
	v3 =	vimm.s32 $0x1  }
0x4: {  	v4 =	vimm.s32 $0x2;
	v0 =	vnsel vm0, $0x2DC7E, v0;
	vm0 =	vcmask $0x1310  }
0x5: {  	v5 =	vimm.s32 $0x3;
	v0 =	vsel vm0, $0xF428, v0;
	vm0 =	vcmask $0x1714  }
0x6: {  	v6 =	vimm.s32 $0x4;
	v0 =	vsel vm0, $0xF42A, v0;
	vm0 =	vcmask $0x1B18  }
0x7: {  	v12 =	vimm.s32 $0x5;
	v0 =	vsel vm0, $0xF42C, v0;
	vm0 =	vcmask $0x1F1C  }
0x8: {  	v13 =	vimm.s32 $0x6;
	v0 =	vsel vm0, $0xF42E, v0;
	vm0 =	vcmask $0x2320  }
0x9: {  	v14 =	vimm.s32 $0x7;
	v0 =	vsel vm0, $0x1E850, v0;
	vm0 =	vcmask $0x2724  }
0xa: {  	s0 =	rddreg [dreg:$0x0];
	v15 =	vimm.s32 $0x8;
	v0 =	vsel vm0, $0x1E852, v0;
	vm0 =	vcmask $0x2B28  }
0xb: {  	s1 =	rddreg [dreg:$0x1];
	v16 =	vimm.s32 $0x9;
	v0 =	vsel vm0, $0x1E854, v0;
	vm0 =	vcmask $0x2F2C  }
0xc: {  	s2 =	rddreg [dreg:$0x2];
	v17 =	vimm.s32 $0xA;
	v0 =	vsel vm0, $0x1E856, v0;
	vm0 =	vcmask $0x3330  }
0xd: {  	s11 =	rddreg [dreg:$0x3];
	s3 =	srdreg.scid;
	v24 =	vimm.s32 $0xB;
	v0 =	vsel vm0, $0x2DC78, v0;
	vm0 =	vcmask $0x3734  }
0xe: {  	s6 =	stileid.u32;
	s4 =	simm.s32 $0x0;
	s16 =	simm.s32 $0x6;
	v25 =	vimm.s32 $0xC;
	v1 =	vsel vm0, $0x2DC7A, v0;
	vm0 =	vcmask $0x3B38  }
0xf: {  	s12 =	simm.s32 $0x1;
	v26 =	vimm.s32 $0xD;
	s14 =	simm.s32 $0x8180;
	s28 =	simm.s32 $0x8080;
	v30 =	vsel vm0, $0x2DC7C, v1;
	v1 =	vimm.s32 $0x0  }
0x10: {  	v27 =	vimm.s32 $0xE;
	s18 =	simm.s32 $0x7F00;
	s29 =	simm.s32 $0x8000;
	s15 =	simm.s32 $0x7F80;
	v7 =	vperm.xlane v30, v1;
	v8 =	vperm.xlane v30, v3  }
0x11: {  	v28 =	vimm.s32 $0xF;
	s19 =	simm.s32 $0x7D80;
	s30 =	simm.s32 $0x7E80;
	s31 =	simm.s32 $0x7E00;
	v9 =	vperm.xlane v30, v4;
	v10 =	vperm.xlane v30, v5  }
0x12: {  	s13 =	simm.s32 $0x7C80;
	v44 =	vimm.f32 $0.0e+00;
	s5 =	sand.u32 $0x1, s3;
	s6 =	sshll.u32 s6, $0x1;
	v11 =	vperm.xlane v30, v6;
	v18 =	vperm.xlane v30, v12  }
0x13: {  	[smem:$0x7FF] =	sst s4;
	s22 =	sand.u32 $0x2, s3;
	s23 =	sshrl.u32 s3, $0x2;
	v2 =	vmul.u32 $0x8, v29;
	v19 =	vperm.xlane v30, v13;
	v20 =	vperm.xlane v30, v14  }
0x14: {  	s3 =	simm.s32 $0x0;
	s6 =	sor.u32 s5, s6;
	s7 =	ssub.s32 $0x2, s5;
	v0 =	vmul.u32 $0x2, v29;
	v21 =	vperm.xlane v30, v15;
	v22 =	vperm.xlane v30, v16  }
0x15: {  	_ =	strace $0x80000047;
	[dreg:$0x7] =	wrdreg s23;
	s24 =	ssub.s32 s22, s5;
	v29 =	vmul.u32 $0x80, v29;
	v23 =	vperm.xlane v30, v17;
	v31 =	vperm.xlane v30, v24  }
0x16: {  	s5 =	simm.s32 $0x3;
	s23 =	simm.s32 $0x7B80;
	s8 =	sshll.u32 s6, $0xD;
	vm0 =	vmmov $0x1;
	v32 =	vperm.xlane v30, v25;
	v33 =	vperm.xlane v30, v26  }
0x17: {  	s9 =	sshrl.u32 s7, $0x1;
	s20 =	sshll.u32 s6, $0x6;
	s21 =	sshll.u32 s6, $0x4;
	v34 =	vperm.xlane v30, v27;
	v35 =	vperm.xlane v30, v28;
	v36 =	vor.u32 $0x1000, v29  }
0x18: {  	s6 =	simm.s32 $0x4;
	s10 =	sadd.s32 s8, s2;
	s0 =	sadd.s32 s0, s20;
	v37 =	vor.u32 $0x1800, v29;
	v38 =	vor.u32 $0x2000, v29;
	v39 =	vor.u32 $0x2800, v29  }
0x19: {  	s7 =	ssub.s32 s7, s9;
	[dreg:$0x5] =	wrdreg s0;
	s0 =	sadd.s32 s11, s21;
	v40 =	vor.u32 $0x3000, v29;
	v41 =	vor.u32 $0x3800, v29;
	v42 =	vor.u32 $0x4000, v29  }
0x1a: {  	s2 =	sadd.s32 $0x40800, s2;
	s25 =	sadd.s32 $0x800, s10;
	[dreg:$0x6] =	wrdreg s0;
	v43 =	vor.u32 $0x4800, v29;
	v7 =	vadd.s32 v2, v7;
	v8 =	vadd.s32 v2, v8  }
0x1b: {  	s9 =	simm.s32 $0x7B00;
	s26 =	smax.u32 s7, $0x1;
	[dreg:$0x8] =	wrdreg s25;
	v9 =	vadd.s32 v2, v9;
	v10 =	vadd.s32 v2, v10;
	v11 =	vadd.s32 v2, v11  }
0x1c: {  	s11 =	simm.s32 $0x280;
	s2 =	sadd.s32 s8, s2;
	[dreg:$0x9] =	wrdreg s26;
	v18 =	vadd.s32 v2, v18;
	v19 =	vadd.s32 v2, v19;
	v20 =	vadd.s32 v2, v20  }
0x1d: {  	s8 =	simm.s32 $0x2;
	s0 =	sadd.s32 $0x5, s24;
	[dreg:$0xa] =	wrdreg s2;
	v21 =	vadd.s32 v2, v21;
	v22 =	vadd.s32 v2, v22;
	v23 =	vadd.s32 v2, v23  }
0x1e: {  	s24 =	simm.s32 $0x7A80;
	s26 =	simm.s32 $0x8100;
	s0 =	sshll.u32 s0, $0xE;
	v30 =	vadd.s32 v2, v31;
	v31 =	vadd.s32 v2, v32;
	v32 =	vadd.s32 v2, v33  }
0x1f: {  	s25 =	simm.s32 $0x7D00;
	[dreg:$0xb] =	wrdreg s0;
	s0 =	simm.s32 $0x7C00;
	v33 =	vadd.s32 v2, v34;
	v34 =	vadd.s32 v2, v35;
	v35 =	vor.u32 $0x800, v29  }
.LBB2_1:
0x20: {  	[dreg:$0xc] =	wrdreg s3  }
0x21: {  	s2 =	rddreg [dreg:$0x5]  }
0x22: {  	[tilespmem:s4], [sflag:$0x6] =	stream.linear.gather [hbm4b:s2+s4], $0x200, $0x38;
	[tilespmem:$0x19300] =	vst v63  }
0x23: {  	_ =	swait.ge [sflag:s16], $0x200  }
0x24: {  	[sflag:s16] =	ssyncset.done $0x0  }
0x25: {  	[sflag:s16] =	ssyncadd.s32 $0xFFFFFE00  }
0x26: {  	v45 =	vld [tilespmem:$0x0];
	_ =	sdelay $0x4  }
0x27: {  	(v2sf) =	vpush v45, $0x0;
	_ =	sdelay $0xe  }
0x28: {  	s16 =	spop (v2sf)  }
0x29: {  	s2 =	sand.u32 $0xFFFFF80, s16  }
0x2a: {  	[tilespmem:$0x200] =	vst v0;
	s2 =	sadd.s32 s1, s2  }
0x2b: {  	[tilespmem:s11], [sflag:$0x1] =	stream.indirect_vreg.gather [hbm4b:s2+s4], $0x80, v7, vm0, $0xb8;
	[tilespmem:$0x19300] =	vst v63  }
0x2c: {  	s17 =	simm.s32 $0x300  }
0x2d: {  	[tilespmem:s17], [sflag:$0x1] =	stream.indirect_vreg.gather [hbm4b:s2+s4], $0x80, v8, vm0, $0xb8;
	[tilespmem:$0x19300] =	vst v63  }
0x2e: {  	s20 =	simm.s32 $0x380  }
0x2f: {  	[tilespmem:s20], [sflag:$0x1] =	stream.indirect_vreg.gather [hbm4b:s2+s4], $0x80, v9, vm0, $0xb8;
	[tilespmem:$0x19300] =	vst v63  }
0x30: {  	s21 =	simm.s32 $0x400  }
0x31: {  	[tilespmem:s21], [sflag:$0x1] =	stream.indirect_vreg.gather [hbm4b:s2+s4], $0x80, v10, vm0, $0xb8;
	[tilespmem:$0x19300] =	vst v63  }
0x32: {  	s22 =	simm.s32 $0x480  }
0x33: {  	[tilespmem:s22], [sflag:$0x1] =	stream.indirect_vreg.gather [hbm4b:s2+s4], $0x80, v11, vm0, $0xb8;
	[tilespmem:$0x19300] =	vst v63  }
0x34: {  	s7 =	simm.s32 $0x500  }
0x35: {  	[tilespmem:s7], [sflag:$0x1] =	stream.indirect_vreg.gather [hbm4b:s2+s4], $0x80, v18, vm0, $0xb8;
	[tilespmem:$0x19300] =	vst v63  }
0x36: {  	s10 =	simm.s32 $0x580  }
0x37: {  	[tilespmem:s10], [sflag:$0x1] =	stream.indirect_vreg.gather [hbm4b:s2+s4], $0x80, v19, vm0, $0xb8;
	[tilespmem:$0x19300] =	vst v63  }
0x38: {  	s16 =	simm.s32 $0x600  }
0x39: {  	[tilespmem:s16], [sflag:$0x1] =	stream.indirect_vreg.gather [hbm4b:s2+s4], $0x80, v20, vm0, $0xb8;
	[tilespmem:$0x19300] =	vst v63  }
0x3a: {  	s17 =	simm.s32 $0x680  }
0x3b: {  	[tilespmem:s17], [sflag:$0x1] =	stream.indirect_vreg.gather [hbm4b:s2+s4], $0x80, v21, vm0, $0xb8;
	[tilespmem:$0x19300] =	vst v63  }
0x3c: {  	s20 =	simm.s32 $0x700  }
0x3d: {  	[tilespmem:s20], [sflag:$0x1] =	stream.indirect_vreg.gather [hbm4b:s2+s4], $0x80, v22, vm0, $0xb8;
	[tilespmem:$0x19300] =	vst v63  }
0x3e: {  	s21 =	simm.s32 $0x780  }
0x3f: {  	[tilespmem:s21], [sflag:$0x1] =	stream.indirect_vreg.gather [hbm4b:s2+s4], $0x80, v23, vm0, $0xb8;
	[tilespmem:$0x19300] =	vst v63  }
0x40: {  	s22 =	simm.s32 $0x800  }
0x41: {  	[tilespmem:s22], [sflag:$0x1] =	stream.indirect_vreg.gather [hbm4b:s2+s4], $0x80, v30, vm0, $0xb8;
	[tilespmem:$0x19300] =	vst v63  }
0x42: {  	s7 =	simm.s32 $0x880  }
0x43: {  	[tilespmem:s7], [sflag:$0x1] =	stream.indirect_vreg.gather [hbm4b:s2+s4], $0x80, v31, vm0, $0xb8;
	[tilespmem:$0x19300] =	vst v63  }
0x44: {  	s10 =	simm.s32 $0x900  }
0x45: {  	[tilespmem:s10], [sflag:$0x1] =	stream.indirect_vreg.gather [hbm4b:s2+s4], $0x80, v32, vm0, $0xb8;
	[tilespmem:$0x19300] =	vst v63  }
0x46: {  	s16 =	simm.s32 $0x980  }
0x47: {  	[tilespmem:s16], [sflag:$0x1] =	stream.indirect_vreg.gather [hbm4b:s2+s4], $0x80, v33, vm0, $0xb8;
	[tilespmem:$0x19300] =	vst v63  }
0x48: {  	(v2sf) =	vpush v45, $0x1;
	s17 =	simm.s32 $0xA00  }
0x49: {  	[tilespmem:s17], [sflag:$0x1] =	stream.indirect_vreg.gather [hbm4b:s2+s4], $0x80, v34, vm0, $0xb8;
	[tilespmem:$0x19300] =	vst v63  }
0x4a: {  	v46 =	vld [tilespmem:$0x200];
	_ =	sdelay $0x4  }
0x4b: {  	v47 =	vshrl.u32 v46, $0x3  }
0x4c: {  	v47 =	vmul.u32 $0xF428, v47  }
0x4d: {  	v46 =	vand.u32 $0x7, v46  }
0x4e: {  	v46 =	vor.u32 v46, v47  }
0x4f: {  	v47 =	vperm.xlane v46, v1;
	_ =	sdelay $0x1  }
0x50: {  	v48 =	vperm.xlane v46, v3;
	v47 =	vadd.s32 v2, v47;
	_ =	sdelay $0x1  }
0x51: {  	s20 =	spop (v2sf);
	v49 =	vperm.xlane v46, v4;
	v48 =	vadd.s32 v2, v48  }
0x52: {  	s2 =	sand.u32 $0xFFFFF80, s20  }
0x53: {  	s21 =	simm.s32 $0xA80;
	s2 =	sadd.s32 s1, s2;
	v50 =	vperm.xlane v46, v5;
	v49 =	vadd.s32 v2, v49  }
0x54: {  	[tilespmem:s21], [sflag:$0x1] =	stream.indirect_vreg.gather [hbm4b:s2+s4], $0x80, v47, vm0, $0xb8;
	[tilespmem:$0x19300] =	vst v63  }
0x55: {  	s22 =	simm.s32 $0xB00;
	v60 =	vperm.xlane v46, v6;
	v59 =	vadd.s32 v2, v50  }
0x56: {  	[tilespmem:s22], [sflag:$0x1] =	stream.indirect_vreg.gather [hbm4b:s2+s4], $0x80, v48, vm0, $0xb8;
	[tilespmem:$0x19300] =	vst v63  }
0x57: {  	s7 =	simm.s32 $0xB80;
	v62 =	vperm.xlane v46, v12;
	v61 =	vadd.s32 v2, v60  }
0x58: {  	[tilespmem:s7], [sflag:$0x1] =	stream.indirect_vreg.gather [hbm4b:s2+s4], $0x80, v49, vm0, $0xb8;
	[tilespmem:$0x19300] =	vst v63  }
0x59: {  	s10 =	simm.s32 $0xC00;
	v52 =	vperm.xlane v46, v13;
	v63 =	vadd.s32 v2, v62  }
0x5a: {  	[tilespmem:s10], [sflag:$0x1] =	stream.indirect_vreg.gather [hbm4b:s2+s4], $0x80, v59, vm0, $0xb8;
	[tilespmem:$0x19300] =	vst v63  }
0x5b: {  	s16 =	simm.s32 $0xC80;
	v54 =	vperm.xlane v46, v14;
	v53 =	vadd.s32 v2, v52  }
0x5c: {  	[tilespmem:s16], [sflag:$0x1] =	stream.indirect_vreg.gather [hbm4b:s2+s4], $0x80, v61, vm0, $0xb8;
	[tilespmem:$0x19300] =	vst v63  }
0x5d: {  	s17 =	simm.s32 $0xD00;
	v56 =	vperm.xlane v46, v15;
	v55 =	vadd.s32 v2, v54  }
0x5e: {  	[tilespmem:s17], [sflag:$0x1] =	stream.indirect_vreg.gather [hbm4b:s2+s4], $0x80, v63, vm0, $0xb8;
	[tilespmem:$0x19300] =	vst v63  }
0x5f: {  	s20 =	simm.s32 $0xD80;
	v58 =	vperm.xlane v46, v16;
	v57 =	vadd.s32 v2, v56  }
0x60: {  	[tilespmem:s20], [sflag:$0x1] =	stream.indirect_vreg.gather [hbm4b:s2+s4], $0x80, v53, vm0, $0xb8;
	[tilespmem:$0x19300] =	vst v63  }
0x61: {  	v60 =	vperm.xlane v46, v17;
	s21 =	simm.s32 $0xE00;
	v59 =	vadd.s32 v2, v58  }
0x62: {  	[tilespmem:s21], [sflag:$0x1] =	stream.indirect_vreg.gather [hbm4b:s2+s4], $0x80, v55, vm0, $0xb8;
	[tilespmem:$0x19300] =	vst v63  }
0x63: {  	v62 =	vperm.xlane v46, v24;
	s22 =	simm.s32 $0xE80;
	v61 =	vadd.s32 v2, v60  }
0x64: {  	[tilespmem:s22], [sflag:$0x1] =	stream.indirect_vreg.gather [hbm4b:s2+s4], $0x80, v57, vm0, $0xb8;
	[tilespmem:$0x19300] =	vst v63  }
0x65: {  	v52 =	vperm.xlane v46, v25;
	s7 =	simm.s32 $0xF00;
	v63 =	vadd.s32 v2, v62  }
0x66: {  	[tilespmem:s7], [sflag:$0x1] =	stream.indirect_vreg.gather [hbm4b:s2+s4], $0x80, v59, vm0, $0xb8;
	[tilespmem:$0x19300] =	vst v63  }
0x67: {  	v54 =	vperm.xlane v46, v26;
	s10 =	simm.s32 $0xF80;
	v53 =	vadd.s32 v2, v52  }
0x68: {  	[tilespmem:s10], [sflag:$0x1] =	stream.indirect_vreg.gather [hbm4b:s2+s4], $0x80, v61, vm0, $0xb8;
	[tilespmem:$0x19300] =	vst v63  }
0x69: {  	v56 =	vperm.xlane v46, v27;
	s16 =	simm.s32 $0x1000;
	v55 =	vadd.s32 v2, v54  }
0x6a: {  	[tilespmem:s16], [sflag:$0x1] =	stream.indirect_vreg.gather [hbm4b:s2+s4], $0x80, v63, vm0, $0xb8;
	[tilespmem:$0x19300] =	vst v63  }
0x6b: {  	v46 =	vperm.xlane v46, v28;
	s17 =	simm.s32 $0x1080;
	v57 =	vadd.s32 v2, v56  }
0x6c: {  	[tilespmem:s17], [sflag:$0x1] =	stream.indirect_vreg.gather [hbm4b:s2+s4], $0x80, v53, vm0, $0xb8;
	[tilespmem:$0x19300] =	vst v63  }
0x6d: {  	v46 =	vadd.s32 v2, v46;
	s20 =	simm.s32 $0x1100  }
0x6e: {  	[tilespmem:s20], [sflag:$0x1] =	stream.indirect_vreg.gather [hbm4b:s2+s4], $0x80, v55, vm0, $0xb8;
	[tilespmem:$0x19300] =	vst v63  }
0x6f: {  	s21 =	simm.s32 $0x1180  }
0x70: {  	[tilespmem:s21], [sflag:$0x1] =	stream.indirect_vreg.gather [hbm4b:s2+s4], $0x80, v57, vm0, $0xb8;
	[tilespmem:$0x19300] =	vst v63  }
0x71: {  	(v2sf) =	vpush v45, $0x2;
	s22 =	simm.s32 $0x1200  }
0x72: {  	[tilespmem:s22], [sflag:$0x1] =	stream.indirect_vreg.gather [hbm4b:s2+s4], $0x80, v46, vm0, $0xb8;
	[tilespmem:$0x19300] =	vst v63  }
0x73: {  	v46 =	vld [tilespmem:$0x200];
	_ =	sdelay $0x4  }
0x74: {  	v58 =	vshrl.u32 v46, $0x3  }
0x75: {  	v47 =	vmul.u32 $0xF428, v58  }
0x76: {  	v46 =	vand.u32 $0x7, v46  }
0x77: {  	v46 =	vor.u32 v46, v47  }
0x78: {  	v47 =	vperm.xlane v46, v1;
	_ =	sdelay $0x1  }
0x79: {  	v59 =	vperm.xlane v46, v3;
	v47 =	vadd.s32 v2, v47;
	_ =	sdelay $0x1  }
0x7a: {  	s3 =	spop (v2sf);
	v60 =	vperm.xlane v46, v4;
	v48 =	vadd.s32 v2, v59  }
0x7b: {  	s2 =	sand.u32 $0xFFFFF80, s3  }
0x7c: {  	s7 =	simm.s32 $0x1280;
	s2 =	sadd.s32 s1, s2;
	v61 =	vperm.xlane v46, v5;
	v49 =	vadd.s32 v2, v60  }
0x7d: {  	[tilespmem:s7], [sflag:$0x1] =	stream.indirect_vreg.gather [hbm4b:s2+s4], $0x80, v47, vm0, $0xb8;
	[tilespmem:$0x19300] =	vst v63  }
0x7e: {  	s10 =	simm.s32 $0x1300;
	v63 =	vperm.xlane v46, v6;
	v62 =	vadd.s32 v2, v61  }
0x7f: {  	[tilespmem:s10], [sflag:$0x1] =	stream.indirect_vreg.gather [hbm4b:s2+s4], $0x80, v48, vm0, $0xb8;
	[tilespmem:$0x19300] =	vst v63  }
0x80: {  	s16 =	simm.s32 $0x1380;
	v53 =	vperm.xlane v46, v12;
	v52 =	vadd.s32 v2, v63  }
0x81: {  	[tilespmem:s16], [sflag:$0x1] =	stream.indirect_vreg.gather [hbm4b:s2+s4], $0x80, v49, vm0, $0xb8;
	[tilespmem:$0x19300] =	vst v63  }
0x82: {  	s17 =	simm.s32 $0x1400;
	v55 =	vperm.xlane v46, v13;
	v54 =	vadd.s32 v2, v53  }
0x83: {  	[tilespmem:s17], [sflag:$0x1] =	stream.indirect_vreg.gather [hbm4b:s2+s4], $0x80, v62, vm0, $0xb8;
	[tilespmem:$0x19300] =	vst v63  }
0x84: {  	s20 =	simm.s32 $0x1480;
	v57 =	vperm.xlane v46, v14;
	v56 =	vadd.s32 v2, v55  }
0x85: {  	[tilespmem:s20], [sflag:$0x1] =	stream.indirect_vreg.gather [hbm4b:s2+s4], $0x80, v52, vm0, $0xb8;
	[tilespmem:$0x19300] =	vst v63  }
0x86: {  	s21 =	simm.s32 $0x1500;
	v58 =	vadd.s32 v2, v57;
	v59 =	vperm.xlane v46, v15  }
0x87: {  	[tilespmem:s21], [sflag:$0x1] =	stream.indirect_vreg.gather [hbm4b:s2+s4], $0x80, v54, vm0, $0xb8;
	[tilespmem:$0x19300] =	vst v63  }
0x88: {  	s22 =	simm.s32 $0x1580;
	v61 =	vperm.xlane v46, v16;
	v60 =	vadd.s32 v2, v59  }
0x89: {  	[tilespmem:s22], [sflag:$0x1] =	stream.indirect_vreg.gather [hbm4b:s2+s4], $0x80, v56, vm0, $0xb8;
	[tilespmem:$0x19300] =	vst v63  }
0x8a: {  	v63 =	vperm.xlane v46, v17;
	s7 =	simm.s32 $0x1600;
	v62 =	vadd.s32 v2, v61  }
0x8b: {  	[tilespmem:s7], [sflag:$0x1] =	stream.indirect_vreg.gather [hbm4b:s2+s4], $0x80, v58, vm0, $0xb8;
	[tilespmem:$0x19300] =	vst v63  }
0x8c: {  	v53 =	vperm.xlane v46, v24;
	s10 =	simm.s32 $0x1680;
	v52 =	vadd.s32 v2, v63  }
0x8d: {  	[tilespmem:s10], [sflag:$0x1] =	stream.indirect_vreg.gather [hbm4b:s2+s4], $0x80, v60, vm0, $0xb8;
	[tilespmem:$0x19300] =	vst v63  }
0x8e: {  	v55 =	vperm.xlane v46, v25;
	s16 =	simm.s32 $0x1700;
	v54 =	vadd.s32 v2, v53  }
0x8f: {  	[tilespmem:s16], [sflag:$0x1] =	stream.indirect_vreg.gather [hbm4b:s2+s4], $0x80, v62, vm0, $0xb8;
	[tilespmem:$0x19300] =	vst v63  }
0x90: {  	v57 =	vperm.xlane v46, v26;
	s17 =	simm.s32 $0x1780;
	v56 =	vadd.s32 v2, v55  }
0x91: {  	[tilespmem:s17], [sflag:$0x1] =	stream.indirect_vreg.gather [hbm4b:s2+s4], $0x80, v52, vm0, $0xb8;
	[tilespmem:$0x19300] =	vst v63  }
0x92: {  	v59 =	vperm.xlane v46, v27;
	s20 =	simm.s32 $0x1800;
	v58 =	vadd.s32 v2, v57  }
0x93: {  	[tilespmem:s20], [sflag:$0x1] =	stream.indirect_vreg.gather [hbm4b:s2+s4], $0x80, v54, vm0, $0xb8;
	[tilespmem:$0x19300] =	vst v63  }
0x94: {  	v46 =	vperm.xlane v46, v28;
	s21 =	simm.s32 $0x1880;
	v60 =	vadd.s32 v2, v59  }
0x95: {  	[tilespmem:s21], [sflag:$0x1] =	stream.indirect_vreg.gather [hbm4b:s2+s4], $0x80, v56, vm0, $0xb8;
	[tilespmem:$0x19300] =	vst v63  }
0x96: {  	v46 =	vadd.s32 v2, v46;
	s22 =	simm.s32 $0x1900  }
0x97: {  	[tilespmem:s22], [sflag:$0x1] =	stream.indirect_vreg.gather [hbm4b:s2+s4], $0x80, v58, vm0, $0xb8;
	[tilespmem:$0x19300] =	vst v63  }
0x98: {  	s7 =	simm.s32 $0x1980  }
0x99: {  	[tilespmem:s7], [sflag:$0x1] =	stream.indirect_vreg.gather [hbm4b:s2+s4], $0x80, v60, vm0, $0xb8;
	[tilespmem:$0x19300] =	vst v63  }
0x9a: {  	(v2sf) =	vpush v45, $0x3;
	s10 =	simm.s32 $0x1A00  }
0x9b: {  	[tilespmem:s10], [sflag:$0x1] =	stream.indirect_vreg.gather [hbm4b:s2+s4], $0x80, v46, vm0, $0xb8;
	[tilespmem:$0x19300] =	vst v63  }
0x9c: {  	v46 =	vld [tilespmem:$0x200];
	_ =	sdelay $0x4  }
0x9d: {  	v61 =	vshrl.u32 v46, $0x3  }
0x9e: {  	v47 =	vmul.u32 $0xF428, v61  }
0x9f: {  	v46 =	vand.u32 $0x7, v46  }
0xa0: {  	v46 =	vor.u32 v46, v47  }
0xa1: {  	v47 =	vperm.xlane v46, v1;
	_ =	sdelay $0x1  }
0xa2: {  	v62 =	vperm.xlane v46, v3;
	v47 =	vadd.s32 v2, v47;
	_ =	sdelay $0x1  }
0xa3: {  	s16 =	spop (v2sf);
	v63 =	vperm.xlane v46, v4;
	v48 =	vadd.s32 v2, v62  }
0xa4: {  	s2 =	sand.u32 $0xFFFFF80, s16  }
0xa5: {  	s17 =	simm.s32 $0x1A80;
	s2 =	sadd.s32 s1, s2;
	v52 =	vperm.xlane v46, v5;
	v49 =	vadd.s32 v2, v63  }
0xa6: {  	[tilespmem:s17], [sflag:$0x1] =	stream.indirect_vreg.gather [hbm4b:s2+s4], $0x80, v47, vm0, $0xb8;
	[tilespmem:$0x19300] =	vst v63  }
0xa7: {  	s20 =	simm.s32 $0x1B00;
	v54 =	vperm.xlane v46, v6;
	v53 =	vadd.s32 v2, v52  }
0xa8: {  	[tilespmem:s20], [sflag:$0x1] =	stream.indirect_vreg.gather [hbm4b:s2+s4], $0x80, v48, vm0, $0xb8;
	[tilespmem:$0x19300] =	vst v63  }
0xa9: {  	s21 =	simm.s32 $0x1B80;
	v56 =	vperm.xlane v46, v12;
	v55 =	vadd.s32 v2, v54  }
0xaa: {  	[tilespmem:s21], [sflag:$0x1] =	stream.indirect_vreg.gather [hbm4b:s2+s4], $0x80, v49, vm0, $0xb8;
	[tilespmem:$0x19300] =	vst v63  }
0xab: {  	s22 =	simm.s32 $0x1C00;
	v58 =	vperm.xlane v46, v13;
	v57 =	vadd.s32 v2, v56  }
0xac: {  	[tilespmem:s22], [sflag:$0x1] =	stream.indirect_vreg.gather [hbm4b:s2+s4], $0x80, v53, vm0, $0xb8;
	[tilespmem:$0x19300] =	vst v63  }
0xad: {  	s7 =	simm.s32 $0x1C80;
	v60 =	vperm.xlane v46, v14;
	v59 =	vadd.s32 v2, v58  }
0xae: {  	[tilespmem:s7], [sflag:$0x1] =	stream.indirect_vreg.gather [hbm4b:s2+s4], $0x80, v55, vm0, $0xb8;
	[tilespmem:$0x19300] =	vst v63  }
0xaf: {  	s10 =	simm.s32 $0x1D00;
	v61 =	vadd.s32 v2, v60;
	v62 =	vperm.xlane v46, v15  }
0xb0: {  	[tilespmem:s10], [sflag:$0x1] =	stream.indirect_vreg.gather [hbm4b:s2+s4], $0x80, v57, vm0, $0xb8;
	[tilespmem:$0x19300] =	vst v63  }
0xb1: {  	s16 =	simm.s32 $0x1D80;
	v52 =	vperm.xlane v46, v16;
	v63 =	vadd.s32 v2, v62  }
0xb2: {  	[tilespmem:s16], [sflag:$0x1] =	stream.indirect_vreg.gather [hbm4b:s2+s4], $0x80, v59, vm0, $0xb8;
	[tilespmem:$0x19300] =	vst v63  }
0xb3: {  	v54 =	vperm.xlane v46, v17;
	s17 =	simm.s32 $0x1E00;
	v53 =	vadd.s32 v2, v52  }
0xb4: {  	[tilespmem:s17], [sflag:$0x1] =	stream.indirect_vreg.gather [hbm4b:s2+s4], $0x80, v61, vm0, $0xb8;
	[tilespmem:$0x19300] =	vst v63  }
0xb5: {  	v56 =	vperm.xlane v46, v24;
	s20 =	simm.s32 $0x1E80;
	v55 =	vadd.s32 v2, v54  }
0xb6: {  	[tilespmem:s20], [sflag:$0x1] =	stream.indirect_vreg.gather [hbm4b:s2+s4], $0x80, v63, vm0, $0xb8;
	[tilespmem:$0x19300] =	vst v63  }
0xb7: {  	v58 =	vperm.xlane v46, v25;
	s21 =	simm.s32 $0x1F00;
	v57 =	vadd.s32 v2, v56  }
0xb8: {  	[tilespmem:s21], [sflag:$0x1] =	stream.indirect_vreg.gather [hbm4b:s2+s4], $0x80, v53, vm0, $0xb8;
	[tilespmem:$0x19300] =	vst v63  }
0xb9: {  	v60 =	vperm.xlane v46, v26;
	s22 =	simm.s32 $0x1F80;
	v59 =	vadd.s32 v2, v58  }
0xba: {  	[tilespmem:s22], [sflag:$0x1] =	stream.indirect_vreg.gather [hbm4b:s2+s4], $0x80, v55, vm0, $0xb8;
	[tilespmem:$0x19300] =	vst v63  }
0xbb: {  	v62 =	vperm.xlane v46, v27;
	s7 =	simm.s32 $0x2000;
	v61 =	vadd.s32 v2, v60  }
0xbc: {  	[tilespmem:s7], [sflag:$0x1] =	stream.indirect_vreg.gather [hbm4b:s2+s4], $0x80, v57, vm0, $0xb8;
	[tilespmem:$0x19300] =	vst v63  }
0xbd: {  	v46 =	vperm.xlane v46, v28;
	s10 =	simm.s32 $0x2080;
	v63 =	vadd.s32 v2, v62  }
0xbe: {  	[tilespmem:s10], [sflag:$0x1] =	stream.indirect_vreg.gather [hbm4b:s2+s4], $0x80, v59, vm0, $0xb8;
	[tilespmem:$0x19300] =	vst v63  }
0xbf: {  	v46 =	vadd.s32 v2, v46;
	s16 =	simm.s32 $0x2100  }
0xc0: {  	[tilespmem:s16], [sflag:$0x1] =	stream.indirect_vreg.gather [hbm4b:s2+s4], $0x80, v61, vm0, $0xb8;
	[tilespmem:$0x19300] =	vst v63  }
0xc1: {  	s17 =	simm.s32 $0x2180  }
0xc2: {  	[tilespmem:s17], [sflag:$0x1] =	stream.indirect_vreg.gather [hbm4b:s2+s4], $0x80, v63, vm0, $0xb8;
	[tilespmem:$0x19300] =	vst v63  }
0xc3: {  	(v2sf) =	vpush v45, $0x4;
	s20 =	simm.s32 $0x2200  }
0xc4: {  	[tilespmem:s20], [sflag:$0x1] =	stream.indirect_vreg.gather [hbm4b:s2+s4], $0x80, v46, vm0, $0xb8;
	[tilespmem:$0x19300] =	vst v63  }
0xc5: {  	v46 =	vld [tilespmem:$0x200];
	_ =	sdelay $0x4  }
0xc6: {  	v52 =	vshrl.u32 v46, $0x3  }
0xc7: {  	v47 =	vmul.u32 $0xF428, v52  }
0xc8: {  	v46 =	vand.u32 $0x7, v46  }
0xc9: {  	v46 =	vor.u32 v46, v47  }
0xca: {  	v47 =	vperm.xlane v46, v1;
	_ =	sdelay $0x1  }
0xcb: {  	v53 =	vperm.xlane v46, v3;
	v47 =	vadd.s32 v2, v47;
	_ =	sdelay $0x1  }
0xcc: {  	s21 =	spop (v2sf);
	v54 =	vperm.xlane v46, v4;
	v48 =	vadd.s32 v2, v53  }
0xcd: {  	s2 =	sand.u32 $0xFFFFF80, s21  }
0xce: {  	s22 =	simm.s32 $0x2280;
	s2 =	sadd.s32 s1, s2;
	v55 =	vperm.xlane v46, v5;
	v49 =	vadd.s32 v2, v54  }
0xcf: {  	[tilespmem:s22], [sflag:$0x2] =	stream.indirect_vreg.gather [hbm4b:s2+s4], $0x80, v47, vm0, $0xb8;
	[tilespmem:$0x19300] =	vst v63  }
0xd0: {  	s7 =	simm.s32 $0x2300;
	v57 =	vperm.xlane v46, v6;
	v56 =	vadd.s32 v2, v55  }
0xd1: {  	[tilespmem:s7], [sflag:$0x2] =	stream.indirect_vreg.gather [hbm4b:s2+s4], $0x80, v48, vm0, $0xb8;
	[tilespmem:$0x19300] =	vst v63  }
0xd2: {  	s10 =	simm.s32 $0x2380;
	v59 =	vperm.xlane v46, v12;
	v58 =	vadd.s32 v2, v57  }
0xd3: {  	[tilespmem:s10], [sflag:$0x2] =	stream.indirect_vreg.gather [hbm4b:s2+s4], $0x80, v49, vm0, $0xb8;
	[tilespmem:$0x19300] =	vst v63  }
0xd4: {  	s16 =	simm.s32 $0x2400;
	v61 =	vperm.xlane v46, v13;
	v60 =	vadd.s32 v2, v59  }
0xd5: {  	[tilespmem:s16], [sflag:$0x2] =	stream.indirect_vreg.gather [hbm4b:s2+s4], $0x80, v56, vm0, $0xb8;
	[tilespmem:$0x19300] =	vst v63  }
0xd6: {  	s17 =	simm.s32 $0x2480;
	v63 =	vperm.xlane v46, v14;
	v62 =	vadd.s32 v2, v61  }
0xd7: {  	[tilespmem:s17], [sflag:$0x2] =	stream.indirect_vreg.gather [hbm4b:s2+s4], $0x80, v58, vm0, $0xb8;
	[tilespmem:$0x19300] =	vst v63  }
0xd8: {  	s20 =	simm.s32 $0x2500;
	v52 =	vadd.s32 v2, v63;
	v53 =	vperm.xlane v46, v15  }
0xd9: {  	[tilespmem:s20], [sflag:$0x2] =	stream.indirect_vreg.gather [hbm4b:s2+s4], $0x80, v60, vm0, $0xb8;
	[tilespmem:$0x19300] =	vst v63  }
0xda: {  	s21 =	simm.s32 $0x2580;
	v55 =	vperm.xlane v46, v16;
	v54 =	vadd.s32 v2, v53  }
0xdb: {  	[tilespmem:s21], [sflag:$0x2] =	stream.indirect_vreg.gather [hbm4b:s2+s4], $0x80, v62, vm0, $0xb8;
	[tilespmem:$0x19300] =	vst v63  }
0xdc: {  	v57 =	vperm.xlane v46, v17;
	s22 =	simm.s32 $0x2600;
	v56 =	vadd.s32 v2, v55  }
0xdd: {  	[tilespmem:s22], [sflag:$0x2] =	stream.indirect_vreg.gather [hbm4b:s2+s4], $0x80, v52, vm0, $0xb8;
	[tilespmem:$0x19300] =	vst v63  }
0xde: {  	v59 =	vperm.xlane v46, v24;
	s7 =	simm.s32 $0x2680;
	v58 =	vadd.s32 v2, v57  }
0xdf: {  	[tilespmem:s7], [sflag:$0x2] =	stream.indirect_vreg.gather [hbm4b:s2+s4], $0x80, v54, vm0, $0xb8;
	[tilespmem:$0x19300] =	vst v63  }
0xe0: {  	v61 =	vperm.xlane v46, v25;
	s10 =	simm.s32 $0x2700;
	v60 =	vadd.s32 v2, v59  }
0xe1: {  	[tilespmem:s10], [sflag:$0x2] =	stream.indirect_vreg.gather [hbm4b:s2+s4], $0x80, v56, vm0, $0xb8;
	[tilespmem:$0x19300] =	vst v63  }
0xe2: {  	v63 =	vperm.xlane v46, v26;
	s16 =	simm.s32 $0x2780;
	v62 =	vadd.s32 v2, v61  }
0xe3: {  	[tilespmem:s16], [sflag:$0x2] =	stream.indirect_vreg.gather [hbm4b:s2+s4], $0x80, v58, vm0, $0xb8;
	[tilespmem:$0x19300] =	vst v63  }
0xe4: {  	v53 =	vperm.xlane v46, v27;
	s17 =	simm.s32 $0x2800;
	v52 =	vadd.s32 v2, v63  }
0xe5: {  	[tilespmem:s17], [sflag:$0x2] =	stream.indirect_vreg.gather [hbm4b:s2+s4], $0x80, v60, vm0, $0xb8;
	[tilespmem:$0x19300] =	vst v63  }
0xe6: {  	v46 =	vperm.xlane v46, v28;
	s20 =	simm.s32 $0x2880;
	v54 =	vadd.s32 v2, v53  }
0xe7: {  	[tilespmem:s20], [sflag:$0x2] =	stream.indirect_vreg.gather [hbm4b:s2+s4], $0x80, v62, vm0, $0xb8;
	[tilespmem:$0x19300] =	vst v63  }
0xe8: {  	v46 =	vadd.s32 v2, v46;
	s21 =	simm.s32 $0x2900  }
0xe9: {  	[tilespmem:s21], [sflag:$0x2] =	stream.indirect_vreg.gather [hbm4b:s2+s4], $0x80, v52, vm0, $0xb8;
	[tilespmem:$0x19300] =	vst v63  }
0xea: {  	s22 =	simm.s32 $0x2980  }
0xeb: {  	[tilespmem:s22], [sflag:$0x2] =	stream.indirect_vreg.gather [hbm4b:s2+s4], $0x80, v54, vm0, $0xb8;
	[tilespmem:$0x19300] =	vst v63  }
0xec: {  	(v2sf) =	vpush v45, $0x5;
	s7 =	simm.s32 $0x2A00  }
0xed: {  	[tilespmem:s7], [sflag:$0x2] =	stream.indirect_vreg.gather [hbm4b:s2+s4], $0x80, v46, vm0, $0xb8;
	[tilespmem:$0x19300] =	vst v63  }
0xee: {  	v46 =	vld [tilespmem:$0x200];
	_ =	sdelay $0x4  }
0xef: {  	v55 =	vshrl.u32 v46, $0x3  }
0xf0: {  	v47 =	vmul.u32 $0xF428, v55  }
0xf1: {  	v46 =	vand.u32 $0x7, v46  }
0xf2: {  	v46 =	vor.u32 v46, v47  }
0xf3: {  	v47 =	vperm.xlane v46, v1;
	_ =	sdelay $0x1  }
0xf4: {  	v56 =	vperm.xlane v46, v3;
	v47 =	vadd.s32 v2, v47;
	_ =	sdelay $0x1  }
0xf5: {  	s10 =	spop (v2sf);
	v57 =	vperm.xlane v46, v4;
	v48 =	vadd.s32 v2, v56  }
0xf6: {  	s2 =	sand.u32 $0xFFFFF80, s10  }
0xf7: {  	s16 =	simm.s32 $0x2A80;
	s2 =	sadd.s32 s1, s2;
	v58 =	vperm.xlane v46, v5;
	v49 =	vadd.s32 v2, v57  }
0xf8: {  	[tilespmem:s16], [sflag:$0x2] =	stream.indirect_vreg.gather [hbm4b:s2+s4], $0x80, v47, vm0, $0xb8;
	[tilespmem:$0x19300] =	vst v63  }
0xf9: {  	s17 =	simm.s32 $0x2B00;
	v60 =	vperm.xlane v46, v6;
	v59 =	vadd.s32 v2, v58  }
0xfa: {  	[tilespmem:s17], [sflag:$0x2] =	stream.indirect_vreg.gather [hbm4b:s2+s4], $0x80, v48, vm0, $0xb8;
	[tilespmem:$0x19300] =	vst v63  }
0xfb: {  	s20 =	simm.s32 $0x2B80;
	v62 =	vperm.xlane v46, v12;
	v61 =	vadd.s32 v2, v60  }
0xfc: {  	[tilespmem:s20], [sflag:$0x2] =	stream.indirect_vreg.gather [hbm4b:s2+s4], $0x80, v49, vm0, $0xb8;
	[tilespmem:$0x19300] =	vst v63  }
0xfd: {  	s21 =	simm.s32 $0x2C00;
	v52 =	vperm.xlane v46, v13;
	v63 =	vadd.s32 v2, v62  }
0xfe: {  	[tilespmem:s21], [sflag:$0x2] =	stream.indirect_vreg.gather [hbm4b:s2+s4], $0x80, v59, vm0, $0xb8;
	[tilespmem:$0x19300] =	vst v63  }
0xff: {  	s22 =	simm.s32 $0x2C80;
	v54 =	vperm.xlane v46, v14;
	v53 =	vadd.s32 v2, v52  }
0x100: {  	[tilespmem:s22], [sflag:$0x2] =	stream.indirect_vreg.gather [hbm4b:s2+s4], $0x80, v61, vm0, $0xb8;
	[tilespmem:$0x19300] =	vst v63  }
0x101: {  	s7 =	simm.s32 $0x2D00;
	v55 =	vadd.s32 v2, v54;
	v56 =	vperm.xlane v46, v15  }
0x102: {  	[tilespmem:s7], [sflag:$0x2] =	stream.indirect_vreg.gather [hbm4b:s2+s4], $0x80, v63, vm0, $0xb8;
	[tilespmem:$0x19300] =	vst v63  }
0x103: {  	s10 =	simm.s32 $0x2D80;
	v58 =	vperm.xlane v46, v16;
	v57 =	vadd.s32 v2, v56  }
0x104: {  	[tilespmem:s10], [sflag:$0x2] =	stream.indirect_vreg.gather [hbm4b:s2+s4], $0x80, v53, vm0, $0xb8;
	[tilespmem:$0x19300] =	vst v63  }
0x105: {  	v60 =	vperm.xlane v46, v17;
	s16 =	simm.s32 $0x2E00;
	v59 =	vadd.s32 v2, v58  }
0x106: {  	[tilespmem:s16], [sflag:$0x2] =	stream.indirect_vreg.gather [hbm4b:s2+s4], $0x80, v55, vm0, $0xb8;
	[tilespmem:$0x19300] =	vst v63  }
0x107: {  	v62 =	vperm.xlane v46, v24;
	s17 =	simm.s32 $0x2E80;
	v61 =	vadd.s32 v2, v60  }
0x108: {  	[tilespmem:s17], [sflag:$0x2] =	stream.indirect_vreg.gather [hbm4b:s2+s4], $0x80, v57, vm0, $0xb8;
	[tilespmem:$0x19300] =	vst v63  }
0x109: {  	v52 =	vperm.xlane v46, v25;
	s20 =	simm.s32 $0x2F00;
	v63 =	vadd.s32 v2, v62  }
0x10a: {  	[tilespmem:s20], [sflag:$0x2] =	stream.indirect_vreg.gather [hbm4b:s2+s4], $0x80, v59, vm0, $0xb8;
	[tilespmem:$0x19300] =	vst v63  }
0x10b: {  	v54 =	vperm.xlane v46, v26;
	s21 =	simm.s32 $0x2F80;
	v53 =	vadd.s32 v2, v52  }
0x10c: {  	[tilespmem:s21], [sflag:$0x2] =	stream.indirect_vreg.gather [hbm4b:s2+s4], $0x80, v61, vm0, $0xb8;
	[tilespmem:$0x19300] =	vst v63  }
0x10d: {  	v56 =	vperm.xlane v46, v27;
	s22 =	simm.s32 $0x3000;
	v55 =	vadd.s32 v2, v54  }
0x10e: {  	[tilespmem:s22], [sflag:$0x2] =	stream.indirect_vreg.gather [hbm4b:s2+s4], $0x80, v63, vm0, $0xb8;
	[tilespmem:$0x19300] =	vst v63  }
0x10f: {  	v46 =	vperm.xlane v46, v28;
	s7 =	simm.s32 $0x3080;
	v57 =	vadd.s32 v2, v56  }
0x110: {  	[tilespmem:s7], [sflag:$0x2] =	stream.indirect_vreg.gather [hbm4b:s2+s4], $0x80, v53, vm0, $0xb8;
	[tilespmem:$0x19300] =	vst v63  }
0x111: {  	v46 =	vadd.s32 v2, v46;
	s10 =	simm.s32 $0x3100  }
0x112: {  	[tilespmem:s10], [sflag:$0x2] =	stream.indirect_vreg.gather [hbm4b:s2+s4], $0x80, v55, vm0, $0xb8;
	[tilespmem:$0x19300] =	vst v63  }
0x113: {  	s16 =	simm.s32 $0x3180  }
0x114: {  	[tilespmem:s16], [sflag:$0x2] =	stream.indirect_vreg.gather [hbm4b:s2+s4], $0x80, v57, vm0, $0xb8;
	[tilespmem:$0x19300] =	vst v63  }
0x115: {  	(v2sf) =	vpush v45, $0x6;
	s17 =	simm.s32 $0x3200  }
0x116: {  	[tilespmem:s17], [sflag:$0x2] =	stream.indirect_vreg.gather [hbm4b:s2+s4], $0x80, v46, vm0, $0xb8;
	[tilespmem:$0x19300] =	vst v63  }
0x117: {  	v46 =	vld [tilespmem:$0x200];
	_ =	sdelay $0x4  }
0x118: {  	v58 =	vshrl.u32 v46, $0x3  }
0x119: {  	v47 =	vmul.u32 $0xF428, v58  }
0x11a: {  	v46 =	vand.u32 $0x7, v46  }
0x11b: {  	v46 =	vor.u32 v46, v47  }
0x11c: {  	v47 =	vperm.xlane v46, v1;
	_ =	sdelay $0x1  }
0x11d: {  	v59 =	vperm.xlane v46, v3;
	v47 =	vadd.s32 v2, v47;
	_ =	sdelay $0x1  }
0x11e: {  	s20 =	spop (v2sf);
	v60 =	vperm.xlane v46, v4;
	v48 =	vadd.s32 v2, v59  }
0x11f: {  	s2 =	sand.u32 $0xFFFFF80, s20  }
0x120: {  	s21 =	simm.s32 $0x3280;
	s2 =	sadd.s32 s1, s2;
	v61 =	vperm.xlane v46, v5;
	v49 =	vadd.s32 v2, v60  }
0x121: {  	[tilespmem:s21], [sflag:$0x2] =	stream.indirect_vreg.gather [hbm4b:s2+s4], $0x80, v47, vm0, $0xb8;
	[tilespmem:$0x19300] =	vst v63  }
0x122: {  	s22 =	simm.s32 $0x3300;
	v63 =	vperm.xlane v46, v6;
	v62 =	vadd.s32 v2, v61  }
0x123: {  	[tilespmem:s22], [sflag:$0x2] =	stream.indirect_vreg.gather [hbm4b:s2+s4], $0x80, v48, vm0, $0xb8;
	[tilespmem:$0x19300] =	vst v63  }
0x124: {  	s7 =	simm.s32 $0x3380;
	v53 =	vperm.xlane v46, v12;
	v52 =	vadd.s32 v2, v63  }
0x125: {  	[tilespmem:s7], [sflag:$0x2] =	stream.indirect_vreg.gather [hbm4b:s2+s4], $0x80, v49, vm0, $0xb8;
	[tilespmem:$0x19300] =	vst v63  }
0x126: {  	s10 =	simm.s32 $0x3400;
	v55 =	vperm.xlane v46, v13;
	v54 =	vadd.s32 v2, v53  }
0x127: {  	[tilespmem:s10], [sflag:$0x2] =	stream.indirect_vreg.gather [hbm4b:s2+s4], $0x80, v62, vm0, $0xb8;
	[tilespmem:$0x19300] =	vst v63  }
0x128: {  	s16 =	simm.s32 $0x3480;
	v57 =	vperm.xlane v46, v14;
	v56 =	vadd.s32 v2, v55  }
0x129: {  	[tilespmem:s16], [sflag:$0x2] =	stream.indirect_vreg.gather [hbm4b:s2+s4], $0x80, v52, vm0, $0xb8;
	[tilespmem:$0x19300] =	vst v63  }
0x12a: {  	s17 =	simm.s32 $0x3500;
	v58 =	vadd.s32 v2, v57;
	v59 =	vperm.xlane v46, v15  }
0x12b: {  	[tilespmem:s17], [sflag:$0x2] =	stream.indirect_vreg.gather [hbm4b:s2+s4], $0x80, v54, vm0, $0xb8;
	[tilespmem:$0x19300] =	vst v63  }
0x12c: {  	s20 =	simm.s32 $0x3580;
	v61 =	vperm.xlane v46, v16;
	v60 =	vadd.s32 v2, v59  }
0x12d: {  	[tilespmem:s20], [sflag:$0x2] =	stream.indirect_vreg.gather [hbm4b:s2+s4], $0x80, v56, vm0, $0xb8;
	[tilespmem:$0x19300] =	vst v63  }
0x12e: {  	v63 =	vperm.xlane v46, v17;
	s21 =	simm.s32 $0x3600;
	v62 =	vadd.s32 v2, v61  }
0x12f: {  	[tilespmem:s21], [sflag:$0x2] =	stream.indirect_vreg.gather [hbm4b:s2+s4], $0x80, v58, vm0, $0xb8;
	[tilespmem:$0x19300] =	vst v63  }
0x130: {  	v53 =	vperm.xlane v46, v24;
	s22 =	simm.s32 $0x3680;
	v52 =	vadd.s32 v2, v63  }
0x131: {  	[tilespmem:s22], [sflag:$0x2] =	stream.indirect_vreg.gather [hbm4b:s2+s4], $0x80, v60, vm0, $0xb8;
	[tilespmem:$0x19300] =	vst v63  }
0x132: {  	v55 =	vperm.xlane v46, v25;
	s7 =	simm.s32 $0x3700;
	v54 =	vadd.s32 v2, v53  }
0x133: {  	[tilespmem:s7], [sflag:$0x2] =	stream.indirect_vreg.gather [hbm4b:s2+s4], $0x80, v62, vm0, $0xb8;
	[tilespmem:$0x19300] =	vst v63  }
0x134: {  	v57 =	vperm.xlane v46, v26;
	s10 =	simm.s32 $0x3780;
	v56 =	vadd.s32 v2, v55  }
0x135: {  	[tilespmem:s10], [sflag:$0x2] =	stream.indirect_vreg.gather [hbm4b:s2+s4], $0x80, v52, vm0, $0xb8;
	[tilespmem:$0x19300] =	vst v63  }
0x136: {  	v59 =	vperm.xlane v46, v27;
	s16 =	simm.s32 $0x3800;
	v58 =	vadd.s32 v2, v57  }
0x137: {  	[tilespmem:s16], [sflag:$0x2] =	stream.indirect_vreg.gather [hbm4b:s2+s4], $0x80, v54, vm0, $0xb8;
	[tilespmem:$0x19300] =	vst v63  }
0x138: {  	v46 =	vperm.xlane v46, v28;
	s17 =	simm.s32 $0x3880;
	v60 =	vadd.s32 v2, v59  }
0x139: {  	[tilespmem:s17], [sflag:$0x2] =	stream.indirect_vreg.gather [hbm4b:s2+s4], $0x80, v56, vm0, $0xb8;
	[tilespmem:$0x19300] =	vst v63  }
0x13a: {  	v46 =	vadd.s32 v2, v46;
	s20 =	simm.s32 $0x3900  }
0x13b: {  	[tilespmem:s20], [sflag:$0x2] =	stream.indirect_vreg.gather [hbm4b:s2+s4], $0x80, v58, vm0, $0xb8;
	[tilespmem:$0x19300] =	vst v63  }
0x13c: {  	s21 =	simm.s32 $0x3980  }
0x13d: {  	[tilespmem:s21], [sflag:$0x2] =	stream.indirect_vreg.gather [hbm4b:s2+s4], $0x80, v60, vm0, $0xb8;
	[tilespmem:$0x19300] =	vst v63  }
0x13e: {  	(v2sf) =	vpush v45, $0x7;
	s22 =	simm.s32 $0x3A00  }
0x13f: {  	[tilespmem:s22], [sflag:$0x2] =	stream.indirect_vreg.gather [hbm4b:s2+s4], $0x80, v46, vm0, $0xb8;
	[tilespmem:$0x19300] =	vst v63  }
0x140: {  	v46 =	vld [tilespmem:$0x200];
	_ =	sdelay $0x4  }
0x141: {  	v61 =	vshrl.u32 v46, $0x3  }
0x142: {  	v47 =	vmul.u32 $0xF428, v61  }
0x143: {  	v46 =	vand.u32 $0x7, v46  }
0x144: {  	v46 =	vor.u32 v46, v47  }
0x145: {  	v47 =	vperm.xlane v46, v1;
	_ =	sdelay $0x1  }
0x146: {  	v62 =	vperm.xlane v46, v3;
	v47 =	vadd.s32 v2, v47;
	_ =	sdelay $0x1  }
0x147: {  	s3 =	spop (v2sf);
	v63 =	vperm.xlane v46, v4;
	v48 =	vadd.s32 v2, v62  }
0x148: {  	s2 =	sand.u32 $0xFFFFF80, s3  }
0x149: {  	s7 =	simm.s32 $0x3A80;
	s2 =	sadd.s32 s1, s2;
	v52 =	vperm.xlane v46, v5;
	v49 =	vadd.s32 v2, v63  }
0x14a: {  	[tilespmem:s7], [sflag:$0x2] =	stream.indirect_vreg.gather [hbm4b:s2+s4], $0x80, v47, vm0, $0xb8;
	[tilespmem:$0x19300] =	vst v63  }
0x14b: {  	s10 =	simm.s32 $0x3B00;
	v54 =	vperm.xlane v46, v6;
	v53 =	vadd.s32 v2, v52  }
0x14c: {  	[tilespmem:s10], [sflag:$0x2] =	stream.indirect_vreg.gather [hbm4b:s2+s4], $0x80, v48, vm0, $0xb8;
	[tilespmem:$0x19300] =	vst v63  }
0x14d: {  	s16 =	simm.s32 $0x3B80;
	v56 =	vperm.xlane v46, v12;
	v55 =	vadd.s32 v2, v54  }
0x14e: {  	[tilespmem:s16], [sflag:$0x2] =	stream.indirect_vreg.gather [hbm4b:s2+s4], $0x80, v49, vm0, $0xb8;
	[tilespmem:$0x19300] =	vst v63  }
0x14f: {  	s17 =	simm.s32 $0x3C00;
	v58 =	vperm.xlane v46, v13;
	v57 =	vadd.s32 v2, v56  }
0x150: {  	[tilespmem:s17], [sflag:$0x2] =	stream.indirect_vreg.gather [hbm4b:s2+s4], $0x80, v53, vm0, $0xb8;
	[tilespmem:$0x19300] =	vst v63  }
0x151: {  	s20 =	simm.s32 $0x3C80;
	v60 =	vperm.xlane v46, v14;
	v59 =	vadd.s32 v2, v58  }
0x152: {  	[tilespmem:s20], [sflag:$0x2] =	stream.indirect_vreg.gather [hbm4b:s2+s4], $0x80, v55, vm0, $0xb8;
	[tilespmem:$0x19300] =	vst v63  }
0x153: {  	s21 =	simm.s32 $0x3D00;
	v61 =	vadd.s32 v2, v60;
	v62 =	vperm.xlane v46, v15  }
0x154: {  	[tilespmem:s21], [sflag:$0x2] =	stream.indirect_vreg.gather [hbm4b:s2+s4], $0x80, v57, vm0, $0xb8;
	[tilespmem:$0x19300] =	vst v63  }
0x155: {  	s22 =	simm.s32 $0x3D80;
	v52 =	vperm.xlane v46, v16;
	v63 =	vadd.s32 v2, v62  }
0x156: {  	[tilespmem:s22], [sflag:$0x2] =	stream.indirect_vreg.gather [hbm4b:s2+s4], $0x80, v59, vm0, $0xb8;
	[tilespmem:$0x19300] =	vst v63  }
0x157: {  	v54 =	vperm.xlane v46, v17;
	s7 =	simm.s32 $0x3E00;
	v53 =	vadd.s32 v2, v52  }
0x158: {  	[tilespmem:s7], [sflag:$0x2] =	stream.indirect_vreg.gather [hbm4b:s2+s4], $0x80, v61, vm0, $0xb8;
	[tilespmem:$0x19300] =	vst v63  }
0x159: {  	v56 =	vperm.xlane v46, v24;
	s10 =	simm.s32 $0x3E80;
	v55 =	vadd.s32 v2, v54  }
0x15a: {  	[tilespmem:s10], [sflag:$0x2] =	stream.indirect_vreg.gather [hbm4b:s2+s4], $0x80, v63, vm0, $0xb8;
	[tilespmem:$0x19300] =	vst v63  }
0x15b: {  	v58 =	vperm.xlane v46, v25;
	s16 =	simm.s32 $0x3F00;
	v57 =	vadd.s32 v2, v56  }
0x15c: {  	[tilespmem:s16], [sflag:$0x2] =	stream.indirect_vreg.gather [hbm4b:s2+s4], $0x80, v53, vm0, $0xb8;
	[tilespmem:$0x19300] =	vst v63  }
0x15d: {  	v60 =	vperm.xlane v46, v26;
	s17 =	simm.s32 $0x3F80;
	v59 =	vadd.s32 v2, v58  }
0x15e: {  	[tilespmem:s17], [sflag:$0x2] =	stream.indirect_vreg.gather [hbm4b:s2+s4], $0x80, v55, vm0, $0xb8;
	[tilespmem:$0x19300] =	vst v63  }
0x15f: {  	v62 =	vperm.xlane v46, v27;
	s20 =	simm.s32 $0x4000;
	v61 =	vadd.s32 v2, v60  }
0x160: {  	[tilespmem:s20], [sflag:$0x2] =	stream.indirect_vreg.gather [hbm4b:s2+s4], $0x80, v57, vm0, $0xb8;
	[tilespmem:$0x19300] =	vst v63  }
0x161: {  	v46 =	vperm.xlane v46, v28;
	s21 =	simm.s32 $0x4080;
	v63 =	vadd.s32 v2, v62  }
0x162: {  	[tilespmem:s21], [sflag:$0x2] =	stream.indirect_vreg.gather [hbm4b:s2+s4], $0x80, v59, vm0, $0xb8;
	[tilespmem:$0x19300] =	vst v63  }
0x163: {  	v46 =	vadd.s32 v2, v46;
	s22 =	simm.s32 $0x4100  }
0x164: {  	[tilespmem:s22], [sflag:$0x2] =	stream.indirect_vreg.gather [hbm4b:s2+s4], $0x80, v61, vm0, $0xb8;
	[tilespmem:$0x19300] =	vst v63  }
0x165: {  	s7 =	simm.s32 $0x4180  }
0x166: {  	[tilespmem:s7], [sflag:$0x2] =	stream.indirect_vreg.gather [hbm4b:s2+s4], $0x80, v63, vm0, $0xb8;
	[tilespmem:$0x19300] =	vst v63  }
0x167: {  	(v2sf) =	vpush v45, $0x8;
	s10 =	simm.s32 $0x4200  }
0x168: {  	[tilespmem:s10], [sflag:$0x2] =	stream.indirect_vreg.gather [hbm4b:s2+s4], $0x80, v46, vm0, $0xb8;
	[tilespmem:$0x19300] =	vst v63  }
0x169: {  	v46 =	vld [tilespmem:$0x200];
	_ =	sdelay $0x4  }
0x16a: {  	v51 =	vshrl.u32 v46, $0x3  }
0x16b: {  	v47 =	vmul.u32 $0xF428, v51  }
0x16c: {  	v46 =	vand.u32 $0x7, v46  }
0x16d: {  	v46 =	vor.u32 v46, v47  }
0x16e: {  	v47 =	vperm.xlane v46, v1;
	_ =	sdelay $0x1  }
0x16f: {  	v52 =	vperm.xlane v46, v3;
	v47 =	vadd.s32 v2, v47;
	_ =	sdelay $0x1  }
0x170: {  	s16 =	spop (v2sf);
	v53 =	vperm.xlane v46, v4;
	v48 =	vadd.s32 v2, v52  }
0x171: {  	s2 =	sand.u32 $0xFFFFF80, s16  }
0x172: {  	s17 =	simm.s32 $0x4280;
	s2 =	sadd.s32 s1, s2;
	v54 =	vperm.xlane v46, v5;
	v49 =	vadd.s32 v2, v53  }
0x173: {  	[tilespmem:s17], [sflag:$0x3] =	stream.indirect_vreg.gather [hbm4b:s2+s4], $0x80, v47, vm0, $0xb8;
	[tilespmem:$0x19300] =	vst v63  }
0x174: {  	s20 =	simm.s32 $0x4300;
	v56 =	vperm.xlane v46, v6;
	v55 =	vadd.s32 v2, v54  }
0x175: {  	[tilespmem:s20], [sflag:$0x3] =	stream.indirect_vreg.gather [hbm4b:s2+s4], $0x80, v48, vm0, $0xb8;
	[tilespmem:$0x19300] =	vst v63  }
0x176: {  	s21 =	simm.s32 $0x4380;
	v58 =	vperm.xlane v46, v12;
	v57 =	vadd.s32 v2, v56  }
0x177: {  	[tilespmem:s21], [sflag:$0x3] =	stream.indirect_vreg.gather [hbm4b:s2+s4], $0x80, v49, vm0, $0xb8;
	[tilespmem:$0x19300] =	vst v63  }
0x178: {  	s22 =	simm.s32 $0x4400;
	v60 =	vperm.xlane v46, v13;
	v59 =	vadd.s32 v2, v58  }
0x179: {  	[tilespmem:s22], [sflag:$0x3] =	stream.indirect_vreg.gather [hbm4b:s2+s4], $0x80, v55, vm0, $0xb8;
	[tilespmem:$0x19300] =	vst v63  }
0x17a: {  	s7 =	simm.s32 $0x4480;
	v62 =	vperm.xlane v46, v14;
	v61 =	vadd.s32 v2, v60  }
0x17b: {  	[tilespmem:s7], [sflag:$0x3] =	stream.indirect_vreg.gather [hbm4b:s2+s4], $0x80, v57, vm0, $0xb8;
	[tilespmem:$0x19300] =	vst v63  }
0x17c: {  	s10 =	simm.s32 $0x4500;
	v63 =	vadd.s32 v2, v62;
	v52 =	vperm.xlane v46, v15  }
0x17d: {  	[tilespmem:s10], [sflag:$0x3] =	stream.indirect_vreg.gather [hbm4b:s2+s4], $0x80, v59, vm0, $0xb8;
	[tilespmem:$0x19300] =	vst v63  }
0x17e: {  	s16 =	simm.s32 $0x4580;
	v54 =	vperm.xlane v46, v16;
	v53 =	vadd.s32 v2, v52  }
0x17f: {  	[tilespmem:s16], [sflag:$0x3] =	stream.indirect_vreg.gather [hbm4b:s2+s4], $0x80, v61, vm0, $0xb8;
	[tilespmem:$0x19300] =	vst v63  }
0x180: {  	v56 =	vperm.xlane v46, v17;
	s17 =	simm.s32 $0x4600;
	v55 =	vadd.s32 v2, v54  }
0x181: {  	[tilespmem:s17], [sflag:$0x3] =	stream.indirect_vreg.gather [hbm4b:s2+s4], $0x80, v63, vm0, $0xb8;
	[tilespmem:$0x19300] =	vst v63  }
0x182: {  	v58 =	vperm.xlane v46, v24;
	s20 =	simm.s32 $0x4680;
	v57 =	vadd.s32 v2, v56  }
0x183: {  	[tilespmem:s20], [sflag:$0x3] =	stream.indirect_vreg.gather [hbm4b:s2+s4], $0x80, v53, vm0, $0xb8;
	[tilespmem:$0x19300] =	vst v63  }
0x184: {  	v60 =	vperm.xlane v46, v25;
	s21 =	simm.s32 $0x4700;
	v59 =	vadd.s32 v2, v58  }
0x185: {  	[tilespmem:s21], [sflag:$0x3] =	stream.indirect_vreg.gather [hbm4b:s2+s4], $0x80, v55, vm0, $0xb8;
	[tilespmem:$0x19300] =	vst v63  }
0x186: {  	v62 =	vperm.xlane v46, v26;
	s22 =	simm.s32 $0x4780;
	v61 =	vadd.s32 v2, v60  }
0x187: {  	[tilespmem:s22], [sflag:$0x3] =	stream.indirect_vreg.gather [hbm4b:s2+s4], $0x80, v57, vm0, $0xb8;
	[tilespmem:$0x19300] =	vst v63  }
0x188: {  	v52 =	vperm.xlane v46, v27;
	s7 =	simm.s32 $0x4800;
	v63 =	vadd.s32 v2, v62  }
0x189: {  	[tilespmem:s7], [sflag:$0x3] =	stream.indirect_vreg.gather [hbm4b:s2+s4], $0x80, v59, vm0, $0xb8;
	[tilespmem:$0x19300] =	vst v63  }
0x18a: {  	v46 =	vperm.xlane v46, v28;
	s10 =	simm.s32 $0x4880;
	v53 =	vadd.s32 v2, v52  }
0x18b: {  	[tilespmem:s10], [sflag:$0x3] =	stream.indirect_vreg.gather [hbm4b:s2+s4], $0x80, v61, vm0, $0xb8;
	[tilespmem:$0x19300] =	vst v63  }
0x18c: {  	v46 =	vadd.s32 v2, v46;
	s16 =	simm.s32 $0x4900  }
0x18d: {  	[tilespmem:s16], [sflag:$0x3] =	stream.indirect_vreg.gather [hbm4b:s2+s4], $0x80, v63, vm0, $0xb8;
	[tilespmem:$0x19300] =	vst v63  }
0x18e: {  	s17 =	simm.s32 $0x4980  }
0x18f: {  	[tilespmem:s17], [sflag:$0x3] =	stream.indirect_vreg.gather [hbm4b:s2+s4], $0x80, v53, vm0, $0xb8;
	[tilespmem:$0x19300] =	vst v63  }
0x190: {  	(v2sf) =	vpush v45, $0x9;
	s20 =	simm.s32 $0x4A00  }
0x191: {  	[tilespmem:s20], [sflag:$0x3] =	stream.indirect_vreg.gather [hbm4b:s2+s4], $0x80, v46, vm0, $0xb8;
	[tilespmem:$0x19300] =	vst v63  }
0x192: {  	v46 =	vld [tilespmem:$0x200];
	_ =	sdelay $0x4  }
0x193: {  	v54 =	vshrl.u32 v46, $0x3  }
0x194: {  	v47 =	vmul.u32 $0xF428, v54  }
0x195: {  	v46 =	vand.u32 $0x7, v46  }
0x196: {  	v46 =	vor.u32 v46, v47  }
0x197: {  	v47 =	vperm.xlane v46, v1;
	_ =	sdelay $0x1  }
0x198: {  	v55 =	vperm.xlane v46, v3;
	v47 =	vadd.s32 v2, v47;
	_ =	sdelay $0x1  }
0x199: {  	s21 =	spop (v2sf);
	v56 =	vperm.xlane v46, v4;
	v48 =	vadd.s32 v2, v55  }
0x19a: {  	s2 =	sand.u32 $0xFFFFF80, s21  }
0x19b: {  	s22 =	simm.s32 $0x4A80;
	s2 =	sadd.s32 s1, s2;
	v57 =	vperm.xlane v46, v5;
	v49 =	vadd.s32 v2, v56  }
0x19c: {  	[tilespmem:s22], [sflag:$0x3] =	stream.indirect_vreg.gather [hbm4b:s2+s4], $0x80, v47, vm0, $0xb8;
	[tilespmem:$0x19300] =	vst v63  }
0x19d: {  	s7 =	simm.s32 $0x4B00;
	v59 =	vperm.xlane v46, v6;
	v58 =	vadd.s32 v2, v57  }
0x19e: {  	[tilespmem:s7], [sflag:$0x3] =	stream.indirect_vreg.gather [hbm4b:s2+s4], $0x80, v48, vm0, $0xb8;
	[tilespmem:$0x19300] =	vst v63  }
0x19f: {  	s10 =	simm.s32 $0x4B80;
	v61 =	vperm.xlane v46, v12;
	v60 =	vadd.s32 v2, v59  }
0x1a0: {  	[tilespmem:s10], [sflag:$0x3] =	stream.indirect_vreg.gather [hbm4b:s2+s4], $0x80, v49, vm0, $0xb8;
	[tilespmem:$0x19300] =	vst v63  }
0x1a1: {  	s16 =	simm.s32 $0x4C00;
	v63 =	vperm.xlane v46, v13;
	v62 =	vadd.s32 v2, v61  }
0x1a2: {  	[tilespmem:s16], [sflag:$0x3] =	stream.indirect_vreg.gather [hbm4b:s2+s4], $0x80, v58, vm0, $0xb8;
	[tilespmem:$0x19300] =	vst v63  }
0x1a3: {  	s17 =	simm.s32 $0x4C80;
	v53 =	vperm.xlane v46, v14;
	v52 =	vadd.s32 v2, v63  }
0x1a4: {  	[tilespmem:s17], [sflag:$0x3] =	stream.indirect_vreg.gather [hbm4b:s2+s4], $0x80, v60, vm0, $0xb8;
	[tilespmem:$0x19300] =	vst v63  }
0x1a5: {  	s20 =	simm.s32 $0x4D00;
	v54 =	vadd.s32 v2, v53;
	v55 =	vperm.xlane v46, v15  }
0x1a6: {  	[tilespmem:s20], [sflag:$0x3] =	stream.indirect_vreg.gather [hbm4b:s2+s4], $0x80, v62, vm0, $0xb8;
	[tilespmem:$0x19300] =	vst v63  }
0x1a7: {  	s21 =	simm.s32 $0x4D80;
	v57 =	vperm.xlane v46, v16;
	v56 =	vadd.s32 v2, v55  }
0x1a8: {  	[tilespmem:s21], [sflag:$0x3] =	stream.indirect_vreg.gather [hbm4b:s2+s4], $0x80, v52, vm0, $0xb8;
	[tilespmem:$0x19300] =	vst v63  }
0x1a9: {  	v59 =	vperm.xlane v46, v17;
	s22 =	simm.s32 $0x4E00;
	v58 =	vadd.s32 v2, v57  }
0x1aa: {  	[tilespmem:s22], [sflag:$0x3] =	stream.indirect_vreg.gather [hbm4b:s2+s4], $0x80, v54, vm0, $0xb8;
	[tilespmem:$0x19300] =	vst v63  }
0x1ab: {  	v61 =	vperm.xlane v46, v24;
	s7 =	simm.s32 $0x4E80;
	v60 =	vadd.s32 v2, v59  }
0x1ac: {  	[tilespmem:s7], [sflag:$0x3] =	stream.indirect_vreg.gather [hbm4b:s2+s4], $0x80, v56, vm0, $0xb8;
	[tilespmem:$0x19300] =	vst v63  }
0x1ad: {  	v63 =	vperm.xlane v46, v25;
	s10 =	simm.s32 $0x4F00;
	v62 =	vadd.s32 v2, v61  }
0x1ae: {  	[tilespmem:s10], [sflag:$0x3] =	stream.indirect_vreg.gather [hbm4b:s2+s4], $0x80, v58, vm0, $0xb8;
	[tilespmem:$0x19300] =	vst v63  }
0x1af: {  	v53 =	vperm.xlane v46, v26;
	s16 =	simm.s32 $0x4F80;
	v52 =	vadd.s32 v2, v63  }
0x1b0: {  	[tilespmem:s16], [sflag:$0x3] =	stream.indirect_vreg.gather [hbm4b:s2+s4], $0x80, v60, vm0, $0xb8;
	[tilespmem:$0x19300] =	vst v63  }
0x1b1: {  	v55 =	vperm.xlane v46, v27;
	s17 =	simm.s32 $0x5000;
	v54 =	vadd.s32 v2, v53  }
0x1b2: {  	[tilespmem:s17], [sflag:$0x3] =	stream.indirect_vreg.gather [hbm4b:s2+s4], $0x80, v62, vm0, $0xb8;
	[tilespmem:$0x19300] =	vst v63  }
0x1b3: {  	v46 =	vperm.xlane v46, v28;
	s20 =	simm.s32 $0x5080;
	v56 =	vadd.s32 v2, v55  }
0x1b4: {  	[tilespmem:s20], [sflag:$0x3] =	stream.indirect_vreg.gather [hbm4b:s2+s4], $0x80, v52, vm0, $0xb8;
	[tilespmem:$0x19300] =	vst v63  }
0x1b5: {  	v46 =	vadd.s32 v2, v46;
	s21 =	simm.s32 $0x5100  }
0x1b6: {  	[tilespmem:s21], [sflag:$0x3] =	stream.indirect_vreg.gather [hbm4b:s2+s4], $0x80, v54, vm0, $0xb8;
	[tilespmem:$0x19300] =	vst v63  }
0x1b7: {  	s22 =	simm.s32 $0x5180  }
0x1b8: {  	[tilespmem:s22], [sflag:$0x3] =	stream.indirect_vreg.gather [hbm4b:s2+s4], $0x80, v56, vm0, $0xb8;
	[tilespmem:$0x19300] =	vst v63  }
0x1b9: {  	(v2sf) =	vpush v45, $0xA;
	s7 =	simm.s32 $0x5200  }
0x1ba: {  	[tilespmem:s7], [sflag:$0x3] =	stream.indirect_vreg.gather [hbm4b:s2+s4], $0x80, v46, vm0, $0xb8;
	[tilespmem:$0x19300] =	vst v63  }
0x1bb: {  	v46 =	vld [tilespmem:$0x200];
	_ =	sdelay $0x4  }
0x1bc: {  	v57 =	vshrl.u32 v46, $0x3  }
0x1bd: {  	v47 =	vmul.u32 $0xF428, v57  }
0x1be: {  	v46 =	vand.u32 $0x7, v46  }
0x1bf: {  	v46 =	vor.u32 v46, v47  }
0x1c0: {  	v47 =	vperm.xlane v46, v1;
	_ =	sdelay $0x1  }
0x1c1: {  	v58 =	vperm.xlane v46, v3;
	v47 =	vadd.s32 v2, v47;
	_ =	sdelay $0x1  }
0x1c2: {  	s10 =	spop (v2sf);
	v59 =	vperm.xlane v46, v4;
	v48 =	vadd.s32 v2, v58  }
0x1c3: {  	s2 =	sand.u32 $0xFFFFF80, s10  }
0x1c4: {  	s16 =	simm.s32 $0x5280;
	s2 =	sadd.s32 s1, s2;
	v60 =	vperm.xlane v46, v5;
	v49 =	vadd.s32 v2, v59  }
0x1c5: {  	[tilespmem:s16], [sflag:$0x3] =	stream.indirect_vreg.gather [hbm4b:s2+s4], $0x80, v47, vm0, $0xb8;
	[tilespmem:$0x19300] =	vst v63  }
0x1c6: {  	s17 =	simm.s32 $0x5300;
	v62 =	vperm.xlane v46, v6;
	v61 =	vadd.s32 v2, v60  }
0x1c7: {  	[tilespmem:s17], [sflag:$0x3] =	stream.indirect_vreg.gather [hbm4b:s2+s4], $0x80, v48, vm0, $0xb8;
	[tilespmem:$0x19300] =	vst v63  }
0x1c8: {  	s20 =	simm.s32 $0x5380;
	v52 =	vperm.xlane v46, v12;
	v63 =	vadd.s32 v2, v62  }
0x1c9: {  	[tilespmem:s20], [sflag:$0x3] =	stream.indirect_vreg.gather [hbm4b:s2+s4], $0x80, v49, vm0, $0xb8;
	[tilespmem:$0x19300] =	vst v63  }
0x1ca: {  	s21 =	simm.s32 $0x5400;
	v54 =	vperm.xlane v46, v13;
	v53 =	vadd.s32 v2, v52  }
0x1cb: {  	[tilespmem:s21], [sflag:$0x3] =	stream.indirect_vreg.gather [hbm4b:s2+s4], $0x80, v61, vm0, $0xb8;
	[tilespmem:$0x19300] =	vst v63  }
0x1cc: {  	s22 =	simm.s32 $0x5480;
	v56 =	vperm.xlane v46, v14;
	v55 =	vadd.s32 v2, v54  }
0x1cd: {  	[tilespmem:s22], [sflag:$0x3] =	stream.indirect_vreg.gather [hbm4b:s2+s4], $0x80, v63, vm0, $0xb8;
	[tilespmem:$0x19300] =	vst v63  }
0x1ce: {  	s7 =	simm.s32 $0x5500;
	v57 =	vadd.s32 v2, v56;
	v58 =	vperm.xlane v46, v15  }
0x1cf: {  	[tilespmem:s7], [sflag:$0x3] =	stream.indirect_vreg.gather [hbm4b:s2+s4], $0x80, v53, vm0, $0xb8;
	[tilespmem:$0x19300] =	vst v63  }
0x1d0: {  	s10 =	simm.s32 $0x5580;
	v60 =	vperm.xlane v46, v16;
	v59 =	vadd.s32 v2, v58  }
0x1d1: {  	[tilespmem:s10], [sflag:$0x3] =	stream.indirect_vreg.gather [hbm4b:s2+s4], $0x80, v55, vm0, $0xb8;
	[tilespmem:$0x19300] =	vst v63  }
0x1d2: {  	v62 =	vperm.xlane v46, v17;
	s16 =	simm.s32 $0x5600;
	v61 =	vadd.s32 v2, v60  }
0x1d3: {  	[tilespmem:s16], [sflag:$0x3] =	stream.indirect_vreg.gather [hbm4b:s2+s4], $0x80, v57, vm0, $0xb8;
	[tilespmem:$0x19300] =	vst v63  }
0x1d4: {  	v52 =	vperm.xlane v46, v24;
	s17 =	simm.s32 $0x5680;
	v63 =	vadd.s32 v2, v62  }
0x1d5: {  	[tilespmem:s17], [sflag:$0x3] =	stream.indirect_vreg.gather [hbm4b:s2+s4], $0x80, v59, vm0, $0xb8;
	[tilespmem:$0x19300] =	vst v63  }
0x1d6: {  	v54 =	vperm.xlane v46, v25;
	s20 =	simm.s32 $0x5700;
	v53 =	vadd.s32 v2, v52  }
0x1d7: {  	[tilespmem:s20], [sflag:$0x3] =	stream.indirect_vreg.gather [hbm4b:s2+s4], $0x80, v61, vm0, $0xb8;
	[tilespmem:$0x19300] =	vst v63  }
0x1d8: {  	v56 =	vperm.xlane v46, v26;
	s21 =	simm.s32 $0x5780;
	v55 =	vadd.s32 v2, v54  }
0x1d9: {  	[tilespmem:s21], [sflag:$0x3] =	stream.indirect_vreg.gather [hbm4b:s2+s4], $0x80, v63, vm0, $0xb8;
	[tilespmem:$0x19300] =	vst v63  }
0x1da: {  	v58 =	vperm.xlane v46, v27;
	s22 =	simm.s32 $0x5800;
	v57 =	vadd.s32 v2, v56  }
0x1db: {  	[tilespmem:s22], [sflag:$0x3] =	stream.indirect_vreg.gather [hbm4b:s2+s4], $0x80, v53, vm0, $0xb8;
	[tilespmem:$0x19300] =	vst v63  }
0x1dc: {  	v46 =	vperm.xlane v46, v28;
	s7 =	simm.s32 $0x5880;
	v59 =	vadd.s32 v2, v58  }
0x1dd: {  	[tilespmem:s7], [sflag:$0x3] =	stream.indirect_vreg.gather [hbm4b:s2+s4], $0x80, v55, vm0, $0xb8;
	[tilespmem:$0x19300] =	vst v63  }
0x1de: {  	v46 =	vadd.s32 v2, v46;
	s10 =	simm.s32 $0x5900  }
0x1df: {  	[tilespmem:s10], [sflag:$0x3] =	stream.indirect_vreg.gather [hbm4b:s2+s4], $0x80, v57, vm0, $0xb8;
	[tilespmem:$0x19300] =	vst v63  }
0x1e0: {  	s16 =	simm.s32 $0x5980  }
0x1e1: {  	[tilespmem:s16], [sflag:$0x3] =	stream.indirect_vreg.gather [hbm4b:s2+s4], $0x80, v59, vm0, $0xb8;
	[tilespmem:$0x19300] =	vst v63  }
0x1e2: {  	(v2sf) =	vpush v45, $0xB;
	s17 =	simm.s32 $0x5A00  }
0x1e3: {  	[tilespmem:s17], [sflag:$0x3] =	stream.indirect_vreg.gather [hbm4b:s2+s4], $0x80, v46, vm0, $0xb8;
	[tilespmem:$0x19300] =	vst v63  }
0x1e4: {  	v60 =	vld [tilespmem:$0x200];
	_ =	sdelay $0x4  }
0x1e5: {  	v61 =	vshrl.u32 v60, $0x3  }
0x1e6: {  	v46 =	vmul.u32 $0xF428, v61  }
0x1e7: {  	v45 =	vand.u32 $0x7, v60  }
0x1e8: {  	v45 =	vor.u32 v45, v46  }
0x1e9: {  	v46 =	vperm.xlane v45, v1;
	_ =	sdelay $0x1  }
0x1ea: {  	v62 =	vperm.xlane v45, v3;
	v46 =	vadd.s32 v2, v46;
	_ =	sdelay $0x1  }
0x1eb: {  	s20 =	spop (v2sf);
	v63 =	vperm.xlane v45, v4;
	v47 =	vadd.s32 v2, v62  }
0x1ec: {  	s2 =	sand.u32 $0xFFFFF80, s20  }
0x1ed: {  	s21 =	simm.s32 $0x5A80;
	s2 =	sadd.s32 s1, s2;
	v52 =	vperm.xlane v45, v5;
	v48 =	vadd.s32 v2, v63  }
0x1ee: {  	[tilespmem:s21], [sflag:$0x3] =	stream.indirect_vreg.gather [hbm4b:s2+s4], $0x80, v46, vm0, $0xb8;
	[tilespmem:$0x19300] =	vst v63  }
0x1ef: {  	s22 =	simm.s32 $0x5B00;
	v54 =	vperm.xlane v45, v6;
	v53 =	vadd.s32 v2, v52  }
0x1f0: {  	[tilespmem:s22], [sflag:$0x3] =	stream.indirect_vreg.gather [hbm4b:s2+s4], $0x80, v47, vm0, $0xb8;
	[tilespmem:$0x19300] =	vst v63  }
0x1f1: {  	s7 =	simm.s32 $0x5B80;
	v56 =	vperm.xlane v45, v12;
	v55 =	vadd.s32 v2, v54  }
0x1f2: {  	[tilespmem:s7], [sflag:$0x3] =	stream.indirect_vreg.gather [hbm4b:s2+s4], $0x80, v48, vm0, $0xb8;
	[tilespmem:$0x19300] =	vst v63  }
0x1f3: {  	s10 =	simm.s32 $0x5C00;
	v58 =	vperm.xlane v45, v13;
	v57 =	vadd.s32 v2, v56  }
0x1f4: {  	[tilespmem:s10], [sflag:$0x3] =	stream.indirect_vreg.gather [hbm4b:s2+s4], $0x80, v53, vm0, $0xb8;
	[tilespmem:$0x19300] =	vst v63  }
0x1f5: {  	s16 =	simm.s32 $0x5C80;
	v60 =	vperm.xlane v45, v14;
	v59 =	vadd.s32 v2, v58  }
0x1f6: {  	[tilespmem:s16], [sflag:$0x3] =	stream.indirect_vreg.gather [hbm4b:s2+s4], $0x80, v55, vm0, $0xb8;
	[tilespmem:$0x19300] =	vst v63  }
0x1f7: {  	s17 =	simm.s32 $0x5D00;
	v61 =	vadd.s32 v2, v60;
	v62 =	vperm.xlane v45, v15  }
0x1f8: {  	[tilespmem:s17], [sflag:$0x3] =	stream.indirect_vreg.gather [hbm4b:s2+s4], $0x80, v57, vm0, $0xb8;
	[tilespmem:$0x19300] =	vst v63  }
0x1f9: {  	s20 =	simm.s32 $0x5D80;
	v52 =	vperm.xlane v45, v16;
	v63 =	vadd.s32 v2, v62  }
0x1fa: {  	[tilespmem:s20], [sflag:$0x3] =	stream.indirect_vreg.gather [hbm4b:s2+s4], $0x80, v59, vm0, $0xb8;
	[tilespmem:$0x19300] =	vst v63  }
0x1fb: {  	v54 =	vperm.xlane v45, v17;
	s21 =	simm.s32 $0x5E00;
	v53 =	vadd.s32 v2, v52  }
0x1fc: {  	[tilespmem:s21], [sflag:$0x3] =	stream.indirect_vreg.gather [hbm4b:s2+s4], $0x80, v61, vm0, $0xb8;
	[tilespmem:$0x19300] =	vst v63  }
0x1fd: {  	v56 =	vperm.xlane v45, v24;
	s22 =	simm.s32 $0x5E80;
	v55 =	vadd.s32 v2, v54  }
0x1fe: {  	[tilespmem:s22], [sflag:$0x3] =	stream.indirect_vreg.gather [hbm4b:s2+s4], $0x80, v63, vm0, $0xb8;
	[tilespmem:$0x19300] =	vst v63  }
0x1ff: {  	v58 =	vperm.xlane v45, v25;
	s7 =	simm.s32 $0x5F00;
	v57 =	vadd.s32 v2, v56  }
0x200: {  	[tilespmem:s7], [sflag:$0x3] =	stream.indirect_vreg.gather [hbm4b:s2+s4], $0x80, v53, vm0, $0xb8;
	[tilespmem:$0x19300] =	vst v63  }
0x201: {  	v60 =	vperm.xlane v45, v26;
	s10 =	simm.s32 $0x5F80;
	v59 =	vadd.s32 v2, v58  }
0x202: {  	[tilespmem:s10], [sflag:$0x3] =	stream.indirect_vreg.gather [hbm4b:s2+s4], $0x80, v55, vm0, $0xb8;
	[tilespmem:$0x19300] =	vst v63  }
0x203: {  	v62 =	vperm.xlane v45, v27;
	s16 =	simm.s32 $0x6000;
	v61 =	vadd.s32 v2, v60  }
0x204: {  	[tilespmem:s16], [sflag:$0x3] =	stream.indirect_vreg.gather [hbm4b:s2+s4], $0x80, v57, vm0, $0xb8;
	[tilespmem:$0x19300] =	vst v63  }
0x205: {  	v45 =	vperm.xlane v45, v28;
	s17 =	simm.s32 $0x6080;
	v63 =	vadd.s32 v2, v62  }
0x206: {  	[tilespmem:s17], [sflag:$0x3] =	stream.indirect_vreg.gather [hbm4b:s2+s4], $0x80, v59, vm0, $0xb8;
	[tilespmem:$0x19300] =	vst v63  }
0x207: {  	v45 =	vadd.s32 v2, v45;
	s20 =	simm.s32 $0x6100  }
0x208: {  	[tilespmem:s20], [sflag:$0x3] =	stream.indirect_vreg.gather [hbm4b:s2+s4], $0x80, v61, vm0, $0xb8;
	[tilespmem:$0x19300] =	vst v63  }
0x209: {  	s21 =	simm.s32 $0x6180  }
0x20a: {  	[tilespmem:s21], [sflag:$0x3] =	stream.indirect_vreg.gather [hbm4b:s2+s4], $0x80, v63, vm0, $0xb8;
	[tilespmem:$0x19300] =	vst v63  }
0x20b: {  	s3 =	simm.s32 $0x0;
	s22 =	simm.s32 $0x6200;
	s20 =	simm.s32 $0x8680  }
0x20c: {  	[tilespmem:s22], [sflag:$0x3] =	stream.indirect_vreg.gather [hbm4b:s2+s4], $0x80, v45, vm0, $0xb8;
	v45 =	vimm.f32 $0.0e+00;
	[tilespmem:$0x19300] =	vst v63  }
.LBB2_2:
0x20d: {  	s21 =	sshra.s32 s3, $0x2  }
0x20e: {  	v50 =	vld [tilespmem:s21+$0x0];
	_ =	sdelay $0x4  }
0x20f: {  	(v2sf) =	vpush v50, $0x0;
	_ =	sdelay $0xe  }
0x210: {  	s2 =	spop (v2sf)  }
0x211: {  	_ =	swait.ge [sflag:s12], $0x800  }
0x212: {  	(v2sf) =	vpush v50, $0x1;
	_ =	sdelay $0x3  }
0x213: {  	s2 =	sand.u32 $0x7F, s2  }
0x214: {  	v46 =	vor.u32 s2, v29;
	_ =	sdelay $0x2  }
0x215: {  	[sflag:s12] =	ssyncset.done $0x0  }
0x216: {  	[sflag:s12] =	ssyncadd.s32 $0xFFFFF800  }
0x217: {  	v46 =	vld.idx.msk [tilespmem:v46+s11+$0x0], $0xffff;
	_ =	sdelay $0x4  }
0x218: {  	[tilespmem:s20+$0xFFFFFC00] =	vst v46;
	s22 =	spop (v2sf)  }
0x219: {  	_ =	swait.ge [sflag:s12], $0x800  }
0x21a: {  	(v2sf) =	vpush v50, $0x2;
	_ =	sdelay $0x3  }
0x21b: {  	s2 =	sand.u32 $0x7F, s22  }
0x21c: {  	v47 =	vor.u32 s2, v35;
	_ =	sdelay $0x2  }
0x21d: {  	[sflag:s12] =	ssyncset.done $0x0  }
0x21e: {  	[sflag:s12] =	ssyncadd.s32 $0xFFFFF800  }
0x21f: {  	v47 =	vld.idx.msk [tilespmem:v47+s11+$0x0], $0xffff;
	_ =	sdelay $0x4  }
0x220: {  	[tilespmem:s20+$0xFFFFFC80] =	vst v47;
	s7 =	spop (v2sf)  }
0x221: {  	_ =	swait.ge [sflag:s12], $0x800  }
0x222: {  	(v2sf) =	vpush v50, $0x3;
	_ =	sdelay $0x6  }
0x223: {  	s2 =	sand.u32 $0x7F, s7  }
0x224: {  	v48 =	vor.u32 s2, v36;
	_ =	sdelay $0x2  }
0x225: {  	[sflag:s12] =	ssyncset.done $0x0  }
0x226: {  	[sflag:s12] =	ssyncadd.s32 $0xFFFFF800  }
0x227: {  	v48 =	vld.idx.msk [tilespmem:v48+s11+$0x0], $0xffff;
	_ =	sdelay $0x1  }
0x228: {  	s10 =	spop (v2sf)  }
0x229: {  	s2 =	sand.u32 $0x7F, s10  }
0x22a: {  	v49 =	vor.u32 s2, v37  }
0x22b: {  	[tilespmem:s20+$0xFFFFFD00] =	vst v48  }
0x22c: {  	_ =	swait.ge [sflag:s12], $0x800  }
0x22d: {  	[sflag:s12] =	ssyncset.done $0x0  }
0x22e: {  	[sflag:s12] =	ssyncadd.s32 $0xFFFFF800  }
0x22f: {  	v49 =	vld.idx.msk [tilespmem:v49+s11+$0x0], $0xffff;
	_ =	sdelay $0x3  }
0x230: {  	(v2sf) =	vpush v50, $0xC  }
0x231: {  	[tilespmem:s20+$0xFFFFFD80] =	vst v49  }
0x232: {  	v51 =	vld [tilespmem:$0x200];
	_ =	sdelay $0x4  }
0x233: {  	v52 =	vshrl.u32 v51, $0x3  }
0x234: {  	v52 =	vmul.u32 $0xF428, v52  }
0x235: {  	v51 =	vand.u32 $0x7, v51  }
0x236: {  	v51 =	vor.u32 v51, v52  }
0x237: {  	v52 =	vperm.xlane v51, v1;
	_ =	sdelay $0x1  }
0x238: {  	v53 =	vperm.xlane v51, v3;
	v52 =	vadd.s32 v2, v52;
	_ =	sdelay $0x1  }
0x239: {  	s10 =	spop (v2sf);
	v54 =	vperm.xlane v51, v4;
	v53 =	vadd.s32 v2, v53  }
0x23a: {  	s16 =	sand.u32 $0xFFFFF80, s10  }
0x23b: {  	s7 =	simm.s32 $0x6280;
	s2 =	sadd.s32 s1, s16;
	v55 =	vperm.xlane v51, v5;
	v54 =	vadd.s32 v2, v54  }
0x23c: {  	[tilespmem:s7], [sflag:$0x4] =	stream.indirect_vreg.gather [hbm4b:s2+s4], $0x80, v52, vm0, $0xb8;
	[tilespmem:$0x19300] =	vst v63  }
0x23d: {  	s17 =	simm.s32 $0x6300;
	v63 =	vperm.xlane v51, v6;
	v62 =	vadd.s32 v2, v55  }
0x23e: {  	[tilespmem:s17], [sflag:$0x4] =	stream.indirect_vreg.gather [hbm4b:s2+s4], $0x80, v53, vm0, $0xb8;
	[tilespmem:$0x19300] =	vst v63  }
0x23f: {  	s22 =	simm.s32 $0x6380;
	v58 =	vperm.xlane v51, v12;
	v57 =	vadd.s32 v2, v63  }
0x240: {  	[tilespmem:s22], [sflag:$0x4] =	stream.indirect_vreg.gather [hbm4b:s2+s4], $0x80, v54, vm0, $0xb8;
	[tilespmem:$0x19300] =	vst v63  }
0x241: {  	s16 =	simm.s32 $0x6400;
	v60 =	vperm.xlane v51, v13;
	v59 =	vadd.s32 v2, v58  }
0x242: {  	[tilespmem:s16], [sflag:$0x4] =	stream.indirect_vreg.gather [hbm4b:s2+s4], $0x80, v62, vm0, $0xb8;
	[tilespmem:$0x19300] =	vst v63  }
0x243: {  	v61 =	vadd.s32 v2, v60;
	s17 =	simm.s32 $0x6480;
	v62 =	vperm.xlane v51, v14  }
0x244: {  	[tilespmem:s17], [sflag:$0x4] =	stream.indirect_vreg.gather [hbm4b:s2+s4], $0x80, v57, vm0, $0xb8;
	[tilespmem:$0x19300] =	vst v63  }
0x245: {  	s22 =	simm.s32 $0x6500;
	v63 =	vadd.s32 v2, v62;
	v57 =	vperm.xlane v51, v15  }
0x246: {  	[tilespmem:s22], [sflag:$0x4] =	stream.indirect_vreg.gather [hbm4b:s2+s4], $0x80, v59, vm0, $0xb8;
	[tilespmem:$0x19300] =	vst v63  }
0x247: {  	s16 =	simm.s32 $0x6580;
	v58 =	vadd.s32 v2, v57;
	v59 =	vperm.xlane v51, v16  }
0x248: {  	[tilespmem:s16], [sflag:$0x4] =	stream.indirect_vreg.gather [hbm4b:s2+s4], $0x80, v61, vm0, $0xb8;
	[tilespmem:$0x19300] =	vst v63  }
0x249: {  	s17 =	simm.s32 $0x6600;
	v60 =	vadd.s32 v2, v59;
	v61 =	vperm.xlane v51, v17  }
0x24a: {  	[tilespmem:s17], [sflag:$0x4] =	stream.indirect_vreg.gather [hbm4b:s2+s4], $0x80, v63, vm0, $0xb8;
	[tilespmem:$0x19300] =	vst v63  }
0x24b: {  	s22 =	simm.s32 $0x6680;
	v62 =	vadd.s32 v2, v61;
	v63 =	vperm.xlane v51, v24  }
0x24c: {  	[tilespmem:s22], [sflag:$0x4] =	stream.indirect_vreg.gather [hbm4b:s2+s4], $0x80, v58, vm0, $0xb8;
	[tilespmem:$0x19300] =	vst v63  }
0x24d: {  	s16 =	simm.s32 $0x6700;
	v57 =	vadd.s32 v2, v63;
	v58 =	vperm.xlane v51, v25  }
0x24e: {  	[tilespmem:s16], [sflag:$0x4] =	stream.indirect_vreg.gather [hbm4b:s2+s4], $0x80, v60, vm0, $0xb8;
	[tilespmem:$0x19300] =	vst v63  }
0x24f: {  	s17 =	simm.s32 $0x6780;
	v59 =	vadd.s32 v2, v58;
	v60 =	vperm.xlane v51, v26  }
0x250: {  	[tilespmem:s17], [sflag:$0x4] =	stream.indirect_vreg.gather [hbm4b:s2+s4], $0x80, v62, vm0, $0xb8;
	[tilespmem:$0x19300] =	vst v63  }
0x251: {  	s22 =	simm.s32 $0x6800;
	v61 =	vadd.s32 v2, v60;
	v62 =	vperm.xlane v51, v27  }
0x252: {  	[tilespmem:s22], [sflag:$0x4] =	stream.indirect_vreg.gather [hbm4b:s2+s4], $0x80, v57, vm0, $0xb8;
	[tilespmem:$0x19300] =	vst v63  }
0x253: {  	s16 =	simm.s32 $0x6880;
	v51 =	vperm.xlane v51, v28;
	v63 =	vadd.s32 v2, v62  }
0x254: {  	[tilespmem:s16], [sflag:$0x4] =	stream.indirect_vreg.gather [hbm4b:s2+s4], $0x80, v59, vm0, $0xb8;
	[tilespmem:$0x19300] =	vst v63  }
0x255: {  	s17 =	simm.s32 $0x6900;
	v51 =	vadd.s32 v2, v51  }
0x256: {  	[tilespmem:s17], [sflag:$0x4] =	stream.indirect_vreg.gather [hbm4b:s2+s4], $0x80, v61, vm0, $0xb8;
	[tilespmem:$0x19300] =	vst v63  }
0x257: {  	s22 =	simm.s32 $0x6980  }
0x258: {  	[tilespmem:s22], [sflag:$0x4] =	stream.indirect_vreg.gather [hbm4b:s2+s4], $0x80, v63, vm0, $0xb8;
	[tilespmem:$0x19300] =	vst v63  }
0x259: {  	(v2sf) =	vpush v50, $0xD;
	s16 =	simm.s32 $0x6A00  }
0x25a: {  	[tilespmem:s16], [sflag:$0x4] =	stream.indirect_vreg.gather [hbm4b:s2+s4], $0x80, v51, vm0, $0xb8;
	[tilespmem:$0x19300] =	vst v63  }
0x25b: {  	v51 =	vld [tilespmem:$0x200];
	_ =	sdelay $0x4  }
0x25c: {  	v57 =	vshrl.u32 v51, $0x3  }
0x25d: {  	v52 =	vmul.u32 $0xF428, v57  }
0x25e: {  	v51 =	vand.u32 $0x7, v51  }
0x25f: {  	v51 =	vor.u32 v51, v52  }
0x260: {  	v52 =	vperm.xlane v51, v1;
	_ =	sdelay $0x1  }
0x261: {  	v58 =	vperm.xlane v51, v3;
	v52 =	vadd.s32 v2, v52;
	_ =	sdelay $0x1  }
0x262: {  	s2 =	spop (v2sf);
	v59 =	vperm.xlane v51, v4;
	v53 =	vadd.s32 v2, v58  }
0x263: {  	s16 =	sand.u32 $0xFFFFF80, s2  }
0x264: {  	s17 =	simm.s32 $0x6A80;
	s16 =	sadd.s32 s1, s16;
	v60 =	vperm.xlane v51, v5;
	v54 =	vadd.s32 v2, v59  }
0x265: {  	[tilespmem:s17], [sflag:$0x4] =	stream.indirect_vreg.gather [hbm4b:s16+s4], $0x80, v52, vm0, $0xb8;
	[tilespmem:$0x19300] =	vst v63  }
0x266: {  	s22 =	simm.s32 $0x6B00;
	v62 =	vperm.xlane v51, v6;
	v61 =	vadd.s32 v2, v60  }
0x267: {  	[tilespmem:s22], [sflag:$0x4] =	stream.indirect_vreg.gather [hbm4b:s16+s4], $0x80, v53, vm0, $0xb8;
	[tilespmem:$0x19300] =	vst v63  }
0x268: {  	v57 =	vperm.xlane v51, v12;
	v63 =	vadd.s32 v2, v62;
	s17 =	simm.s32 $0x6B80  }
0x269: {  	[tilespmem:s17], [sflag:$0x4] =	stream.indirect_vreg.gather [hbm4b:s16+s4], $0x80, v54, vm0, $0xb8;
	[tilespmem:$0x19300] =	vst v63  }
0x26a: {  	v58 =	vadd.s32 v2, v57;
	v59 =	vperm.xlane v51, v13;
	s22 =	simm.s32 $0x6C00  }
0x26b: {  	[tilespmem:s22], [sflag:$0x4] =	stream.indirect_vreg.gather [hbm4b:s16+s4], $0x80, v61, vm0, $0xb8;
	[tilespmem:$0x19300] =	vst v63  }
0x26c: {  	v60 =	vadd.s32 v2, v59;
	s17 =	simm.s32 $0x6C80;
	v61 =	vperm.xlane v51, v14  }
0x26d: {  	[tilespmem:s17], [sflag:$0x4] =	stream.indirect_vreg.gather [hbm4b:s16+s4], $0x80, v63, vm0, $0xb8;
	[tilespmem:$0x19300] =	vst v63  }
0x26e: {  	s22 =	simm.s32 $0x6D00;
	v62 =	vadd.s32 v2, v61;
	v63 =	vperm.xlane v51, v15  }
0x26f: {  	[tilespmem:s22], [sflag:$0x4] =	stream.indirect_vreg.gather [hbm4b:s16+s4], $0x80, v58, vm0, $0xb8;
	[tilespmem:$0x19300] =	vst v63  }
0x270: {  	s17 =	simm.s32 $0x6D80;
	v57 =	vadd.s32 v2, v63;
	v58 =	vperm.xlane v51, v16  }
0x271: {  	[tilespmem:s17], [sflag:$0x4] =	stream.indirect_vreg.gather [hbm4b:s16+s4], $0x80, v60, vm0, $0xb8;
	[tilespmem:$0x19300] =	vst v63  }
0x272: {  	s22 =	simm.s32 $0x6E00;
	v59 =	vadd.s32 v2, v58;
	v60 =	vperm.xlane v51, v17  }
0x273: {  	[tilespmem:s22], [sflag:$0x4] =	stream.indirect_vreg.gather [hbm4b:s16+s4], $0x80, v62, vm0, $0xb8;
	[tilespmem:$0x19300] =	vst v63  }
0x274: {  	s17 =	simm.s32 $0x6E80;
	v61 =	vadd.s32 v2, v60;
	v62 =	vperm.xlane v51, v24  }
0x275: {  	[tilespmem:s17], [sflag:$0x4] =	stream.indirect_vreg.gather [hbm4b:s16+s4], $0x80, v57, vm0, $0xb8;
	[tilespmem:$0x19300] =	vst v63  }
0x276: {  	s22 =	simm.s32 $0x6F00;
	v63 =	vadd.s32 v2, v62;
	v57 =	vperm.xlane v51, v25  }
0x277: {  	[tilespmem:s22], [sflag:$0x4] =	stream.indirect_vreg.gather [hbm4b:s16+s4], $0x80, v59, vm0, $0xb8;
	[tilespmem:$0x19300] =	vst v63  }
0x278: {  	s17 =	simm.s32 $0x6F80;
	v58 =	vadd.s32 v2, v57;
	v59 =	vperm.xlane v51, v26  }
0x279: {  	[tilespmem:s17], [sflag:$0x4] =	stream.indirect_vreg.gather [hbm4b:s16+s4], $0x80, v61, vm0, $0xb8;
	[tilespmem:$0x19300] =	vst v63  }
0x27a: {  	s22 =	simm.s32 $0x7000;
	v60 =	vadd.s32 v2, v59;
	v61 =	vperm.xlane v51, v27  }
0x27b: {  	[tilespmem:s22], [sflag:$0x4] =	stream.indirect_vreg.gather [hbm4b:s16+s4], $0x80, v63, vm0, $0xb8;
	[tilespmem:$0x19300] =	vst v63  }
0x27c: {  	v51 =	vperm.xlane v51, v28;
	s17 =	simm.s32 $0x7080;
	v62 =	vadd.s32 v2, v61  }
0x27d: {  	[tilespmem:s17], [sflag:$0x4] =	stream.indirect_vreg.gather [hbm4b:s16+s4], $0x80, v58, vm0, $0xb8;
	[tilespmem:$0x19300] =	vst v63  }
0x27e: {  	v51 =	vadd.s32 v2, v51;
	s22 =	simm.s32 $0x7100  }
0x27f: {  	[tilespmem:s22], [sflag:$0x4] =	stream.indirect_vreg.gather [hbm4b:s16+s4], $0x80, v60, vm0, $0xb8;
	[tilespmem:$0x19300] =	vst v63  }
0x280: {  	s17 =	simm.s32 $0x7180  }
0x281: {  	[tilespmem:s17], [sflag:$0x4] =	stream.indirect_vreg.gather [hbm4b:s16+s4], $0x80, v62, vm0, $0xb8;
	[tilespmem:$0x19300] =	vst v63  }
0x282: {  	(v2sf) =	vpush v50, $0xE;
	s22 =	simm.s32 $0x7200  }
0x283: {  	[tilespmem:s22], [sflag:$0x4] =	stream.indirect_vreg.gather [hbm4b:s16+s4], $0x80, v51, vm0, $0xb8;
	[tilespmem:$0x19300] =	vst v63  }
0x284: {  	v51 =	vld [tilespmem:$0x200];
	_ =	sdelay $0x4  }
0x285: {  	v63 =	vshrl.u32 v51, $0x3  }
0x286: {  	v52 =	vmul.u32 $0xF428, v63  }
0x287: {  	v51 =	vand.u32 $0x7, v51  }
0x288: {  	v51 =	vor.u32 v51, v52  }
0x289: {  	v52 =	vperm.xlane v51, v1;
	_ =	sdelay $0x1  }
0x28a: {  	v56 =	vperm.xlane v51, v3;
	v52 =	vadd.s32 v2, v52;
	_ =	sdelay $0x1  }
0x28b: {  	s16 =	spop (v2sf);
	v57 =	vperm.xlane v51, v4;
	v53 =	vadd.s32 v2, v56  }
0x28c: {  	s22 =	sand.u32 $0xFFFFF80, s16  }
0x28d: {  	s17 =	simm.s32 $0x7280;
	s22 =	sadd.s32 s1, s22;
	v58 =	vperm.xlane v51, v5;
	v54 =	vadd.s32 v2, v57  }
0x28e: {  	[tilespmem:s17], [sflag:$0x4] =	stream.indirect_vreg.gather [hbm4b:s22+s4], $0x80, v52, vm0, $0xb8;
	[tilespmem:$0x19300] =	vst v63  }
0x28f: {  	v60 =	vperm.xlane v51, v6;
	v59 =	vadd.s32 v2, v58;
	s17 =	simm.s32 $0x7300  }
0x290: {  	[tilespmem:s17], [sflag:$0x4] =	stream.indirect_vreg.gather [hbm4b:s22+s4], $0x80, v53, vm0, $0xb8;
	[tilespmem:$0x19300] =	vst v63  }
0x291: {  	v62 =	vperm.xlane v51, v12;
	v61 =	vadd.s32 v2, v60;
	s17 =	simm.s32 $0x7380  }
0x292: {  	[tilespmem:s17], [sflag:$0x4] =	stream.indirect_vreg.gather [hbm4b:s22+s4], $0x80, v54, vm0, $0xb8;
	[tilespmem:$0x19300] =	vst v63  }
0x293: {  	v63 =	vadd.s32 v2, v62;
	v57 =	vperm.xlane v51, v13;
	s17 =	simm.s32 $0x7400  }
0x294: {  	[tilespmem:s17], [sflag:$0x4] =	stream.indirect_vreg.gather [hbm4b:s22+s4], $0x80, v59, vm0, $0xb8;
	[tilespmem:$0x19300] =	vst v63  }
0x295: {  	v58 =	vadd.s32 v2, v57;
	v59 =	vperm.xlane v51, v14;
	s17 =	simm.s32 $0x7480  }
0x296: {  	[tilespmem:s17], [sflag:$0x4] =	stream.indirect_vreg.gather [hbm4b:s22+s4], $0x80, v61, vm0, $0xb8;
	[tilespmem:$0x19300] =	vst v63  }
0x297: {  	v60 =	vadd.s32 v2, v59;
	v61 =	vperm.xlane v51, v15;
	s17 =	simm.s32 $0x7500  }
0x298: {  	[tilespmem:s17], [sflag:$0x4] =	stream.indirect_vreg.gather [hbm4b:s22+s4], $0x80, v63, vm0, $0xb8;
	[tilespmem:$0x19300] =	vst v63  }
0x299: {  	v62 =	vadd.s32 v2, v61;
	v63 =	vperm.xlane v51, v16;
	s17 =	simm.s32 $0x7580  }
0x29a: {  	[tilespmem:s17], [sflag:$0x4] =	stream.indirect_vreg.gather [hbm4b:s22+s4], $0x80, v58, vm0, $0xb8;
	[tilespmem:$0x19300] =	vst v63  }
0x29b: {  	v57 =	vadd.s32 v2, v63;
	v58 =	vperm.xlane v51, v17;
	s17 =	simm.s32 $0x7600  }
0x29c: {  	[tilespmem:s17], [sflag:$0x4] =	stream.indirect_vreg.gather [hbm4b:s22+s4], $0x80, v60, vm0, $0xb8;
	[tilespmem:$0x19300] =	vst v63  }
0x29d: {  	v59 =	vadd.s32 v2, v58;
	v60 =	vperm.xlane v51, v24;
	s17 =	simm.s32 $0x7680  }
0x29e: {  	[tilespmem:s17], [sflag:$0x4] =	stream.indirect_vreg.gather [hbm4b:s22+s4], $0x80, v62, vm0, $0xb8;
	[tilespmem:$0x19300] =	vst v63  }
0x29f: {  	v61 =	vadd.s32 v2, v60;
	v62 =	vperm.xlane v51, v25;
	s17 =	simm.s32 $0x7700  }
0x2a0: {  	[tilespmem:s17], [sflag:$0x4] =	stream.indirect_vreg.gather [hbm4b:s22+s4], $0x80, v57, vm0, $0xb8;
	[tilespmem:$0x19300] =	vst v63  }
0x2a1: {  	v63 =	vadd.s32 v2, v62;
	v57 =	vperm.xlane v51, v26;
	s17 =	simm.s32 $0x7780  }
0x2a2: {  	[tilespmem:s17], [sflag:$0x4] =	stream.indirect_vreg.gather [hbm4b:s22+s4], $0x80, v59, vm0, $0xb8;
	[tilespmem:$0x19300] =	vst v63  }
0x2a3: {  	v58 =	vadd.s32 v2, v57;
	v59 =	vperm.xlane v51, v27;
	s17 =	simm.s32 $0x7800  }
0x2a4: {  	[tilespmem:s17], [sflag:$0x4] =	stream.indirect_vreg.gather [hbm4b:s22+s4], $0x80, v61, vm0, $0xb8;
	[tilespmem:$0x19300] =	vst v63  }
0x2a5: {  	v51 =	vperm.xlane v51, v28;
	v60 =	vadd.s32 v2, v59;
	s17 =	simm.s32 $0x7880  }
0x2a6: {  	[tilespmem:s17], [sflag:$0x4] =	stream.indirect_vreg.gather [hbm4b:s22+s4], $0x80, v63, vm0, $0xb8;
	[tilespmem:$0x19300] =	vst v63  }
0x2a7: {  	v51 =	vadd.s32 v2, v51;
	s17 =	simm.s32 $0x7900  }
0x2a8: {  	[tilespmem:s17], [sflag:$0x4] =	stream.indirect_vreg.gather [hbm4b:s22+s4], $0x80, v58, vm0, $0xb8;
	[tilespmem:$0x19300] =	vst v63  }
0x2a9: {  	s17 =	simm.s32 $0x7980  }
0x2aa: {  	[tilespmem:s17], [sflag:$0x4] =	stream.indirect_vreg.gather [hbm4b:s22+s4], $0x80, v60, vm0, $0xb8;
	[tilespmem:$0x19300] =	vst v63  }
0x2ab: {  	(v2sf) =	vpush v50, $0xF;
	s17 =	simm.s32 $0x7A00  }
0x2ac: {  	[tilespmem:s17], [sflag:$0x4] =	stream.indirect_vreg.gather [hbm4b:s22+s4], $0x80, v51, vm0, $0xb8;
	[tilespmem:$0x19300] =	vst v63  }
0x2ad: {  	v51 =	vld [tilespmem:$0x200];
	_ =	sdelay $0x4  }
0x2ae: {  	v61 =	vshrl.u32 v51, $0x3  }
0x2af: {  	v52 =	vmul.u32 $0xF428, v61  }
0x2b0: {  	v51 =	vand.u32 $0x7, v51  }
0x2b1: {  	v51 =	vor.u32 v51, v52  }
0x2b2: {  	v52 =	vperm.xlane v51, v1;
	_ =	sdelay $0x1  }
0x2b3: {  	v62 =	vperm.xlane v51, v3;
	v52 =	vadd.s32 v2, v52;
	_ =	sdelay $0x1  }
0x2b4: {  	s22 =	spop (v2sf);
	v63 =	vperm.xlane v51, v4;
	v53 =	vadd.s32 v2, v62  }
0x2b5: {  	s17 =	sand.u32 $0xFFFFF80, s22  }
0x2b6: {  	s17 =	sadd.s32 s1, s17;
	v57 =	vperm.xlane v51, v5;
	v54 =	vadd.s32 v2, v63  }
0x2b7: {  	[tilespmem:s24], [sflag:$0x4] =	stream.indirect_vreg.gather [hbm4b:s17+s4], $0x80, v52, vm0, $0xb8;
	[tilespmem:$0x19300] =	vst v63  }
0x2b8: {  	v59 =	vperm.xlane v51, v6;
	v58 =	vadd.s32 v2, v57  }
0x2b9: {  	[tilespmem:s9], [sflag:$0x4] =	stream.indirect_vreg.gather [hbm4b:s17+s4], $0x80, v53, vm0, $0xb8;
	[tilespmem:$0x19300] =	vst v63  }
0x2ba: {  	v61 =	vperm.xlane v51, v12;
	v60 =	vadd.s32 v2, v59  }
0x2bb: {  	[tilespmem:s23], [sflag:$0x4] =	stream.indirect_vreg.gather [hbm4b:s17+s4], $0x80, v54, vm0, $0xb8;
	[tilespmem:$0x19300] =	vst v63  }
0x2bc: {  	v62 =	vadd.s32 v2, v61;
	v63 =	vperm.xlane v51, v13  }
0x2bd: {  	[tilespmem:s0], [sflag:$0x4] =	stream.indirect_vreg.gather [hbm4b:s17+s4], $0x80, v58, vm0, $0xb8;
	[tilespmem:$0x19300] =	vst v63  }
0x2be: {  	v57 =	vadd.s32 v2, v63;
	v58 =	vperm.xlane v51, v14  }
0x2bf: {  	[tilespmem:s13], [sflag:$0x4] =	stream.indirect_vreg.gather [hbm4b:s17+s4], $0x80, v60, vm0, $0xb8;
	[tilespmem:$0x19300] =	vst v63  }
0x2c0: {  	v59 =	vadd.s32 v2, v58;
	v60 =	vperm.xlane v51, v15  }
0x2c1: {  	[tilespmem:s25], [sflag:$0x4] =	stream.indirect_vreg.gather [hbm4b:s17+s4], $0x80, v62, vm0, $0xb8;
	[tilespmem:$0x19300] =	vst v63  }
0x2c2: {  	v61 =	vadd.s32 v2, v60;
	v62 =	vperm.xlane v51, v16  }
0x2c3: {  	[tilespmem:s19], [sflag:$0x4] =	stream.indirect_vreg.gather [hbm4b:s17+s4], $0x80, v57, vm0, $0xb8;
	[tilespmem:$0x19300] =	vst v63  }
0x2c4: {  	v63 =	vadd.s32 v2, v62;
	v57 =	vperm.xlane v51, v17  }
0x2c5: {  	[tilespmem:s31], [sflag:$0x4] =	stream.indirect_vreg.gather [hbm4b:s17+s4], $0x80, v59, vm0, $0xb8;
	[tilespmem:$0x19300] =	vst v63  }
0x2c6: {  	v58 =	vadd.s32 v2, v57;
	v59 =	vperm.xlane v51, v24  }
0x2c7: {  	(v2sf) =	vpush v50, $0x4;
	[tilespmem:s30], [sflag:$0x4] =	stream.indirect_vreg.gather [hbm4b:s17+s4], $0x80, v61, vm0, $0xb8;
	[tilespmem:$0x19300] =	vst v63  }
0x2c8: {  	v60 =	vadd.s32 v2, v59;
	v61 =	vperm.xlane v51, v25  }
0x2c9: {  	[tilespmem:s18], [sflag:$0x4] =	stream.indirect_vreg.gather [hbm4b:s17+s4], $0x80, v63, vm0, $0xb8;
	[tilespmem:$0x19300] =	vst v63  }
0x2ca: {  	v62 =	vadd.s32 v2, v61;
	v63 =	vperm.xlane v51, v26  }
0x2cb: {  	[tilespmem:s15], [sflag:$0x4] =	stream.indirect_vreg.gather [hbm4b:s17+s4], $0x80, v58, vm0, $0xb8;
	[tilespmem:$0x19300] =	vst v63  }
0x2cc: {  	v57 =	vadd.s32 v2, v63;
	v58 =	vperm.xlane v51, v27  }
0x2cd: {  	[tilespmem:s29], [sflag:$0x4] =	stream.indirect_vreg.gather [hbm4b:s17+s4], $0x80, v60, vm0, $0xb8;
	[tilespmem:$0x19300] =	vst v63  }
0x2ce: {  	v51 =	vperm.xlane v51, v28;
	v59 =	vadd.s32 v2, v58  }
0x2cf: {  	[tilespmem:s28], [sflag:$0x4] =	stream.indirect_vreg.gather [hbm4b:s17+s4], $0x80, v62, vm0, $0xb8;
	[tilespmem:$0x19300] =	vst v63  }
0x2d0: {  	v51 =	vadd.s32 v2, v51  }
0x2d1: {  	[tilespmem:s26], [sflag:$0x4] =	stream.indirect_vreg.gather [hbm4b:s17+s4], $0x80, v57, vm0, $0xb8;
	[tilespmem:$0x19300] =	vst v63  }
0x2d2: {  	_ = 	snop  }
0x2d3: {  	[tilespmem:s14], [sflag:$0x4] =	stream.indirect_vreg.gather [hbm4b:s17+s4], $0x80, v59, vm0, $0xb8;
	[tilespmem:$0x19300] =	vst v63  }
0x2d4: {  	s7 =	simm.s32 $0x8200  }
0x2d5: {  	[tilespmem:s7], [sflag:$0x4] =	stream.indirect_vreg.gather [hbm4b:s17+s4], $0x80, v51, vm0, $0xb8;
	[tilespmem:$0x19300] =	vst v63  }
0x2d6: {  	s7 =	spop (v2sf)  }
0x2d7: {  	_ =	swait.ge [sflag:s8], $0x800  }
0x2d8: {  	(v2sf) =	vpush v50, $0x5;
	_ =	sdelay $0x3  }
0x2d9: {  	s17 =	sand.u32 $0x7F, s7  }
0x2da: {  	v60 =	vor.u32 s17, v38;
	_ =	sdelay $0x2  }
0x2db: {  	[sflag:s8] =	ssyncset.done $0x0  }
0x2dc: {  	[sflag:s8] =	ssyncadd.s32 $0xFFFFF800  }
0x2dd: {  	v51 =	vld.idx.msk [tilespmem:v60+s11+$0x0], $0xffff;
	_ =	sdelay $0x4  }
0x2de: {  	[tilespmem:s20+$0xFFFFFE00] =	vst v51;
	s7 =	spop (v2sf)  }
0x2df: {  	_ =	swait.ge [sflag:s8], $0x800  }
0x2e0: {  	(v2sf) =	vpush v50, $0x6;
	_ =	sdelay $0x3  }
0x2e1: {  	s17 =	sand.u32 $0x7F, s7  }
0x2e2: {  	v61 =	vor.u32 s17, v39;
	_ =	sdelay $0x2  }
0x2e3: {  	[sflag:s8] =	ssyncset.done $0x0  }
0x2e4: {  	[sflag:s8] =	ssyncadd.s32 $0xFFFFF800  }
0x2e5: {  	v52 =	vld.idx.msk [tilespmem:v61+s11+$0x0], $0xffff;
	_ =	sdelay $0x4  }
0x2e6: {  	[tilespmem:s20+$0xFFFFFE80] =	vst v52;
	s7 =	spop (v2sf)  }
0x2e7: {  	_ =	swait.ge [sflag:s8], $0x800  }
0x2e8: {  	(v2sf) =	vpush v50, $0x7;
	_ =	sdelay $0x6  }
0x2e9: {  	s17 =	sand.u32 $0x7F, s7  }
0x2ea: {  	v62 =	vor.u32 s17, v40;
	_ =	sdelay $0x2  }
0x2eb: {  	[sflag:s8] =	ssyncset.done $0x0  }
0x2ec: {  	[sflag:s8] =	ssyncadd.s32 $0xFFFFF800  }
0x2ed: {  	v53 =	vld.idx.msk [tilespmem:v62+s11+$0x0], $0xffff;
	_ =	sdelay $0x1  }
0x2ee: {  	s7 =	spop (v2sf)  }
0x2ef: {  	s17 =	sand.u32 $0x7F, s7  }
0x2f0: {  	v63 =	vor.u32 s17, v41  }
0x2f1: {  	[tilespmem:s20+$0xFFFFFF00] =	vst v53  }
0x2f2: {  	_ =	swait.ge [sflag:s8], $0x800  }
0x2f3: {  	[sflag:s8] =	ssyncset.done $0x0  }
0x2f4: {  	[sflag:s8] =	ssyncadd.s32 $0xFFFFF800  }
0x2f5: {  	p0 =	seq.s32 s3, $0x7C0;
	v54 =	vld.idx.msk [tilespmem:v63+s11+$0x0], $0xffff  }
.Ltmp0:
0x2f6: {  	_ = 	snop;
	(pc) =	sbr.rel @p0 .LBB2_4-.Ltmp0, $2  }
0x2f7: {  	_ =	sdelay $0x2  }
0x2f8: {  	[tilespmem:s20+$0xFFFFFF80] =	vst v54  }
0x2f9: {  	v55 =	vld [tilespmem:s21+$0x10];
	_ =	sdelay $0x4  }
0x2fa: {  	(v2sf) =	vpush v55, $0x0;
	_ =	sdelay $0x1  }
0x2fb: {  	v56 =	vld [tilespmem:$0x200];
	_ =	sdelay $0x4  }
0x2fc: {  	v57 =	vshrl.u32 v56, $0x3  }
0x2fd: {  	v57 =	vmul.u32 $0xF428, v57  }
0x2fe: {  	v56 =	vand.u32 $0x7, v56  }
0x2ff: {  	v56 =	vor.u32 v56, v57  }
0x300: {  	v57 =	vperm.xlane v56, v1;
	_ =	sdelay $0x1  }
0x301: {  	v58 =	vperm.xlane v56, v3;
	v57 =	vadd.s32 v2, v57;
	_ =	sdelay $0x1  }
0x302: {  	v59 =	vperm.xlane v56, v4;
	v58 =	vadd.s32 v2, v58;
	s17 =	spop (v2sf)  }
0x303: {  	s17 =	sand.u32 $0xFFFFF80, s17  }
0x304: {  	v60 =	vperm.xlane v56, v5;
	v59 =	vadd.s32 v2, v59;
	s17 =	sadd.s32 s1, s17  }
0x305: {  	[tilespmem:s11], [sflag:$0x1] =	stream.indirect_vreg.gather [hbm4b:s17+s4], $0x80, v57, vm0, $0xb8;
	[tilespmem:$0x19300] =	vst v63  }
0x306: {  	s7 =	simm.s32 $0x300;
	v57 =	vadd.s32 v2, v60;
	v60 =	vperm.xlane v56, v6  }
0x307: {  	[tilespmem:s7], [sflag:$0x1] =	stream.indirect_vreg.gather [hbm4b:s17+s4], $0x80, v58, vm0, $0xb8;
	[tilespmem:$0x19300] =	vst v63  }
0x308: {  	v58 =	vadd.s32 v2, v60;
	v60 =	vperm.xlane v56, v12;
	s7 =	simm.s32 $0x380  }
0x309: {  	[tilespmem:s7], [sflag:$0x1] =	stream.indirect_vreg.gather [hbm4b:s17+s4], $0x80, v59, vm0, $0xb8;
	[tilespmem:$0x19300] =	vst v63  }
0x30a: {  	v59 =	vadd.s32 v2, v60;
	v60 =	vperm.xlane v56, v13;
	s7 =	simm.s32 $0x400  }
0x30b: {  	[tilespmem:s7], [sflag:$0x1] =	stream.indirect_vreg.gather [hbm4b:s17+s4], $0x80, v57, vm0, $0xb8;
	[tilespmem:$0x19300] =	vst v63  }
0x30c: {  	v57 =	vadd.s32 v2, v60;
	v60 =	vperm.xlane v56, v14;
	s7 =	simm.s32 $0x480  }
0x30d: {  	[tilespmem:s7], [sflag:$0x1] =	stream.indirect_vreg.gather [hbm4b:s17+s4], $0x80, v58, vm0, $0xb8;
	[tilespmem:$0x19300] =	vst v63  }
0x30e: {  	v58 =	vadd.s32 v2, v60;
	v60 =	vperm.xlane v56, v15;
	s7 =	simm.s32 $0x500  }
0x30f: {  	[tilespmem:s7], [sflag:$0x1] =	stream.indirect_vreg.gather [hbm4b:s17+s4], $0x80, v59, vm0, $0xb8;
	[tilespmem:$0x19300] =	vst v63  }
0x310: {  	v59 =	vadd.s32 v2, v60;
	v60 =	vperm.xlane v56, v16;
	s7 =	simm.s32 $0x580  }
0x311: {  	[tilespmem:s7], [sflag:$0x1] =	stream.indirect_vreg.gather [hbm4b:s17+s4], $0x80, v57, vm0, $0xb8;
	[tilespmem:$0x19300] =	vst v63  }
0x312: {  	v57 =	vadd.s32 v2, v60;
	v60 =	vperm.xlane v56, v17;
	s7 =	simm.s32 $0x600  }
0x313: {  	[tilespmem:s7], [sflag:$0x1] =	stream.indirect_vreg.gather [hbm4b:s17+s4], $0x80, v58, vm0, $0xb8;
	[tilespmem:$0x19300] =	vst v63  }
0x314: {  	v58 =	vadd.s32 v2, v60;
	v60 =	vperm.xlane v56, v24;
	s7 =	simm.s32 $0x680  }
0x315: {  	[tilespmem:s7], [sflag:$0x1] =	stream.indirect_vreg.gather [hbm4b:s17+s4], $0x80, v59, vm0, $0xb8;
	[tilespmem:$0x19300] =	vst v63  }
0x316: {  	v59 =	vadd.s32 v2, v60;
	v60 =	vperm.xlane v56, v25;
	s7 =	simm.s32 $0x700  }
0x317: {  	[tilespmem:s7], [sflag:$0x1] =	stream.indirect_vreg.gather [hbm4b:s17+s4], $0x80, v57, vm0, $0xb8;
	[tilespmem:$0x19300] =	vst v63  }
0x318: {  	v57 =	vadd.s32 v2, v60;
	v60 =	vperm.xlane v56, v26;
	s7 =	simm.s32 $0x780  }
0x319: {  	[tilespmem:s7], [sflag:$0x1] =	stream.indirect_vreg.gather [hbm4b:s17+s4], $0x80, v58, vm0, $0xb8;
	[tilespmem:$0x19300] =	vst v63  }
0x31a: {  	v58 =	vadd.s32 v2, v60;
	v60 =	vperm.xlane v56, v27;
	s7 =	simm.s32 $0x800  }
0x31b: {  	[tilespmem:s7], [sflag:$0x1] =	stream.indirect_vreg.gather [hbm4b:s17+s4], $0x80, v59, vm0, $0xb8;
	[tilespmem:$0x19300] =	vst v63  }
0x31c: {  	v56 =	vperm.xlane v56, v28;
	v62 =	vadd.s32 v2, v60;
	s7 =	simm.s32 $0x880  }
0x31d: {  	[tilespmem:s7], [sflag:$0x1] =	stream.indirect_vreg.gather [hbm4b:s17+s4], $0x80, v57, vm0, $0xb8;
	[tilespmem:$0x19300] =	vst v63  }
0x31e: {  	v56 =	vadd.s32 v2, v56;
	s7 =	simm.s32 $0x900  }
0x31f: {  	[tilespmem:s7], [sflag:$0x1] =	stream.indirect_vreg.gather [hbm4b:s17+s4], $0x80, v58, vm0, $0xb8;
	[tilespmem:$0x19300] =	vst v63  }
0x320: {  	s7 =	simm.s32 $0x980  }
0x321: {  	[tilespmem:s7], [sflag:$0x1] =	stream.indirect_vreg.gather [hbm4b:s17+s4], $0x80, v62, vm0, $0xb8;
	[tilespmem:$0x19300] =	vst v63  }
0x322: {  	(v2sf) =	vpush v55, $0x1;
	s7 =	simm.s32 $0xA00  }
0x323: {  	[tilespmem:s7], [sflag:$0x1] =	stream.indirect_vreg.gather [hbm4b:s17+s4], $0x80, v56, vm0, $0xb8;
	[tilespmem:$0x19300] =	vst v63  }
0x324: {  	v56 =	vld [tilespmem:$0x200];
	_ =	sdelay $0x4  }
0x325: {  	v63 =	vshrl.u32 v56, $0x3  }
0x326: {  	v57 =	vmul.u32 $0xF428, v63  }
0x327: {  	v56 =	vand.u32 $0x7, v56  }
0x328: {  	v56 =	vor.u32 v56, v57  }
0x329: {  	v57 =	vperm.xlane v56, v1;
	_ =	sdelay $0x1  }
0x32a: {  	v60 =	vperm.xlane v56, v3;
	v57 =	vadd.s32 v2, v57;
	_ =	sdelay $0x1  }
0x32b: {  	s7 =	spop (v2sf);
	v61 =	vperm.xlane v56, v4;
	v58 =	vadd.s32 v2, v60  }
0x32c: {  	s17 =	sand.u32 $0xFFFFF80, s7  }
0x32d: {  	s7 =	simm.s32 $0xA80;
	s17 =	sadd.s32 s1, s17;
	v59 =	vadd.s32 v2, v61;
	v60 =	vperm.xlane v56, v5  }
0x32e: {  	[tilespmem:s7], [sflag:$0x1] =	stream.indirect_vreg.gather [hbm4b:s17+s4], $0x80, v57, vm0, $0xb8;
	[tilespmem:$0x19300] =	vst v63  }
0x32f: {  	v57 =	vadd.s32 v2, v60;
	v60 =	vperm.xlane v56, v6;
	s7 =	simm.s32 $0xB00  }
0x330: {  	[tilespmem:s7], [sflag:$0x1] =	stream.indirect_vreg.gather [hbm4b:s17+s4], $0x80, v58, vm0, $0xb8;
	[tilespmem:$0x19300] =	vst v63  }
0x331: {  	v58 =	vadd.s32 v2, v60;
	v60 =	vperm.xlane v56, v12;
	s7 =	simm.s32 $0xB80  }
0x332: {  	[tilespmem:s7], [sflag:$0x1] =	stream.indirect_vreg.gather [hbm4b:s17+s4], $0x80, v59, vm0, $0xb8;
	[tilespmem:$0x19300] =	vst v63  }
0x333: {  	v59 =	vadd.s32 v2, v60;
	v60 =	vperm.xlane v56, v13;
	s7 =	simm.s32 $0xC00  }
0x334: {  	[tilespmem:s7], [sflag:$0x1] =	stream.indirect_vreg.gather [hbm4b:s17+s4], $0x80, v57, vm0, $0xb8;
	[tilespmem:$0x19300] =	vst v63  }
0x335: {  	v57 =	vadd.s32 v2, v60;
	v60 =	vperm.xlane v56, v14;
	s7 =	simm.s32 $0xC80  }
0x336: {  	[tilespmem:s7], [sflag:$0x1] =	stream.indirect_vreg.gather [hbm4b:s17+s4], $0x80, v58, vm0, $0xb8;
	[tilespmem:$0x19300] =	vst v63  }
0x337: {  	v58 =	vadd.s32 v2, v60;
	v60 =	vperm.xlane v56, v15;
	s7 =	simm.s32 $0xD00  }
0x338: {  	[tilespmem:s7], [sflag:$0x1] =	stream.indirect_vreg.gather [hbm4b:s17+s4], $0x80, v59, vm0, $0xb8;
	[tilespmem:$0x19300] =	vst v63  }
0x339: {  	v59 =	vadd.s32 v2, v60;
	v60 =	vperm.xlane v56, v16;
	s7 =	simm.s32 $0xD80  }
0x33a: {  	[tilespmem:s7], [sflag:$0x1] =	stream.indirect_vreg.gather [hbm4b:s17+s4], $0x80, v57, vm0, $0xb8;
	[tilespmem:$0x19300] =	vst v63  }
0x33b: {  	v57 =	vadd.s32 v2, v60;
	v60 =	vperm.xlane v56, v17;
	s7 =	simm.s32 $0xE00  }
0x33c: {  	[tilespmem:s7], [sflag:$0x1] =	stream.indirect_vreg.gather [hbm4b:s17+s4], $0x80, v58, vm0, $0xb8;
	[tilespmem:$0x19300] =	vst v63  }
0x33d: {  	v58 =	vadd.s32 v2, v60;
	v60 =	vperm.xlane v56, v24;
	s7 =	simm.s32 $0xE80  }
0x33e: {  	[tilespmem:s7], [sflag:$0x1] =	stream.indirect_vreg.gather [hbm4b:s17+s4], $0x80, v59, vm0, $0xb8;
	[tilespmem:$0x19300] =	vst v63  }
0x33f: {  	v59 =	vadd.s32 v2, v60;
	v60 =	vperm.xlane v56, v25;
	s7 =	simm.s32 $0xF00  }
0x340: {  	[tilespmem:s7], [sflag:$0x1] =	stream.indirect_vreg.gather [hbm4b:s17+s4], $0x80, v57, vm0, $0xb8;
	[tilespmem:$0x19300] =	vst v63  }
0x341: {  	v57 =	vadd.s32 v2, v60;
	v60 =	vperm.xlane v56, v26;
	s7 =	simm.s32 $0xF80  }
0x342: {  	[tilespmem:s7], [sflag:$0x1] =	stream.indirect_vreg.gather [hbm4b:s17+s4], $0x80, v58, vm0, $0xb8;
	[tilespmem:$0x19300] =	vst v63  }
0x343: {  	v58 =	vadd.s32 v2, v60;
	v60 =	vperm.xlane v56, v27;
	s7 =	simm.s32 $0x1000  }
0x344: {  	[tilespmem:s7], [sflag:$0x1] =	stream.indirect_vreg.gather [hbm4b:s17+s4], $0x80, v59, vm0, $0xb8;
	[tilespmem:$0x19300] =	vst v63  }
0x345: {  	v56 =	vperm.xlane v56, v28;
	v62 =	vadd.s32 v2, v60;
	s7 =	simm.s32 $0x1080  }
0x346: {  	[tilespmem:s7], [sflag:$0x1] =	stream.indirect_vreg.gather [hbm4b:s17+s4], $0x80, v57, vm0, $0xb8;
	[tilespmem:$0x19300] =	vst v63  }
0x347: {  	v56 =	vadd.s32 v2, v56;
	s7 =	simm.s32 $0x1100  }
0x348: {  	[tilespmem:s7], [sflag:$0x1] =	stream.indirect_vreg.gather [hbm4b:s17+s4], $0x80, v58, vm0, $0xb8;
	[tilespmem:$0x19300] =	vst v63  }
0x349: {  	s7 =	simm.s32 $0x1180  }
0x34a: {  	[tilespmem:s7], [sflag:$0x1] =	stream.indirect_vreg.gather [hbm4b:s17+s4], $0x80, v62, vm0, $0xb8;
	[tilespmem:$0x19300] =	vst v63  }
0x34b: {  	(v2sf) =	vpush v55, $0x2;
	s7 =	simm.s32 $0x1200  }
0x34c: {  	[tilespmem:s7], [sflag:$0x1] =	stream.indirect_vreg.gather [hbm4b:s17+s4], $0x80, v56, vm0, $0xb8;
	[tilespmem:$0x19300] =	vst v63  }
0x34d: {  	v56 =	vld [tilespmem:$0x200];
	_ =	sdelay $0x4  }
0x34e: {  	v63 =	vshrl.u32 v56, $0x3  }
0x34f: {  	v57 =	vmul.u32 $0xF428, v63  }
0x350: {  	v56 =	vand.u32 $0x7, v56  }
0x351: {  	v56 =	vor.u32 v56, v57  }
0x352: {  	v57 =	vperm.xlane v56, v1;
	_ =	sdelay $0x1  }
0x353: {  	v60 =	vperm.xlane v56, v3;
	v57 =	vadd.s32 v2, v57;
	_ =	sdelay $0x1  }
0x354: {  	s7 =	spop (v2sf);
	v61 =	vperm.xlane v56, v4;
	v58 =	vadd.s32 v2, v60  }
0x355: {  	s17 =	sand.u32 $0xFFFFF80, s7  }
0x356: {  	s7 =	simm.s32 $0x1280;
	s17 =	sadd.s32 s1, s17;
	v59 =	vadd.s32 v2, v61;
	v60 =	vperm.xlane v56, v5  }
0x357: {  	[tilespmem:s7], [sflag:$0x1] =	stream.indirect_vreg.gather [hbm4b:s17+s4], $0x80, v57, vm0, $0xb8;
	[tilespmem:$0x19300] =	vst v63  }
0x358: {  	v57 =	vadd.s32 v2, v60;
	v60 =	vperm.xlane v56, v6;
	s7 =	simm.s32 $0x1300  }
0x359: {  	[tilespmem:s7], [sflag:$0x1] =	stream.indirect_vreg.gather [hbm4b:s17+s4], $0x80, v58, vm0, $0xb8;
	[tilespmem:$0x19300] =	vst v63  }
0x35a: {  	v58 =	vadd.s32 v2, v60;
	v60 =	vperm.xlane v56, v12;
	s7 =	simm.s32 $0x1380  }
0x35b: {  	[tilespmem:s7], [sflag:$0x1] =	stream.indirect_vreg.gather [hbm4b:s17+s4], $0x80, v59, vm0, $0xb8;
	[tilespmem:$0x19300] =	vst v63  }
0x35c: {  	v59 =	vadd.s32 v2, v60;
	v60 =	vperm.xlane v56, v13;
	s7 =	simm.s32 $0x1400  }
0x35d: {  	[tilespmem:s7], [sflag:$0x1] =	stream.indirect_vreg.gather [hbm4b:s17+s4], $0x80, v57, vm0, $0xb8;
	[tilespmem:$0x19300] =	vst v63  }
0x35e: {  	v57 =	vadd.s32 v2, v60;
	v60 =	vperm.xlane v56, v14;
	s7 =	simm.s32 $0x1480  }
0x35f: {  	[tilespmem:s7], [sflag:$0x1] =	stream.indirect_vreg.gather [hbm4b:s17+s4], $0x80, v58, vm0, $0xb8;
	[tilespmem:$0x19300] =	vst v63  }
0x360: {  	v58 =	vadd.s32 v2, v60;
	v60 =	vperm.xlane v56, v15;
	s7 =	simm.s32 $0x1500  }
0x361: {  	[tilespmem:s7], [sflag:$0x1] =	stream.indirect_vreg.gather [hbm4b:s17+s4], $0x80, v59, vm0, $0xb8;
	[tilespmem:$0x19300] =	vst v63  }
0x362: {  	v59 =	vadd.s32 v2, v60;
	v60 =	vperm.xlane v56, v16;
	s7 =	simm.s32 $0x1580  }
0x363: {  	[tilespmem:s7], [sflag:$0x1] =	stream.indirect_vreg.gather [hbm4b:s17+s4], $0x80, v57, vm0, $0xb8;
	[tilespmem:$0x19300] =	vst v63  }
0x364: {  	v57 =	vadd.s32 v2, v60;
	v60 =	vperm.xlane v56, v17;
	s7 =	simm.s32 $0x1600  }
0x365: {  	[tilespmem:s7], [sflag:$0x1] =	stream.indirect_vreg.gather [hbm4b:s17+s4], $0x80, v58, vm0, $0xb8;
	[tilespmem:$0x19300] =	vst v63  }
0x366: {  	v58 =	vadd.s32 v2, v60;
	v60 =	vperm.xlane v56, v24;
	s7 =	simm.s32 $0x1680  }
0x367: {  	[tilespmem:s7], [sflag:$0x1] =	stream.indirect_vreg.gather [hbm4b:s17+s4], $0x80, v59, vm0, $0xb8;
	[tilespmem:$0x19300] =	vst v63  }
0x368: {  	v59 =	vadd.s32 v2, v60;
	v60 =	vperm.xlane v56, v25;
	s7 =	simm.s32 $0x1700  }
0x369: {  	[tilespmem:s7], [sflag:$0x1] =	stream.indirect_vreg.gather [hbm4b:s17+s4], $0x80, v57, vm0, $0xb8;
	[tilespmem:$0x19300] =	vst v63  }
0x36a: {  	v57 =	vadd.s32 v2, v60;
	v60 =	vperm.xlane v56, v26;
	s7 =	simm.s32 $0x1780  }
0x36b: {  	[tilespmem:s7], [sflag:$0x1] =	stream.indirect_vreg.gather [hbm4b:s17+s4], $0x80, v58, vm0, $0xb8;
	[tilespmem:$0x19300] =	vst v63  }
0x36c: {  	v58 =	vadd.s32 v2, v60;
	v60 =	vperm.xlane v56, v27;
	s7 =	simm.s32 $0x1800  }
0x36d: {  	[tilespmem:s7], [sflag:$0x1] =	stream.indirect_vreg.gather [hbm4b:s17+s4], $0x80, v59, vm0, $0xb8;
	[tilespmem:$0x19300] =	vst v63  }
0x36e: {  	v56 =	vperm.xlane v56, v28;
	v62 =	vadd.s32 v2, v60;
	s7 =	simm.s32 $0x1880  }
0x36f: {  	[tilespmem:s7], [sflag:$0x1] =	stream.indirect_vreg.gather [hbm4b:s17+s4], $0x80, v57, vm0, $0xb8;
	[tilespmem:$0x19300] =	vst v63  }
0x370: {  	v56 =	vadd.s32 v2, v56;
	s7 =	simm.s32 $0x1900  }
0x371: {  	[tilespmem:s7], [sflag:$0x1] =	stream.indirect_vreg.gather [hbm4b:s17+s4], $0x80, v58, vm0, $0xb8;
	[tilespmem:$0x19300] =	vst v63  }
0x372: {  	s7 =	simm.s32 $0x1980  }
0x373: {  	[tilespmem:s7], [sflag:$0x1] =	stream.indirect_vreg.gather [hbm4b:s17+s4], $0x80, v62, vm0, $0xb8;
	[tilespmem:$0x19300] =	vst v63  }
0x374: {  	(v2sf) =	vpush v55, $0x3;
	s7 =	simm.s32 $0x1A00  }
0x375: {  	[tilespmem:s7], [sflag:$0x1] =	stream.indirect_vreg.gather [hbm4b:s17+s4], $0x80, v56, vm0, $0xb8;
	[tilespmem:$0x19300] =	vst v63  }
0x376: {  	v63 =	vld [tilespmem:$0x200];
	_ =	sdelay $0x4  }
0x377: {  	v60 =	vshrl.u32 v63, $0x3  }
0x378: {  	v56 =	vmul.u32 $0xF428, v60  }
0x379: {  	v55 =	vand.u32 $0x7, v63  }
0x37a: {  	v55 =	vor.u32 v55, v56  }
0x37b: {  	v56 =	vperm.xlane v55, v1;
	_ =	sdelay $0x1  }
0x37c: {  	v61 =	vperm.xlane v55, v3;
	v56 =	vadd.s32 v2, v56;
	_ =	sdelay $0x1  }
0x37d: {  	s7 =	spop (v2sf);
	v62 =	vperm.xlane v55, v4;
	v57 =	vadd.s32 v2, v61  }
0x37e: {  	s17 =	sand.u32 $0xFFFFF80, s7  }
0x37f: {  	s7 =	simm.s32 $0x1A80;
	s17 =	sadd.s32 s1, s17;
	v63 =	vperm.xlane v55, v5;
	v58 =	vadd.s32 v2, v62  }
0x380: {  	[tilespmem:s7], [sflag:$0x1] =	stream.indirect_vreg.gather [hbm4b:s17+s4], $0x80, v56, vm0, $0xb8;
	[tilespmem:$0x19300] =	vst v63  }
0x381: {  	v60 =	vperm.xlane v55, v6;
	v56 =	vadd.s32 v2, v63;
	s7 =	simm.s32 $0x1B00  }
0x382: {  	[tilespmem:s7], [sflag:$0x1] =	stream.indirect_vreg.gather [hbm4b:s17+s4], $0x80, v57, vm0, $0xb8;
	[tilespmem:$0x19300] =	vst v63  }
0x383: {  	v61 =	vadd.s32 v2, v60;
	v62 =	vperm.xlane v55, v12;
	s7 =	simm.s32 $0x1B80  }
0x384: {  	[tilespmem:s7], [sflag:$0x1] =	stream.indirect_vreg.gather [hbm4b:s17+s4], $0x80, v58, vm0, $0xb8;
	[tilespmem:$0x19300] =	vst v63  }
0x385: {  	v63 =	vperm.xlane v55, v13;
	v58 =	vadd.s32 v2, v62;
	s7 =	simm.s32 $0x1C00  }
0x386: {  	[tilespmem:s7], [sflag:$0x1] =	stream.indirect_vreg.gather [hbm4b:s17+s4], $0x80, v56, vm0, $0xb8;
	[tilespmem:$0x19300] =	vst v63  }
0x387: {  	v60 =	vperm.xlane v55, v14;
	v56 =	vadd.s32 v2, v63;
	s7 =	simm.s32 $0x1C80  }
0x388: {  	[tilespmem:s7], [sflag:$0x1] =	stream.indirect_vreg.gather [hbm4b:s17+s4], $0x80, v61, vm0, $0xb8;
	[tilespmem:$0x19300] =	vst v63  }
0x389: {  	v62 =	vperm.xlane v55, v15;
	v61 =	vadd.s32 v2, v60;
	s7 =	simm.s32 $0x1D00  }
0x38a: {  	[tilespmem:s7], [sflag:$0x1] =	stream.indirect_vreg.gather [hbm4b:s17+s4], $0x80, v58, vm0, $0xb8;
	[tilespmem:$0x19300] =	vst v63  }
0x38b: {  	v63 =	vperm.xlane v55, v16;
	v58 =	vadd.s32 v2, v62;
	s7 =	simm.s32 $0x1D80  }
0x38c: {  	[tilespmem:s7], [sflag:$0x1] =	stream.indirect_vreg.gather [hbm4b:s17+s4], $0x80, v56, vm0, $0xb8;
	[tilespmem:$0x19300] =	vst v63  }
0x38d: {  	v60 =	vperm.xlane v55, v17;
	v56 =	vadd.s32 v2, v63;
	s7 =	simm.s32 $0x1E00  }
0x38e: {  	[tilespmem:s7], [sflag:$0x1] =	stream.indirect_vreg.gather [hbm4b:s17+s4], $0x80, v61, vm0, $0xb8;
	[tilespmem:$0x19300] =	vst v63  }
0x38f: {  	v62 =	vperm.xlane v55, v24;
	v61 =	vadd.s32 v2, v60;
	s7 =	simm.s32 $0x1E80  }
0x390: {  	[tilespmem:s7], [sflag:$0x1] =	stream.indirect_vreg.gather [hbm4b:s17+s4], $0x80, v58, vm0, $0xb8;
	[tilespmem:$0x19300] =	vst v63  }
0x391: {  	v63 =	vperm.xlane v55, v25;
	v58 =	vadd.s32 v2, v62;
	s7 =	simm.s32 $0x1F00  }
0x392: {  	[tilespmem:s7], [sflag:$0x1] =	stream.indirect_vreg.gather [hbm4b:s17+s4], $0x80, v56, vm0, $0xb8;
	[tilespmem:$0x19300] =	vst v63  }
0x393: {  	v60 =	vperm.xlane v55, v26;
	v56 =	vadd.s32 v2, v63;
	s7 =	simm.s32 $0x1F80  }
0x394: {  	[tilespmem:s7], [sflag:$0x1] =	stream.indirect_vreg.gather [hbm4b:s17+s4], $0x80, v61, vm0, $0xb8;
	[tilespmem:$0x19300] =	vst v63  }
0x395: {  	v62 =	vperm.xlane v55, v27;
	v61 =	vadd.s32 v2, v60;
	s7 =	simm.s32 $0x2000  }
0x396: {  	[tilespmem:s7], [sflag:$0x1] =	stream.indirect_vreg.gather [hbm4b:s17+s4], $0x80, v58, vm0, $0xb8;
	[tilespmem:$0x19300] =	vst v63  }
0x397: {  	v55 =	vperm.xlane v55, v28;
	v63 =	vadd.s32 v2, v62;
	s7 =	simm.s32 $0x2080  }
0x398: {  	[tilespmem:s7], [sflag:$0x1] =	stream.indirect_vreg.gather [hbm4b:s17+s4], $0x80, v56, vm0, $0xb8;
	[tilespmem:$0x19300] =	vst v63  }
0x399: {  	v55 =	vadd.s32 v2, v55;
	s7 =	simm.s32 $0x2100  }
0x39a: {  	[tilespmem:s7], [sflag:$0x1] =	stream.indirect_vreg.gather [hbm4b:s17+s4], $0x80, v61, vm0, $0xb8;
	[tilespmem:$0x19300] =	vst v63  }
0x39b: {  	s7 =	simm.s32 $0x2180  }
0x39c: {  	[tilespmem:s7], [sflag:$0x1] =	stream.indirect_vreg.gather [hbm4b:s17+s4], $0x80, v63, vm0, $0xb8;
	[tilespmem:$0x19300] =	vst v63  }
0x39d: {  	s7 =	simm.s32 $0x2200  }
0x39e: {  	[tilespmem:s7], [sflag:$0x1] =	stream.indirect_vreg.gather [hbm4b:s17+s4], $0x80, v55, vm0, $0xb8;
	[tilespmem:$0x19300] =	vst v63  }
.LBB2_4:
0x39f: {  	(v2sf) =	vpush v50, $0x8;
	_ =	sdelay $0xe  }
0x3a0: {  	s17 =	spop (v2sf)  }
0x3a1: {  	_ =	swait.ge [sflag:s5], $0x800  }
0x3a2: {  	(v2sf) =	vpush v50, $0x9;
	_ =	sdelay $0x3  }
0x3a3: {  	s17 =	sand.u32 $0x7F, s17  }
0x3a4: {  	v55 =	vor.u32 s17, v42;
	_ =	sdelay $0x2  }
0x3a5: {  	[sflag:s5] =	ssyncset.done $0x0  }
0x3a6: {  	[sflag:s5] =	ssyncadd.s32 $0xFFFFF800  }
0x3a7: {  	v55 =	vld.idx.msk [tilespmem:v55+s11+$0x0], $0xffff;
	_ =	sdelay $0x4  }
0x3a8: {  	[tilespmem:s20+$0x0] =	vst v55;
	s7 =	spop (v2sf)  }
0x3a9: {  	_ =	swait.ge [sflag:s5], $0x800  }
0x3aa: {  	(v2sf) =	vpush v50, $0xA;
	_ =	sdelay $0x3  }
0x3ab: {  	s17 =	sand.u32 $0x7F, s7  }
0x3ac: {  	v56 =	vor.u32 s17, v43;
	_ =	sdelay $0x2  }
0x3ad: {  	[sflag:s5] =	ssyncset.done $0x0  }
0x3ae: {  	[sflag:s5] =	ssyncadd.s32 $0xFFFFF800  }
0x3af: {  	v56 =	vld.idx.msk [tilespmem:v56+s11+$0x0], $0xffff;
	_ =	sdelay $0x4  }
0x3b0: {  	[tilespmem:s20+$0x80] =	vst v56;
	s7 =	spop (v2sf)  }
0x3b1: {  	_ =	swait.ge [sflag:s5], $0x800  }
0x3b2: {  	(v2sf) =	vpush v50, $0xB;
	_ =	sdelay $0x6  }
0x3b3: {  	v63 =	vor.u32 $0x5000, v29;
	s17 =	sand.u32 $0x7F, s7  }
0x3b4: {  	v50 =	vor.u32 s17, v63;
	_ =	sdelay $0x2  }
0x3b5: {  	[sflag:s5] =	ssyncset.done $0x0  }
0x3b6: {  	[sflag:s5] =	ssyncadd.s32 $0xFFFFF800  }
0x3b7: {  	v50 =	vld.idx.msk [tilespmem:v50+s11+$0x0], $0xffff;
	_ =	sdelay $0x1  }
0x3b8: {  	s7 =	spop (v2sf)  }
0x3b9: {  	v57 =	vor.u32 $0x5800, v29;
	s17 =	sand.u32 $0x7F, s7  }
0x3ba: {  	v57 =	vor.u32 s17, v57  }
0x3bb: {  	[tilespmem:s20+$0x100] =	vst v50  }
0x3bc: {  	_ =	swait.ge [sflag:s5], $0x800  }
0x3bd: {  	[sflag:s5] =	ssyncset.done $0x0  }
0x3be: {  	[sflag:s5] =	ssyncadd.s32 $0xFFFFF800  }
0x3bf: {  	v57 =	vld.idx.msk [tilespmem:v57+s11+$0x0], $0xffff  }
.Ltmp1:
0x3c0: {  	_ = 	snop;
	(pc) =	sbr.rel @p0 .LBB2_6-.Ltmp1, $2  }
0x3c1: {  	_ =	sdelay $0x2  }
0x3c2: {  	[tilespmem:s20+$0x180] =	vst v57  }
0x3c3: {  	v58 =	vld [tilespmem:s21+$0x10];
	_ =	sdelay $0x4  }
0x3c4: {  	(v2sf) =	vpush v58, $0x4;
	_ =	sdelay $0x1  }
0x3c5: {  	v59 =	vld [tilespmem:$0x200];
	_ =	sdelay $0x4  }
0x3c6: {  	v60 =	vshrl.u32 v59, $0x3  }
0x3c7: {  	v60 =	vmul.u32 $0xF428, v60  }
0x3c8: {  	v59 =	vand.u32 $0x7, v59  }
0x3c9: {  	v59 =	vor.u32 v59, v60  }
0x3ca: {  	v60 =	vperm.xlane v59, v1;
	_ =	sdelay $0x1  }
0x3cb: {  	v61 =	vperm.xlane v59, v3;
	v60 =	vadd.s32 v2, v60;
	_ =	sdelay $0x1  }
0x3cc: {  	v62 =	vperm.xlane v59, v4;
	v61 =	vadd.s32 v2, v61;
	s17 =	spop (v2sf)  }
0x3cd: {  	s17 =	sand.u32 $0xFFFFF80, s17  }
0x3ce: {  	s7 =	simm.s32 $0x2280;
	v63 =	vperm.xlane v59, v5;
	v62 =	vadd.s32 v2, v62;
	s17 =	sadd.s32 s1, s17  }
0x3cf: {  	[tilespmem:s7], [sflag:$0x2] =	stream.indirect_vreg.gather [hbm4b:s17+s4], $0x80, v60, vm0, $0xb8;
	[tilespmem:$0x19300] =	vst v63  }
0x3d0: {  	v60 =	vadd.s32 v2, v63;
	v63 =	vperm.xlane v59, v6;
	s7 =	simm.s32 $0x2300  }
0x3d1: {  	[tilespmem:s7], [sflag:$0x2] =	stream.indirect_vreg.gather [hbm4b:s17+s4], $0x80, v61, vm0, $0xb8;
	[tilespmem:$0x19300] =	vst v63  }
0x3d2: {  	v61 =	vadd.s32 v2, v63;
	v63 =	vperm.xlane v59, v12;
	s7 =	simm.s32 $0x2380  }
0x3d3: {  	[tilespmem:s7], [sflag:$0x2] =	stream.indirect_vreg.gather [hbm4b:s17+s4], $0x80, v62, vm0, $0xb8;
	[tilespmem:$0x19300] =	vst v63  }
0x3d4: {  	v62 =	vadd.s32 v2, v63;
	v63 =	vperm.xlane v59, v13;
	s7 =	simm.s32 $0x2400  }
0x3d5: {  	[tilespmem:s7], [sflag:$0x2] =	stream.indirect_vreg.gather [hbm4b:s17+s4], $0x80, v60, vm0, $0xb8;
	[tilespmem:$0x19300] =	vst v63  }
0x3d6: {  	v60 =	vadd.s32 v2, v63;
	v63 =	vperm.xlane v59, v14;
	s7 =	simm.s32 $0x2480  }
0x3d7: {  	[tilespmem:s7], [sflag:$0x2] =	stream.indirect_vreg.gather [hbm4b:s17+s4], $0x80, v61, vm0, $0xb8;
	[tilespmem:$0x19300] =	vst v63  }
0x3d8: {  	v61 =	vadd.s32 v2, v63;
	v63 =	vperm.xlane v59, v15;
	s7 =	simm.s32 $0x2500  }
0x3d9: {  	[tilespmem:s7], [sflag:$0x2] =	stream.indirect_vreg.gather [hbm4b:s17+s4], $0x80, v62, vm0, $0xb8;
	[tilespmem:$0x19300] =	vst v63  }
0x3da: {  	v62 =	vadd.s32 v2, v63;
	v63 =	vperm.xlane v59, v16;
	s7 =	simm.s32 $0x2580  }
0x3db: {  	[tilespmem:s7], [sflag:$0x2] =	stream.indirect_vreg.gather [hbm4b:s17+s4], $0x80, v60, vm0, $0xb8;
	[tilespmem:$0x19300] =	vst v63  }
0x3dc: {  	v60 =	vadd.s32 v2, v63;
	v63 =	vperm.xlane v59, v17;
	s7 =	simm.s32 $0x2600  }
0x3dd: {  	[tilespmem:s7], [sflag:$0x2] =	stream.indirect_vreg.gather [hbm4b:s17+s4], $0x80, v61, vm0, $0xb8;
	[tilespmem:$0x19300] =	vst v63  }
0x3de: {  	v61 =	vadd.s32 v2, v63;
	v63 =	vperm.xlane v59, v24;
	s7 =	simm.s32 $0x2680  }
0x3df: {  	[tilespmem:s7], [sflag:$0x2] =	stream.indirect_vreg.gather [hbm4b:s17+s4], $0x80, v62, vm0, $0xb8;
	[tilespmem:$0x19300] =	vst v63  }
0x3e0: {  	v62 =	vadd.s32 v2, v63;
	v63 =	vperm.xlane v59, v25;
	s7 =	simm.s32 $0x2700  }
0x3e1: {  	[tilespmem:s7], [sflag:$0x2] =	stream.indirect_vreg.gather [hbm4b:s17+s4], $0x80, v60, vm0, $0xb8;
	[tilespmem:$0x19300] =	vst v63  }
0x3e2: {  	v60 =	vadd.s32 v2, v63;
	v63 =	vperm.xlane v59, v26;
	s7 =	simm.s32 $0x2780  }
0x3e3: {  	[tilespmem:s7], [sflag:$0x2] =	stream.indirect_vreg.gather [hbm4b:s17+s4], $0x80, v61, vm0, $0xb8;
	[tilespmem:$0x19300] =	vst v63  }
0x3e4: {  	v61 =	vadd.s32 v2, v63;
	v63 =	vperm.xlane v59, v27;
	s7 =	simm.s32 $0x2800  }
0x3e5: {  	[tilespmem:s7], [sflag:$0x2] =	stream.indirect_vreg.gather [hbm4b:s17+s4], $0x80, v62, vm0, $0xb8;
	[tilespmem:$0x19300] =	vst v63  }
0x3e6: {  	v59 =	vperm.xlane v59, v28;
	v62 =	vadd.s32 v2, v63;
	s7 =	simm.s32 $0x2880  }
0x3e7: {  	[tilespmem:s7], [sflag:$0x2] =	stream.indirect_vreg.gather [hbm4b:s17+s4], $0x80, v60, vm0, $0xb8;
	[tilespmem:$0x19300] =	vst v63  }
0x3e8: {  	v59 =	vadd.s32 v2, v59;
	s7 =	simm.s32 $0x2900  }
0x3e9: {  	[tilespmem:s7], [sflag:$0x2] =	stream.indirect_vreg.gather [hbm4b:s17+s4], $0x80, v61, vm0, $0xb8;
	[tilespmem:$0x19300] =	vst v63  }
0x3ea: {  	s7 =	simm.s32 $0x2980  }
0x3eb: {  	[tilespmem:s7], [sflag:$0x2] =	stream.indirect_vreg.gather [hbm4b:s17+s4], $0x80, v62, vm0, $0xb8;
	[tilespmem:$0x19300] =	vst v63  }
0x3ec: {  	(v2sf) =	vpush v58, $0x5;
	s7 =	simm.s32 $0x2A00  }
0x3ed: {  	[tilespmem:s7], [sflag:$0x2] =	stream.indirect_vreg.gather [hbm4b:s17+s4], $0x80, v59, vm0, $0xb8;
	[tilespmem:$0x19300] =	vst v63  }
0x3ee: {  	v59 =	vld [tilespmem:$0x200];
	_ =	sdelay $0x4  }
0x3ef: {  	v60 =	vshrl.u32 v59, $0x3  }
0x3f0: {  	v60 =	vmul.u32 $0xF428, v60  }
0x3f1: {  	v59 =	vand.u32 $0x7, v59  }
0x3f2: {  	v59 =	vor.u32 v59, v60  }
0x3f3: {  	v60 =	vperm.xlane v59, v1;
	_ =	sdelay $0x1  }
0x3f4: {  	v61 =	vperm.xlane v59, v3;
	v60 =	vadd.s32 v2, v60;
	_ =	sdelay $0x1  }
0x3f5: {  	s7 =	spop (v2sf);
	v62 =	vperm.xlane v59, v4;
	v61 =	vadd.s32 v2, v61  }
0x3f6: {  	s17 =	sand.u32 $0xFFFFF80, s7  }
0x3f7: {  	s7 =	simm.s32 $0x2A80;
	s17 =	sadd.s32 s1, s17;
	v63 =	vperm.xlane v59, v5;
	v62 =	vadd.s32 v2, v62  }
0x3f8: {  	[tilespmem:s7], [sflag:$0x2] =	stream.indirect_vreg.gather [hbm4b:s17+s4], $0x80, v60, vm0, $0xb8;
	[tilespmem:$0x19300] =	vst v63  }
0x3f9: {  	v60 =	vadd.s32 v2, v63;
	v63 =	vperm.xlane v59, v6;
	s7 =	simm.s32 $0x2B00  }
0x3fa: {  	[tilespmem:s7], [sflag:$0x2] =	stream.indirect_vreg.gather [hbm4b:s17+s4], $0x80, v61, vm0, $0xb8;
	[tilespmem:$0x19300] =	vst v63  }
0x3fb: {  	v61 =	vadd.s32 v2, v63;
	v63 =	vperm.xlane v59, v12;
	s7 =	simm.s32 $0x2B80  }
0x3fc: {  	[tilespmem:s7], [sflag:$0x2] =	stream.indirect_vreg.gather [hbm4b:s17+s4], $0x80, v62, vm0, $0xb8;
	[tilespmem:$0x19300] =	vst v63  }
0x3fd: {  	v62 =	vadd.s32 v2, v63;
	v63 =	vperm.xlane v59, v13;
	s7 =	simm.s32 $0x2C00  }
0x3fe: {  	[tilespmem:s7], [sflag:$0x2] =	stream.indirect_vreg.gather [hbm4b:s17+s4], $0x80, v60, vm0, $0xb8;
	[tilespmem:$0x19300] =	vst v63  }
0x3ff: {  	v60 =	vadd.s32 v2, v63;
	v63 =	vperm.xlane v59, v14;
	s7 =	simm.s32 $0x2C80  }
0x400: {  	[tilespmem:s7], [sflag:$0x2] =	stream.indirect_vreg.gather [hbm4b:s17+s4], $0x80, v61, vm0, $0xb8;
	[tilespmem:$0x19300] =	vst v63  }
0x401: {  	v61 =	vadd.s32 v2, v63;
	v63 =	vperm.xlane v59, v15;
	s7 =	simm.s32 $0x2D00  }
0x402: {  	[tilespmem:s7], [sflag:$0x2] =	stream.indirect_vreg.gather [hbm4b:s17+s4], $0x80, v62, vm0, $0xb8;
	[tilespmem:$0x19300] =	vst v63  }
0x403: {  	v62 =	vadd.s32 v2, v63;
	v63 =	vperm.xlane v59, v16;
	s7 =	simm.s32 $0x2D80  }
0x404: {  	[tilespmem:s7], [sflag:$0x2] =	stream.indirect_vreg.gather [hbm4b:s17+s4], $0x80, v60, vm0, $0xb8;
	[tilespmem:$0x19300] =	vst v63  }
0x405: {  	v60 =	vadd.s32 v2, v63;
	v63 =	vperm.xlane v59, v17;
	s7 =	simm.s32 $0x2E00  }
0x406: {  	[tilespmem:s7], [sflag:$0x2] =	stream.indirect_vreg.gather [hbm4b:s17+s4], $0x80, v61, vm0, $0xb8;
	[tilespmem:$0x19300] =	vst v63  }
0x407: {  	v61 =	vadd.s32 v2, v63;
	v63 =	vperm.xlane v59, v24;
	s7 =	simm.s32 $0x2E80  }
0x408: {  	[tilespmem:s7], [sflag:$0x2] =	stream.indirect_vreg.gather [hbm4b:s17+s4], $0x80, v62, vm0, $0xb8;
	[tilespmem:$0x19300] =	vst v63  }
0x409: {  	v62 =	vadd.s32 v2, v63;
	v63 =	vperm.xlane v59, v25;
	s7 =	simm.s32 $0x2F00  }
0x40a: {  	[tilespmem:s7], [sflag:$0x2] =	stream.indirect_vreg.gather [hbm4b:s17+s4], $0x80, v60, vm0, $0xb8;
	[tilespmem:$0x19300] =	vst v63  }
0x40b: {  	v60 =	vadd.s32 v2, v63;
	v63 =	vperm.xlane v59, v26;
	s7 =	simm.s32 $0x2F80  }
0x40c: {  	[tilespmem:s7], [sflag:$0x2] =	stream.indirect_vreg.gather [hbm4b:s17+s4], $0x80, v61, vm0, $0xb8;
	[tilespmem:$0x19300] =	vst v63  }
0x40d: {  	v61 =	vadd.s32 v2, v63;
	v63 =	vperm.xlane v59, v27;
	s7 =	simm.s32 $0x3000  }
0x40e: {  	[tilespmem:s7], [sflag:$0x2] =	stream.indirect_vreg.gather [hbm4b:s17+s4], $0x80, v62, vm0, $0xb8;
	[tilespmem:$0x19300] =	vst v63  }
0x40f: {  	v59 =	vperm.xlane v59, v28;
	v62 =	vadd.s32 v2, v63;
	s7 =	simm.s32 $0x3080  }
0x410: {  	[tilespmem:s7], [sflag:$0x2] =	stream.indirect_vreg.gather [hbm4b:s17+s4], $0x80, v60, vm0, $0xb8;
	[tilespmem:$0x19300] =	vst v63  }
0x411: {  	v59 =	vadd.s32 v2, v59;
	s7 =	simm.s32 $0x3100  }
0x412: {  	[tilespmem:s7], [sflag:$0x2] =	stream.indirect_vreg.gather [hbm4b:s17+s4], $0x80, v61, vm0, $0xb8;
	[tilespmem:$0x19300] =	vst v63  }
0x413: {  	s7 =	simm.s32 $0x3180  }
0x414: {  	[tilespmem:s7], [sflag:$0x2] =	stream.indirect_vreg.gather [hbm4b:s17+s4], $0x80, v62, vm0, $0xb8;
	[tilespmem:$0x19300] =	vst v63  }
0x415: {  	(v2sf) =	vpush v58, $0x6;
	s7 =	simm.s32 $0x3200  }
0x416: {  	[tilespmem:s7], [sflag:$0x2] =	stream.indirect_vreg.gather [hbm4b:s17+s4], $0x80, v59, vm0, $0xb8;
	[tilespmem:$0x19300] =	vst v63  }
0x417: {  	v59 =	vld [tilespmem:$0x200];
	_ =	sdelay $0x4  }
0x418: {  	v60 =	vshrl.u32 v59, $0x3  }
0x419: {  	v60 =	vmul.u32 $0xF428, v60  }
0x41a: {  	v59 =	vand.u32 $0x7, v59  }
0x41b: {  	v59 =	vor.u32 v59, v60  }
0x41c: {  	v60 =	vperm.xlane v59, v1;
	_ =	sdelay $0x1  }
0x41d: {  	v61 =	vperm.xlane v59, v3;
	v60 =	vadd.s32 v2, v60;
	_ =	sdelay $0x1  }
0x41e: {  	s7 =	spop (v2sf);
	v62 =	vperm.xlane v59, v4;
	v61 =	vadd.s32 v2, v61  }
0x41f: {  	s17 =	sand.u32 $0xFFFFF80, s7  }
0x420: {  	s7 =	simm.s32 $0x3280;
	s17 =	sadd.s32 s1, s17;
	v63 =	vperm.xlane v59, v5;
	v62 =	vadd.s32 v2, v62  }
0x421: {  	[tilespmem:s7], [sflag:$0x2] =	stream.indirect_vreg.gather [hbm4b:s17+s4], $0x80, v60, vm0, $0xb8;
	[tilespmem:$0x19300] =	vst v63  }
0x422: {  	v60 =	vadd.s32 v2, v63;
	v63 =	vperm.xlane v59, v6;
	s7 =	simm.s32 $0x3300  }
0x423: {  	[tilespmem:s7], [sflag:$0x2] =	stream.indirect_vreg.gather [hbm4b:s17+s4], $0x80, v61, vm0, $0xb8;
	[tilespmem:$0x19300] =	vst v63  }
0x424: {  	v61 =	vadd.s32 v2, v63;
	v63 =	vperm.xlane v59, v12;
	s7 =	simm.s32 $0x3380  }
0x425: {  	[tilespmem:s7], [sflag:$0x2] =	stream.indirect_vreg.gather [hbm4b:s17+s4], $0x80, v62, vm0, $0xb8;
	[tilespmem:$0x19300] =	vst v63  }
0x426: {  	v62 =	vadd.s32 v2, v63;
	v63 =	vperm.xlane v59, v13;
	s7 =	simm.s32 $0x3400  }
0x427: {  	[tilespmem:s7], [sflag:$0x2] =	stream.indirect_vreg.gather [hbm4b:s17+s4], $0x80, v60, vm0, $0xb8;
	[tilespmem:$0x19300] =	vst v63  }
0x428: {  	v60 =	vadd.s32 v2, v63;
	v63 =	vperm.xlane v59, v14;
	s7 =	simm.s32 $0x3480  }
0x429: {  	[tilespmem:s7], [sflag:$0x2] =	stream.indirect_vreg.gather [hbm4b:s17+s4], $0x80, v61, vm0, $0xb8;
	[tilespmem:$0x19300] =	vst v63  }
0x42a: {  	v61 =	vadd.s32 v2, v63;
	v63 =	vperm.xlane v59, v15;
	s7 =	simm.s32 $0x3500  }
0x42b: {  	[tilespmem:s7], [sflag:$0x2] =	stream.indirect_vreg.gather [hbm4b:s17+s4], $0x80, v62, vm0, $0xb8;
	[tilespmem:$0x19300] =	vst v63  }
0x42c: {  	v62 =	vadd.s32 v2, v63;
	v63 =	vperm.xlane v59, v16;
	s7 =	simm.s32 $0x3580  }
0x42d: {  	[tilespmem:s7], [sflag:$0x2] =	stream.indirect_vreg.gather [hbm4b:s17+s4], $0x80, v60, vm0, $0xb8;
	[tilespmem:$0x19300] =	vst v63  }
0x42e: {  	v60 =	vadd.s32 v2, v63;
	v63 =	vperm.xlane v59, v17;
	s7 =	simm.s32 $0x3600  }
0x42f: {  	[tilespmem:s7], [sflag:$0x2] =	stream.indirect_vreg.gather [hbm4b:s17+s4], $0x80, v61, vm0, $0xb8;
	[tilespmem:$0x19300] =	vst v63  }
0x430: {  	v61 =	vadd.s32 v2, v63;
	v63 =	vperm.xlane v59, v24;
	s7 =	simm.s32 $0x3680  }
0x431: {  	[tilespmem:s7], [sflag:$0x2] =	stream.indirect_vreg.gather [hbm4b:s17+s4], $0x80, v62, vm0, $0xb8;
	[tilespmem:$0x19300] =	vst v63  }
0x432: {  	v62 =	vadd.s32 v2, v63;
	v63 =	vperm.xlane v59, v25;
	s7 =	simm.s32 $0x3700  }
0x433: {  	[tilespmem:s7], [sflag:$0x2] =	stream.indirect_vreg.gather [hbm4b:s17+s4], $0x80, v60, vm0, $0xb8;
	[tilespmem:$0x19300] =	vst v63  }
0x434: {  	v60 =	vadd.s32 v2, v63;
	v63 =	vperm.xlane v59, v26;
	s7 =	simm.s32 $0x3780  }
0x435: {  	[tilespmem:s7], [sflag:$0x2] =	stream.indirect_vreg.gather [hbm4b:s17+s4], $0x80, v61, vm0, $0xb8;
	[tilespmem:$0x19300] =	vst v63  }
0x436: {  	v61 =	vadd.s32 v2, v63;
	v63 =	vperm.xlane v59, v27;
	s7 =	simm.s32 $0x3800  }
0x437: {  	[tilespmem:s7], [sflag:$0x2] =	stream.indirect_vreg.gather [hbm4b:s17+s4], $0x80, v62, vm0, $0xb8;
	[tilespmem:$0x19300] =	vst v63  }
0x438: {  	v59 =	vperm.xlane v59, v28;
	v62 =	vadd.s32 v2, v63;
	s7 =	simm.s32 $0x3880  }
0x439: {  	[tilespmem:s7], [sflag:$0x2] =	stream.indirect_vreg.gather [hbm4b:s17+s4], $0x80, v60, vm0, $0xb8;
	[tilespmem:$0x19300] =	vst v63  }
0x43a: {  	v59 =	vadd.s32 v2, v59;
	s7 =	simm.s32 $0x3900  }
0x43b: {  	[tilespmem:s7], [sflag:$0x2] =	stream.indirect_vreg.gather [hbm4b:s17+s4], $0x80, v61, vm0, $0xb8;
	[tilespmem:$0x19300] =	vst v63  }
0x43c: {  	s7 =	simm.s32 $0x3980  }
0x43d: {  	[tilespmem:s7], [sflag:$0x2] =	stream.indirect_vreg.gather [hbm4b:s17+s4], $0x80, v62, vm0, $0xb8;
	[tilespmem:$0x19300] =	vst v63  }
0x43e: {  	(v2sf) =	vpush v58, $0x7;
	s7 =	simm.s32 $0x3A00  }
0x43f: {  	[tilespmem:s7], [sflag:$0x2] =	stream.indirect_vreg.gather [hbm4b:s17+s4], $0x80, v59, vm0, $0xb8;
	[tilespmem:$0x19300] =	vst v63  }
0x440: {  	v62 =	vld [tilespmem:$0x200];
	_ =	sdelay $0x4  }
0x441: {  	v63 =	vshrl.u32 v62, $0x3  }
0x442: {  	v59 =	vmul.u32 $0xF428, v63  }
0x443: {  	v58 =	vand.u32 $0x7, v62  }
0x444: {  	v58 =	vor.u32 v58, v59  }
0x445: {  	v59 =	vperm.xlane v58, v1;
	_ =	sdelay $0x1  }
0x446: {  	v60 =	vperm.xlane v58, v3;
	v59 =	vadd.s32 v2, v59;
	_ =	sdelay $0x1  }
0x447: {  	s7 =	spop (v2sf);
	v61 =	vperm.xlane v58, v4;
	v60 =	vadd.s32 v2, v60  }
0x448: {  	s17 =	sand.u32 $0xFFFFF80, s7  }
0x449: {  	s7 =	simm.s32 $0x3A80;
	s17 =	sadd.s32 s1, s17;
	v62 =	vperm.xlane v58, v5;
	v61 =	vadd.s32 v2, v61  }
0x44a: {  	[tilespmem:s7], [sflag:$0x2] =	stream.indirect_vreg.gather [hbm4b:s17+s4], $0x80, v59, vm0, $0xb8;
	[tilespmem:$0x19300] =	vst v63  }
0x44b: {  	v59 =	vadd.s32 v2, v62;
	v62 =	vperm.xlane v58, v6;
	s7 =	simm.s32 $0x3B00  }
0x44c: {  	[tilespmem:s7], [sflag:$0x2] =	stream.indirect_vreg.gather [hbm4b:s17+s4], $0x80, v60, vm0, $0xb8;
	[tilespmem:$0x19300] =	vst v63  }
0x44d: {  	v60 =	vadd.s32 v2, v62;
	v62 =	vperm.xlane v58, v12;
	s7 =	simm.s32 $0x3B80  }
0x44e: {  	[tilespmem:s7], [sflag:$0x2] =	stream.indirect_vreg.gather [hbm4b:s17+s4], $0x80, v61, vm0, $0xb8;
	[tilespmem:$0x19300] =	vst v63  }
0x44f: {  	v61 =	vadd.s32 v2, v62;
	v62 =	vperm.xlane v58, v13;
	s7 =	simm.s32 $0x3C00  }
0x450: {  	[tilespmem:s7], [sflag:$0x2] =	stream.indirect_vreg.gather [hbm4b:s17+s4], $0x80, v59, vm0, $0xb8;
	[tilespmem:$0x19300] =	vst v63  }
0x451: {  	v59 =	vadd.s32 v2, v62;
	v62 =	vperm.xlane v58, v14;
	s7 =	simm.s32 $0x3C80  }
0x452: {  	[tilespmem:s7], [sflag:$0x2] =	stream.indirect_vreg.gather [hbm4b:s17+s4], $0x80, v60, vm0, $0xb8;
	[tilespmem:$0x19300] =	vst v63  }
0x453: {  	v60 =	vadd.s32 v2, v62;
	v62 =	vperm.xlane v58, v15;
	s7 =	simm.s32 $0x3D00  }
0x454: {  	[tilespmem:s7], [sflag:$0x2] =	stream.indirect_vreg.gather [hbm4b:s17+s4], $0x80, v61, vm0, $0xb8;
	[tilespmem:$0x19300] =	vst v63  }
0x455: {  	v61 =	vadd.s32 v2, v62;
	v62 =	vperm.xlane v58, v16;
	s7 =	simm.s32 $0x3D80  }
0x456: {  	[tilespmem:s7], [sflag:$0x2] =	stream.indirect_vreg.gather [hbm4b:s17+s4], $0x80, v59, vm0, $0xb8;
	[tilespmem:$0x19300] =	vst v63  }
0x457: {  	v59 =	vadd.s32 v2, v62;
	v62 =	vperm.xlane v58, v17;
	s7 =	simm.s32 $0x3E00  }
0x458: {  	[tilespmem:s7], [sflag:$0x2] =	stream.indirect_vreg.gather [hbm4b:s17+s4], $0x80, v60, vm0, $0xb8;
	[tilespmem:$0x19300] =	vst v63  }
0x459: {  	v60 =	vadd.s32 v2, v62;
	v62 =	vperm.xlane v58, v24;
	s7 =	simm.s32 $0x3E80  }
0x45a: {  	[tilespmem:s7], [sflag:$0x2] =	stream.indirect_vreg.gather [hbm4b:s17+s4], $0x80, v61, vm0, $0xb8;
	[tilespmem:$0x19300] =	vst v63  }
0x45b: {  	v61 =	vadd.s32 v2, v62;
	v62 =	vperm.xlane v58, v25;
	s7 =	simm.s32 $0x3F00  }
0x45c: {  	[tilespmem:s7], [sflag:$0x2] =	stream.indirect_vreg.gather [hbm4b:s17+s4], $0x80, v59, vm0, $0xb8;
	[tilespmem:$0x19300] =	vst v63  }
0x45d: {  	v59 =	vadd.s32 v2, v62;
	v62 =	vperm.xlane v58, v26;
	s7 =	simm.s32 $0x3F80  }
0x45e: {  	[tilespmem:s7], [sflag:$0x2] =	stream.indirect_vreg.gather [hbm4b:s17+s4], $0x80, v60, vm0, $0xb8;
	[tilespmem:$0x19300] =	vst v63  }
0x45f: {  	v60 =	vadd.s32 v2, v62;
	v62 =	vperm.xlane v58, v27;
	s7 =	simm.s32 $0x4000  }
0x460: {  	[tilespmem:s7], [sflag:$0x2] =	stream.indirect_vreg.gather [hbm4b:s17+s4], $0x80, v61, vm0, $0xb8;
	[tilespmem:$0x19300] =	vst v63  }
0x461: {  	v58 =	vperm.xlane v58, v28;
	v61 =	vadd.s32 v2, v62;
	s7 =	simm.s32 $0x4080  }
0x462: {  	[tilespmem:s7], [sflag:$0x2] =	stream.indirect_vreg.gather [hbm4b:s17+s4], $0x80, v59, vm0, $0xb8;
	[tilespmem:$0x19300] =	vst v63  }
0x463: {  	v58 =	vadd.s32 v2, v58;
	s7 =	simm.s32 $0x4100  }
0x464: {  	[tilespmem:s7], [sflag:$0x2] =	stream.indirect_vreg.gather [hbm4b:s17+s4], $0x80, v60, vm0, $0xb8;
	[tilespmem:$0x19300] =	vst v63  }
0x465: {  	s7 =	simm.s32 $0x4180  }
0x466: {  	[tilespmem:s7], [sflag:$0x2] =	stream.indirect_vreg.gather [hbm4b:s17+s4], $0x80, v61, vm0, $0xb8;
	[tilespmem:$0x19300] =	vst v63  }
0x467: {  	s7 =	simm.s32 $0x4200  }
0x468: {  	[tilespmem:s7], [sflag:$0x2] =	stream.indirect_vreg.gather [hbm4b:s17+s4], $0x80, v58, vm0, $0xb8;
	[tilespmem:$0x19300] =	vst v63  }
.LBB2_6:
0x469: {  	s10 =	sand.u32 $0x7F, s10;
	v58 =	vor.u32 $0x6000, v29  }
0x46a: {  	v58 =	vor.u32 s10, v58;
	_ =	sdelay $0x1  }
0x46b: {  	_ =	swait.ge [sflag:s6], $0x800  }
0x46c: {  	[sflag:s6] =	ssyncset.done $0x0  }
0x46d: {  	[sflag:s6] =	ssyncadd.s32 $0xFFFFF800  }
0x46e: {  	v58 =	vld.idx.msk [tilespmem:v58+s11+$0x0], $0xffff;
	_ =	sdelay $0x1  }
0x46f: {  	v46 =	vmul.f32 v46, v46  }
0x470: {  	s2 =	sand.u32 $0x7F, s2;
	v59 =	vor.u32 $0x6800, v29  }
0x471: {  	v62 =	vmul.f32 v47, v47;
	v63 =	vor.u32 s2, v59;
	v45 =	vadd.f32 v46, v45  }
0x472: {  	[tilespmem:s20+$0x200] =	vst v58  }
0x473: {  	v59 =	vmul.f32 v48, v48;
	v45 =	vadd.f32 v62, v45;
	_ =	swait.ge [sflag:s6], $0x800  }
0x474: {  	[sflag:s6] =	ssyncset.done $0x0  }
0x475: {  	v60 =	vmul.f32 v49, v49;
	v45 =	vadd.f32 v59, v45;
	[sflag:s6] =	ssyncadd.s32 $0xFFFFF800  }
0x476: {  	v47 =	vld.idx.msk [tilespmem:v63+s11+$0x0], $0xffff  }
0x477: {  	v61 =	vmul.f32 v51, v51;
	v45 =	vadd.f32 v60, v45;
	_ =	sdelay $0x1  }
0x478: {  	s17 =	sand.u32 $0x7F, s16;
	v62 =	vmul.f32 v52, v52;
	v45 =	vadd.f32 v61, v45;
	v63 =	vor.u32 $0x7000, v29  }
0x479: {  	v48 =	vor.u32 s17, v63  }
0x47a: {  	v51 =	vmul.f32 v53, v53;
	v45 =	vadd.f32 v62, v45;
	[tilespmem:s20+$0x280] =	vst v47  }
0x47b: {  	_ =	swait.ge [sflag:s6], $0x800  }
0x47c: {  	v52 =	vmul.f32 v54, v54;
	v45 =	vadd.f32 v51, v45;
	[sflag:s6] =	ssyncset.done $0x0  }
0x47d: {  	[sflag:s6] =	ssyncadd.s32 $0xFFFFF800  }
0x47e: {  	v53 =	vmul.f32 v55, v55;
	v45 =	vadd.f32 v52, v45;
	v48 =	vld.idx.msk [tilespmem:v48+s11+$0x0], $0xffff;
	_ =	sdelay $0x1  }
0x47f: {  	v54 =	vmul.f32 v56, v56;
	v45 =	vadd.f32 v53, v45  }
0x480: {  	s22 =	sand.u32 $0x7F, s22;
	v55 =	vor.u32 $0x7800, v29  }
0x481: {  	v49 =	vor.u32 s22, v55;
	v56 =	vmul.f32 v50, v50;
	v45 =	vadd.f32 v54, v45  }
0x482: {  	[tilespmem:s20+$0x300] =	vst v48  }
0x483: {  	v59 =	vmul.f32 v57, v57;
	v45 =	vadd.f32 v56, v45;
	_ =	swait.ge [sflag:s6], $0x800  }
0x484: {  	[sflag:s6] =	ssyncset.done $0x0  }
0x485: {  	v60 =	vmul.f32 v58, v58;
	v45 =	vadd.f32 v59, v45;
	[sflag:s6] =	ssyncadd.s32 $0xFFFFF800  }
0x486: {  	v49 =	vld.idx.msk [tilespmem:v49+s11+$0x0], $0xffff  }
0x487: {  	v61 =	vmul.f32 v47, v47;
	v45 =	vadd.f32 v60, v45;
	_ =	sdelay $0x1  }
.Ltmp2:
0x488: {  	v45 =	vadd.f32 v61, v45;
	v62 =	vmul.f32 v48, v48;
	(pc) =	sbr.rel @p0 .LBB2_8-.Ltmp2, $3  }
0x489: {  	_ = 	snop  }
0x48a: {  	v45 =	vadd.f32 v62, v45;
	v63 =	vmul.f32 v49, v49;
	_ =	sdelay $0x1  }
0x48b: {  	[tilespmem:s20+$0x380] =	vst v49;
	v45 =	vadd.f32 v63, v45  }
0x48c: {  	v46 =	vld [tilespmem:s21+$0x10];
	_ =	sdelay $0x4  }
0x48d: {  	(v2sf) =	vpush v46, $0x8;
	_ =	sdelay $0x1  }
0x48e: {  	v47 =	vld [tilespmem:$0x200];
	_ =	sdelay $0x4  }
0x48f: {  	v48 =	vshrl.u32 v47, $0x3  }
0x490: {  	v48 =	vmul.u32 $0xF428, v48  }
0x491: {  	v47 =	vand.u32 $0x7, v47  }
0x492: {  	v47 =	vor.u32 v47, v48  }
0x493: {  	v48 =	vperm.xlane v47, v1;
	_ =	sdelay $0x1  }
0x494: {  	v49 =	vperm.xlane v47, v3;
	v48 =	vadd.s32 v2, v48;
	_ =	sdelay $0x1  }
0x495: {  	v50 =	vperm.xlane v47, v4;
	v49 =	vadd.s32 v2, v49;
	s2 =	spop (v2sf)  }
0x496: {  	s2 =	sand.u32 $0xFFFFF80, s2  }
0x497: {  	s7 =	simm.s32 $0x4280;
	v51 =	vperm.xlane v47, v5;
	v50 =	vadd.s32 v2, v50;
	s2 =	sadd.s32 s1, s2  }
0x498: {  	[tilespmem:s7], [sflag:$0x3] =	stream.indirect_vreg.gather [hbm4b:s2+s4], $0x80, v48, vm0, $0xb8;
	[tilespmem:$0x19300] =	vst v63  }
0x499: {  	s10 =	simm.s32 $0x4300;
	v56 =	vperm.xlane v47, v6;
	v55 =	vadd.s32 v2, v51  }
0x49a: {  	[tilespmem:s10], [sflag:$0x3] =	stream.indirect_vreg.gather [hbm4b:s2+s4], $0x80, v49, vm0, $0xb8;
	[tilespmem:$0x19300] =	vst v63  }
0x49b: {  	s16 =	simm.s32 $0x4380;
	v58 =	vperm.xlane v47, v12;
	v57 =	vadd.s32 v2, v56  }
0x49c: {  	[tilespmem:s16], [sflag:$0x3] =	stream.indirect_vreg.gather [hbm4b:s2+s4], $0x80, v50, vm0, $0xb8;
	[tilespmem:$0x19300] =	vst v63  }
0x49d: {  	s17 =	simm.s32 $0x4400;
	v60 =	vperm.xlane v47, v13;
	v59 =	vadd.s32 v2, v58  }
0x49e: {  	[tilespmem:s17], [sflag:$0x3] =	stream.indirect_vreg.gather [hbm4b:s2+s4], $0x80, v55, vm0, $0xb8;
	[tilespmem:$0x19300] =	vst v63  }
0x49f: {  	s21 =	simm.s32 $0x4480;
	v62 =	vperm.xlane v47, v14;
	v61 =	vadd.s32 v2, v60  }
0x4a0: {  	[tilespmem:s21], [sflag:$0x3] =	stream.indirect_vreg.gather [hbm4b:s2+s4], $0x80, v57, vm0, $0xb8;
	[tilespmem:$0x19300] =	vst v63  }
0x4a1: {  	s22 =	simm.s32 $0x4500;
	v54 =	vperm.xlane v47, v15;
	v63 =	vadd.s32 v2, v62  }
0x4a2: {  	[tilespmem:s22], [sflag:$0x3] =	stream.indirect_vreg.gather [hbm4b:s2+s4], $0x80, v59, vm0, $0xb8;
	[tilespmem:$0x19300] =	vst v63  }
0x4a3: {  	v56 =	vperm.xlane v47, v16;
	s10 =	simm.s32 $0x4580;
	v55 =	vadd.s32 v2, v54  }
0x4a4: {  	[tilespmem:s10], [sflag:$0x3] =	stream.indirect_vreg.gather [hbm4b:s2+s4], $0x80, v61, vm0, $0xb8;
	[tilespmem:$0x19300] =	vst v63  }
0x4a5: {  	v58 =	vperm.xlane v47, v17;
	s16 =	simm.s32 $0x4600;
	v57 =	vadd.s32 v2, v56  }
0x4a6: {  	[tilespmem:s16], [sflag:$0x3] =	stream.indirect_vreg.gather [hbm4b:s2+s4], $0x80, v63, vm0, $0xb8;
	[tilespmem:$0x19300] =	vst v63  }
0x4a7: {  	v60 =	vperm.xlane v47, v24;
	s17 =	simm.s32 $0x4680;
	v59 =	vadd.s32 v2, v58  }
0x4a8: {  	[tilespmem:s17], [sflag:$0x3] =	stream.indirect_vreg.gather [hbm4b:s2+s4], $0x80, v55, vm0, $0xb8;
	[tilespmem:$0x19300] =	vst v63  }
0x4a9: {  	v62 =	vperm.xlane v47, v25;
	s21 =	simm.s32 $0x4700;
	v61 =	vadd.s32 v2, v60  }
0x4aa: {  	[tilespmem:s21], [sflag:$0x3] =	stream.indirect_vreg.gather [hbm4b:s2+s4], $0x80, v57, vm0, $0xb8;
	[tilespmem:$0x19300] =	vst v63  }
0x4ab: {  	v54 =	vperm.xlane v47, v26;
	s22 =	simm.s32 $0x4780;
	v63 =	vadd.s32 v2, v62  }
0x4ac: {  	[tilespmem:s22], [sflag:$0x3] =	stream.indirect_vreg.gather [hbm4b:s2+s4], $0x80, v59, vm0, $0xb8;
	[tilespmem:$0x19300] =	vst v63  }
0x4ad: {  	v56 =	vperm.xlane v47, v27;
	s10 =	simm.s32 $0x4800;
	v55 =	vadd.s32 v2, v54  }
0x4ae: {  	[tilespmem:s10], [sflag:$0x3] =	stream.indirect_vreg.gather [hbm4b:s2+s4], $0x80, v61, vm0, $0xb8;
	[tilespmem:$0x19300] =	vst v63  }
0x4af: {  	v47 =	vperm.xlane v47, v28;
	s16 =	simm.s32 $0x4880;
	v57 =	vadd.s32 v2, v56  }
0x4b0: {  	[tilespmem:s16], [sflag:$0x3] =	stream.indirect_vreg.gather [hbm4b:s2+s4], $0x80, v63, vm0, $0xb8;
	[tilespmem:$0x19300] =	vst v63  }
0x4b1: {  	v47 =	vadd.s32 v2, v47;
	s17 =	simm.s32 $0x4900  }
0x4b2: {  	[tilespmem:s17], [sflag:$0x3] =	stream.indirect_vreg.gather [hbm4b:s2+s4], $0x80, v55, vm0, $0xb8;
	[tilespmem:$0x19300] =	vst v63  }
0x4b3: {  	s21 =	simm.s32 $0x4980  }
0x4b4: {  	[tilespmem:s21], [sflag:$0x3] =	stream.indirect_vreg.gather [hbm4b:s2+s4], $0x80, v57, vm0, $0xb8;
	[tilespmem:$0x19300] =	vst v63  }
0x4b5: {  	(v2sf) =	vpush v46, $0x9;
	s22 =	simm.s32 $0x4A00  }
0x4b6: {  	[tilespmem:s22], [sflag:$0x3] =	stream.indirect_vreg.gather [hbm4b:s2+s4], $0x80, v47, vm0, $0xb8;
	[tilespmem:$0x19300] =	vst v63  }
0x4b7: {  	v47 =	vld [tilespmem:$0x200];
	_ =	sdelay $0x4  }
0x4b8: {  	v58 =	vshrl.u32 v47, $0x3  }
0x4b9: {  	v48 =	vmul.u32 $0xF428, v58  }
0x4ba: {  	v47 =	vand.u32 $0x7, v47  }
0x4bb: {  	v47 =	vor.u32 v47, v48  }
0x4bc: {  	v48 =	vperm.xlane v47, v1;
	_ =	sdelay $0x1  }
0x4bd: {  	v59 =	vperm.xlane v47, v3;
	v48 =	vadd.s32 v2, v48;
	_ =	sdelay $0x1  }
0x4be: {  	s7 =	spop (v2sf);
	v60 =	vperm.xlane v47, v4;
	v49 =	vadd.s32 v2, v59  }
0x4bf: {  	s2 =	sand.u32 $0xFFFFF80, s7  }
0x4c0: {  	s10 =	simm.s32 $0x4A80;
	s2 =	sadd.s32 s1, s2;
	v61 =	vperm.xlane v47, v5;
	v50 =	vadd.s32 v2, v60  }
0x4c1: {  	[tilespmem:s10], [sflag:$0x3] =	stream.indirect_vreg.gather [hbm4b:s2+s4], $0x80, v48, vm0, $0xb8;
	[tilespmem:$0x19300] =	vst v63  }
0x4c2: {  	s16 =	simm.s32 $0x4B00;
	v63 =	vperm.xlane v47, v6;
	v62 =	vadd.s32 v2, v61  }
0x4c3: {  	[tilespmem:s16], [sflag:$0x3] =	stream.indirect_vreg.gather [hbm4b:s2+s4], $0x80, v49, vm0, $0xb8;
	[tilespmem:$0x19300] =	vst v63  }
0x4c4: {  	s17 =	simm.s32 $0x4B80;
	v55 =	vperm.xlane v47, v12;
	v54 =	vadd.s32 v2, v63  }
0x4c5: {  	[tilespmem:s17], [sflag:$0x3] =	stream.indirect_vreg.gather [hbm4b:s2+s4], $0x80, v50, vm0, $0xb8;
	[tilespmem:$0x19300] =	vst v63  }
0x4c6: {  	s21 =	simm.s32 $0x4C00;
	v57 =	vperm.xlane v47, v13;
	v56 =	vadd.s32 v2, v55  }
0x4c7: {  	[tilespmem:s21], [sflag:$0x3] =	stream.indirect_vreg.gather [hbm4b:s2+s4], $0x80, v62, vm0, $0xb8;
	[tilespmem:$0x19300] =	vst v63  }
0x4c8: {  	s22 =	simm.s32 $0x4C80;
	v58 =	vadd.s32 v2, v57;
	v59 =	vperm.xlane v47, v14  }
0x4c9: {  	[tilespmem:s22], [sflag:$0x3] =	stream.indirect_vreg.gather [hbm4b:s2+s4], $0x80, v54, vm0, $0xb8;
	[tilespmem:$0x19300] =	vst v63  }
0x4ca: {  	v61 =	vperm.xlane v47, v15;
	v60 =	vadd.s32 v2, v59;
	s10 =	simm.s32 $0x4D00  }
0x4cb: {  	[tilespmem:s10], [sflag:$0x3] =	stream.indirect_vreg.gather [hbm4b:s2+s4], $0x80, v56, vm0, $0xb8;
	[tilespmem:$0x19300] =	vst v63  }
0x4cc: {  	v63 =	vperm.xlane v47, v16;
	s16 =	simm.s32 $0x4D80;
	v62 =	vadd.s32 v2, v61  }
0x4cd: {  	[tilespmem:s16], [sflag:$0x3] =	stream.indirect_vreg.gather [hbm4b:s2+s4], $0x80, v58, vm0, $0xb8;
	[tilespmem:$0x19300] =	vst v63  }
0x4ce: {  	v55 =	vperm.xlane v47, v17;
	s17 =	simm.s32 $0x4E00;
	v54 =	vadd.s32 v2, v63  }
0x4cf: {  	[tilespmem:s17], [sflag:$0x3] =	stream.indirect_vreg.gather [hbm4b:s2+s4], $0x80, v60, vm0, $0xb8;
	[tilespmem:$0x19300] =	vst v63  }
0x4d0: {  	v57 =	vperm.xlane v47, v24;
	s21 =	simm.s32 $0x4E80;
	v56 =	vadd.s32 v2, v55  }
0x4d1: {  	[tilespmem:s21], [sflag:$0x3] =	stream.indirect_vreg.gather [hbm4b:s2+s4], $0x80, v62, vm0, $0xb8;
	[tilespmem:$0x19300] =	vst v63  }
0x4d2: {  	v59 =	vperm.xlane v47, v25;
	s22 =	simm.s32 $0x4F00;
	v58 =	vadd.s32 v2, v57  }
0x4d3: {  	[tilespmem:s22], [sflag:$0x3] =	stream.indirect_vreg.gather [hbm4b:s2+s4], $0x80, v54, vm0, $0xb8;
	[tilespmem:$0x19300] =	vst v63  }
0x4d4: {  	v61 =	vperm.xlane v47, v26;
	s10 =	simm.s32 $0x4F80;
	v60 =	vadd.s32 v2, v59  }
0x4d5: {  	[tilespmem:s10], [sflag:$0x3] =	stream.indirect_vreg.gather [hbm4b:s2+s4], $0x80, v56, vm0, $0xb8;
	[tilespmem:$0x19300] =	vst v63  }
0x4d6: {  	v63 =	vperm.xlane v47, v27;
	s16 =	simm.s32 $0x5000;
	v62 =	vadd.s32 v2, v61  }
0x4d7: {  	[tilespmem:s16], [sflag:$0x3] =	stream.indirect_vreg.gather [hbm4b:s2+s4], $0x80, v58, vm0, $0xb8;
	[tilespmem:$0x19300] =	vst v63  }
0x4d8: {  	v47 =	vperm.xlane v47, v28;
	v52 =	vadd.s32 v2, v63;
	s17 =	simm.s32 $0x5080  }
0x4d9: {  	[tilespmem:s17], [sflag:$0x3] =	stream.indirect_vreg.gather [hbm4b:s2+s4], $0x80, v60, vm0, $0xb8;
	[tilespmem:$0x19300] =	vst v63  }
0x4da: {  	v47 =	vadd.s32 v2, v47;
	s21 =	simm.s32 $0x5100  }
0x4db: {  	[tilespmem:s21], [sflag:$0x3] =	stream.indirect_vreg.gather [hbm4b:s2+s4], $0x80, v62, vm0, $0xb8;
	[tilespmem:$0x19300] =	vst v63  }
0x4dc: {  	s22 =	simm.s32 $0x5180  }
0x4dd: {  	[tilespmem:s22], [sflag:$0x3] =	stream.indirect_vreg.gather [hbm4b:s2+s4], $0x80, v52, vm0, $0xb8;
	[tilespmem:$0x19300] =	vst v63  }
0x4de: {  	(v2sf) =	vpush v46, $0xA;
	s10 =	simm.s32 $0x5200  }
0x4df: {  	[tilespmem:s10], [sflag:$0x3] =	stream.indirect_vreg.gather [hbm4b:s2+s4], $0x80, v47, vm0, $0xb8;
	[tilespmem:$0x19300] =	vst v63  }
0x4e0: {  	v47 =	vld [tilespmem:$0x200];
	_ =	sdelay $0x4  }
0x4e1: {  	v53 =	vshrl.u32 v47, $0x3  }
0x4e2: {  	v48 =	vmul.u32 $0xF428, v53  }
0x4e3: {  	v47 =	vand.u32 $0x7, v47  }
0x4e4: {  	v47 =	vor.u32 v47, v48  }
0x4e5: {  	v48 =	vperm.xlane v47, v1;
	_ =	sdelay $0x1  }
0x4e6: {  	v54 =	vperm.xlane v47, v3;
	v48 =	vadd.s32 v2, v48;
	_ =	sdelay $0x1  }
0x4e7: {  	s16 =	spop (v2sf);
	v55 =	vperm.xlane v47, v4;
	v49 =	vadd.s32 v2, v54  }
0x4e8: {  	s2 =	sand.u32 $0xFFFFF80, s16  }
0x4e9: {  	s17 =	simm.s32 $0x5280;
	s2 =	sadd.s32 s1, s2;
	v56 =	vperm.xlane v47, v5;
	v50 =	vadd.s32 v2, v55  }
0x4ea: {  	[tilespmem:s17], [sflag:$0x3] =	stream.indirect_vreg.gather [hbm4b:s2+s4], $0x80, v48, vm0, $0xb8;
	[tilespmem:$0x19300] =	vst v63  }
0x4eb: {  	s21 =	simm.s32 $0x5300;
	v58 =	vperm.xlane v47, v6;
	v57 =	vadd.s32 v2, v56  }
0x4ec: {  	[tilespmem:s21], [sflag:$0x3] =	stream.indirect_vreg.gather [hbm4b:s2+s4], $0x80, v49, vm0, $0xb8;
	[tilespmem:$0x19300] =	vst v63  }
0x4ed: {  	s22 =	simm.s32 $0x5380;
	v60 =	vperm.xlane v47, v12;
	v59 =	vadd.s32 v2, v58  }
0x4ee: {  	[tilespmem:s22], [sflag:$0x3] =	stream.indirect_vreg.gather [hbm4b:s2+s4], $0x80, v50, vm0, $0xb8;
	[tilespmem:$0x19300] =	vst v63  }
0x4ef: {  	s10 =	simm.s32 $0x5400;
	v62 =	vperm.xlane v47, v13;
	v61 =	vadd.s32 v2, v60  }
0x4f0: {  	[tilespmem:s10], [sflag:$0x3] =	stream.indirect_vreg.gather [hbm4b:s2+s4], $0x80, v57, vm0, $0xb8;
	[tilespmem:$0x19300] =	vst v63  }
0x4f1: {  	s16 =	simm.s32 $0x5480;
	v63 =	vadd.s32 v2, v62;
	v54 =	vperm.xlane v47, v14  }
0x4f2: {  	[tilespmem:s16], [sflag:$0x3] =	stream.indirect_vreg.gather [hbm4b:s2+s4], $0x80, v59, vm0, $0xb8;
	[tilespmem:$0x19300] =	vst v63  }
0x4f3: {  	v56 =	vperm.xlane v47, v15;
	v55 =	vadd.s32 v2, v54;
	s17 =	simm.s32 $0x5500  }
0x4f4: {  	[tilespmem:s17], [sflag:$0x3] =	stream.indirect_vreg.gather [hbm4b:s2+s4], $0x80, v61, vm0, $0xb8;
	[tilespmem:$0x19300] =	vst v63  }
0x4f5: {  	v58 =	vperm.xlane v47, v16;
	s21 =	simm.s32 $0x5580;
	v57 =	vadd.s32 v2, v56  }
0x4f6: {  	[tilespmem:s21], [sflag:$0x3] =	stream.indirect_vreg.gather [hbm4b:s2+s4], $0x80, v63, vm0, $0xb8;
	[tilespmem:$0x19300] =	vst v63  }
0x4f7: {  	v60 =	vperm.xlane v47, v17;
	s22 =	simm.s32 $0x5600;
	v59 =	vadd.s32 v2, v58  }
0x4f8: {  	[tilespmem:s22], [sflag:$0x3] =	stream.indirect_vreg.gather [hbm4b:s2+s4], $0x80, v55, vm0, $0xb8;
	[tilespmem:$0x19300] =	vst v63  }
0x4f9: {  	v62 =	vperm.xlane v47, v24;
	s10 =	simm.s32 $0x5680;
	v61 =	vadd.s32 v2, v60  }
0x4fa: {  	[tilespmem:s10], [sflag:$0x3] =	stream.indirect_vreg.gather [hbm4b:s2+s4], $0x80, v57, vm0, $0xb8;
	[tilespmem:$0x19300] =	vst v63  }
0x4fb: {  	v54 =	vperm.xlane v47, v25;
	s16 =	simm.s32 $0x5700;
	v63 =	vadd.s32 v2, v62  }
0x4fc: {  	[tilespmem:s16], [sflag:$0x3] =	stream.indirect_vreg.gather [hbm4b:s2+s4], $0x80, v59, vm0, $0xb8;
	[tilespmem:$0x19300] =	vst v63  }
0x4fd: {  	v56 =	vperm.xlane v47, v26;
	s17 =	simm.s32 $0x5780;
	v55 =	vadd.s32 v2, v54  }
0x4fe: {  	[tilespmem:s17], [sflag:$0x3] =	stream.indirect_vreg.gather [hbm4b:s2+s4], $0x80, v61, vm0, $0xb8;
	[tilespmem:$0x19300] =	vst v63  }
0x4ff: {  	v58 =	vperm.xlane v47, v27;
	s21 =	simm.s32 $0x5800;
	v57 =	vadd.s32 v2, v56  }
0x500: {  	[tilespmem:s21], [sflag:$0x3] =	stream.indirect_vreg.gather [hbm4b:s2+s4], $0x80, v63, vm0, $0xb8;
	[tilespmem:$0x19300] =	vst v63  }
0x501: {  	v47 =	vperm.xlane v47, v28;
	s22 =	simm.s32 $0x5880;
	v59 =	vadd.s32 v2, v58  }
0x502: {  	[tilespmem:s22], [sflag:$0x3] =	stream.indirect_vreg.gather [hbm4b:s2+s4], $0x80, v55, vm0, $0xb8;
	[tilespmem:$0x19300] =	vst v63  }
0x503: {  	v47 =	vadd.s32 v2, v47;
	s10 =	simm.s32 $0x5900  }
0x504: {  	[tilespmem:s10], [sflag:$0x3] =	stream.indirect_vreg.gather [hbm4b:s2+s4], $0x80, v57, vm0, $0xb8;
	[tilespmem:$0x19300] =	vst v63  }
0x505: {  	s16 =	simm.s32 $0x5980  }
0x506: {  	[tilespmem:s16], [sflag:$0x3] =	stream.indirect_vreg.gather [hbm4b:s2+s4], $0x80, v59, vm0, $0xb8;
	[tilespmem:$0x19300] =	vst v63  }
0x507: {  	(v2sf) =	vpush v46, $0xB;
	s17 =	simm.s32 $0x5A00  }
0x508: {  	[tilespmem:s17], [sflag:$0x3] =	stream.indirect_vreg.gather [hbm4b:s2+s4], $0x80, v47, vm0, $0xb8;
	[tilespmem:$0x19300] =	vst v63  }
0x509: {  	v60 =	vld [tilespmem:$0x200];
	_ =	sdelay $0x4  }
0x50a: {  	v61 =	vshrl.u32 v60, $0x3  }
0x50b: {  	v47 =	vmul.u32 $0xF428, v61  }
0x50c: {  	v46 =	vand.u32 $0x7, v60  }
0x50d: {  	v46 =	vor.u32 v46, v47  }
0x50e: {  	v47 =	vperm.xlane v46, v1;
	_ =	sdelay $0x1  }
0x50f: {  	v62 =	vperm.xlane v46, v3;
	v47 =	vadd.s32 v2, v47;
	_ =	sdelay $0x1  }
0x510: {  	s21 =	spop (v2sf);
	v63 =	vperm.xlane v46, v4;
	v48 =	vadd.s32 v2, v62  }
0x511: {  	s2 =	sand.u32 $0xFFFFF80, s21  }
0x512: {  	s22 =	simm.s32 $0x5A80;
	s2 =	sadd.s32 s1, s2;
	v52 =	vperm.xlane v46, v5;
	v49 =	vadd.s32 v2, v63  }
0x513: {  	[tilespmem:s22], [sflag:$0x3] =	stream.indirect_vreg.gather [hbm4b:s2+s4], $0x80, v47, vm0, $0xb8;
	[tilespmem:$0x19300] =	vst v63  }
0x514: {  	s10 =	simm.s32 $0x5B00;
	v54 =	vperm.xlane v46, v6;
	v53 =	vadd.s32 v2, v52  }
0x515: {  	[tilespmem:s10], [sflag:$0x3] =	stream.indirect_vreg.gather [hbm4b:s2+s4], $0x80, v48, vm0, $0xb8;
	[tilespmem:$0x19300] =	vst v63  }
0x516: {  	s16 =	simm.s32 $0x5B80;
	v56 =	vperm.xlane v46, v12;
	v55 =	vadd.s32 v2, v54  }
0x517: {  	[tilespmem:s16], [sflag:$0x3] =	stream.indirect_vreg.gather [hbm4b:s2+s4], $0x80, v49, vm0, $0xb8;
	[tilespmem:$0x19300] =	vst v63  }
0x518: {  	s17 =	simm.s32 $0x5C00;
	v58 =	vperm.xlane v46, v13;
	v57 =	vadd.s32 v2, v56  }
0x519: {  	[tilespmem:s17], [sflag:$0x3] =	stream.indirect_vreg.gather [hbm4b:s2+s4], $0x80, v53, vm0, $0xb8;
	[tilespmem:$0x19300] =	vst v63  }
0x51a: {  	s21 =	simm.s32 $0x5C80;
	v60 =	vperm.xlane v46, v14;
	v59 =	vadd.s32 v2, v58  }
0x51b: {  	[tilespmem:s21], [sflag:$0x3] =	stream.indirect_vreg.gather [hbm4b:s2+s4], $0x80, v55, vm0, $0xb8;
	[tilespmem:$0x19300] =	vst v63  }
0x51c: {  	v61 =	vadd.s32 v2, v60;
	v62 =	vperm.xlane v46, v15;
	s22 =	simm.s32 $0x5D00  }
0x51d: {  	[tilespmem:s22], [sflag:$0x3] =	stream.indirect_vreg.gather [hbm4b:s2+s4], $0x80, v57, vm0, $0xb8;
	[tilespmem:$0x19300] =	vst v63  }
0x51e: {  	v52 =	vperm.xlane v46, v16;
	v63 =	vadd.s32 v2, v62;
	s10 =	simm.s32 $0x5D80  }
0x51f: {  	[tilespmem:s10], [sflag:$0x3] =	stream.indirect_vreg.gather [hbm4b:s2+s4], $0x80, v59, vm0, $0xb8;
	[tilespmem:$0x19300] =	vst v63  }
0x520: {  	v54 =	vperm.xlane v46, v17;
	s16 =	simm.s32 $0x5E00;
	v53 =	vadd.s32 v2, v52  }
0x521: {  	[tilespmem:s16], [sflag:$0x3] =	stream.indirect_vreg.gather [hbm4b:s2+s4], $0x80, v61, vm0, $0xb8;
	[tilespmem:$0x19300] =	vst v63  }
0x522: {  	v56 =	vperm.xlane v46, v24;
	s17 =	simm.s32 $0x5E80;
	v55 =	vadd.s32 v2, v54  }
0x523: {  	[tilespmem:s17], [sflag:$0x3] =	stream.indirect_vreg.gather [hbm4b:s2+s4], $0x80, v63, vm0, $0xb8;
	[tilespmem:$0x19300] =	vst v63  }
0x524: {  	v58 =	vperm.xlane v46, v25;
	s21 =	simm.s32 $0x5F00;
	v57 =	vadd.s32 v2, v56  }
0x525: {  	[tilespmem:s21], [sflag:$0x3] =	stream.indirect_vreg.gather [hbm4b:s2+s4], $0x80, v53, vm0, $0xb8;
	[tilespmem:$0x19300] =	vst v63  }
0x526: {  	v60 =	vperm.xlane v46, v26;
	s22 =	simm.s32 $0x5F80;
	v59 =	vadd.s32 v2, v58  }
0x527: {  	[tilespmem:s22], [sflag:$0x3] =	stream.indirect_vreg.gather [hbm4b:s2+s4], $0x80, v55, vm0, $0xb8;
	[tilespmem:$0x19300] =	vst v63  }
0x528: {  	s10 =	simm.s32 $0x6000;
	v61 =	vadd.s32 v2, v60  }
0x529: {  	v62 =	vperm.xlane v46, v27;
	[tilespmem:s10], [sflag:$0x3] =	stream.indirect_vreg.gather [hbm4b:s2+s4], $0x80, v57, vm0, $0xb8;
	[tilespmem:$0x19300] =	vst v63  }
0x52a: {  	s3 =	sadd.s32 $0x40, s3;
	s16 =	simm.s32 $0x6080  }
0x52b: {  	v46 =	vperm.xlane v46, v28;
	v63 =	vadd.s32 v2, v62;
	[tilespmem:s16], [sflag:$0x3] =	stream.indirect_vreg.gather [hbm4b:s2+s4], $0x80, v59, vm0, $0xb8;
	[tilespmem:$0x19300] =	vst v63  }
0x52c: {  	p0 =	sne.s32 s3, $0x800;
	s17 =	simm.s32 $0x6100  }
0x52d: {  	v46 =	vadd.s32 v2, v46;
	[tilespmem:s17], [sflag:$0x3] =	stream.indirect_vreg.gather [hbm4b:s2+s4], $0x80, v61, vm0, $0xb8;
	[tilespmem:$0x19300] =	vst v63  }
.Ltmp3:
0x52e: {  	_ = 	snop;
	(pc) =	sbr.rel @p0 .LBB2_2-.Ltmp3, $4  }
0x52f: {  	s21 =	simm.s32 $0x6180  }
0x530: {  	[tilespmem:s21], [sflag:$0x3] =	stream.indirect_vreg.gather [hbm4b:s2+s4], $0x80, v63, vm0, $0xb8;
	[tilespmem:$0x19300] =	vst v63  }
0x531: {  	s20 =	sadd.s32 $0x800, s20;
	s22 =	simm.s32 $0x6200  }
0x532: {  	[tilespmem:s22], [sflag:$0x3] =	stream.indirect_vreg.gather [hbm4b:s2+s4], $0x80, v46, vm0, $0xb8;
	[tilespmem:$0x19300] =	vst v63  }
.LBB2_8:
0x533: {  	s2 =	simm.s32 $0x0  }
0x534: {  	s3 =	rddreg [dreg:$0x6];
	s7 =	simm.s32 $0x18280;
	s16 =	simm.s32 $0x6;
	[tilespmem:$0x18280] =	vst v45  }
0x535: {  	[hbm4b:s3+s2] =	stream.linear.scatter [tilespmem:s7], [sflag:$0x6], $0x80, $0x38;
	[tilespmem:$0x19300] =	vst v63  }
0x536: {  	_ =	swait.ge [sflag:s16], $0x80  }
0x537: {  	[sflag:s16] =	ssyncset.done $0x0  }
0x538: {  	[sflag:s16] =	ssyncadd.s32 $0xFFFFFF80  }
0x539: {  	s21 =	simm.s32 $0x100000;
	[bflag:$0x0] =	sbarrier.arrive $0xFFFF  }
0x53a: {  	[smem:s21], [sflag:$0x0] =	smem.add.s32 $0x0  }
0x53b: {  	_ =	swait.done [sflag:s2]  }
0x53c: {  	s22 =	ssyncread [sflag:$0x0];
	_ =	sdelay $0x1  }
0x53d: {  	s7 =	stileid.u32;
	s10 =	rddreg [dreg:$0x7]  }
0x53e: {  	s17 =	rddreg [dreg:$0xb];
	s3 =	sadd.s32 s10, s22;
	s10 =	sshll.u32 s7, $0x6  }
0x53f: {  	s10 =	sor.u32 s17, s10;
	s3 =	sshll.u32 s3, $0x11  }
0x540: {  	[sflag:s2] =	ssyncset.s32 $0x0;
	s3 =	sor.u32 s3, s10  }
0x541: {  	[sflag:s2] =	ssyncset.done $0x0;
	s3 =	sor.u32 $0x1C05, s3  }
0x542: {  	s20 =	simm.s32 $0x5;
	[sflag:s3] =	ssyncadd.remote.s32 $0x1  }
0x543: {  	_ =	swait.ge [sflag:s20], $0x1  }
0x544: {  	[sflag:s20] =	ssyncset.done $0x0  }
0x545: {  	[sflag:s20] =	ssyncadd.s32 $0xFFFFFFFF  }
0x546: {  	s21 =	simm.s32 $0x18300;
	s3 =	rddreg [dreg:$0x3]  }
0x547: {  	[tilespmem:s21], [sflag:$0x6] =	stream.linear.gather [hbm4b:s3+s2], $0x1000, $0x38;
	[tilespmem:$0x19300] =	vst v63  }
0x548: {  	_ =	swait.ge [sflag:s16], $0x1000  }
0x549: {  	[sflag:s16] =	ssyncset.done $0x0  }
0x54a: {  	[sflag:s16] =	ssyncadd.s32 $0xFFFFF000  }
0x54b: {  	v56 =	vld [tilespmem:$0x18300];
	_ =	sdelay $0x1  }
0x54c: {  	v46 =	vld [tilespmem:$0x18380];
	_ =	sdelay $0x1  }
0x54d: {  	v47 =	vld [tilespmem:$0x18400]  }
0x54e: {  	v45 =	vadd.f32 $0.0e+00, v56  }
0x54f: {  	v48 =	vld [tilespmem:$0x18480]  }
0x550: {  	v45 =	vadd.f32 v46, v45  }
0x551: {  	v57 =	vld [tilespmem:$0x18500]  }
0x552: {  	v45 =	vadd.f32 v47, v45  }
0x553: {  	v58 =	vld [tilespmem:$0x18580]  }
0x554: {  	v45 =	vadd.f32 v48, v45  }
0x555: {  	v59 =	vld [tilespmem:$0x18600]  }
0x556: {  	v45 =	vadd.f32 v57, v45  }
0x557: {  	v60 =	vld [tilespmem:$0x18680]  }
0x558: {  	v45 =	vadd.f32 v58, v45  }
0x559: {  	v61 =	vld [tilespmem:$0x18700]  }
0x55a: {  	v45 =	vadd.f32 v59, v45  }
0x55b: {  	v62 =	vld [tilespmem:$0x18780]  }
0x55c: {  	v45 =	vadd.f32 v60, v45  }
0x55d: {  	v63 =	vld [tilespmem:$0x18800]  }
0x55e: {  	v45 =	vadd.f32 v61, v45  }
0x55f: {  	v52 =	vld [tilespmem:$0x18880]  }
0x560: {  	v45 =	vadd.f32 v62, v45  }
0x561: {  	v53 =	vld [tilespmem:$0x18900]  }
0x562: {  	v45 =	vadd.f32 v63, v45  }
0x563: {  	v54 =	vld [tilespmem:$0x18980]  }
0x564: {  	v45 =	vadd.f32 v52, v45  }
0x565: {  	v55 =	vld [tilespmem:$0x18A00]  }
0x566: {  	v45 =	vadd.f32 v53, v45  }
0x567: {  	v56 =	vld [tilespmem:$0x18A80]  }
0x568: {  	v45 =	vadd.f32 v54, v45  }
0x569: {  	v57 =	vld [tilespmem:$0x18B00]  }
0x56a: {  	v45 =	vadd.f32 v55, v45  }
0x56b: {  	v58 =	vld [tilespmem:$0x18B80]  }
0x56c: {  	v45 =	vadd.f32 v56, v45  }
0x56d: {  	v59 =	vld [tilespmem:$0x18C00]  }
0x56e: {  	v45 =	vadd.f32 v57, v45  }
0x56f: {  	v60 =	vld [tilespmem:$0x18C80]  }
0x570: {  	v45 =	vadd.f32 v58, v45  }
0x571: {  	v61 =	vld [tilespmem:$0x18D00]  }
0x572: {  	v45 =	vadd.f32 v59, v45  }
0x573: {  	v62 =	vld [tilespmem:$0x18D80]  }
0x574: {  	v45 =	vadd.f32 v60, v45  }
0x575: {  	v63 =	vld [tilespmem:$0x18E00]  }
0x576: {  	v45 =	vadd.f32 v61, v45  }
0x577: {  	v52 =	vld [tilespmem:$0x18E80]  }
0x578: {  	v45 =	vadd.f32 v62, v45  }
0x579: {  	v53 =	vld [tilespmem:$0x18F00]  }
0x57a: {  	v45 =	vadd.f32 v63, v45  }
0x57b: {  	v54 =	vld [tilespmem:$0x18F80]  }
0x57c: {  	v45 =	vadd.f32 v52, v45  }
0x57d: {  	v55 =	vld [tilespmem:$0x19000]  }
0x57e: {  	v45 =	vadd.f32 v53, v45  }
0x57f: {  	v56 =	vld [tilespmem:$0x19080]  }
0x580: {  	v45 =	vadd.f32 v54, v45  }
0x581: {  	v57 =	vld [tilespmem:$0x19100]  }
0x582: {  	v45 =	vadd.f32 v55, v45  }
0x583: {  	v58 =	vld [tilespmem:$0x19180]  }
0x584: {  	v45 =	vadd.f32 v56, v45  }
0x585: {  	v59 =	vld [tilespmem:$0x19200]  }
0x586: {  	v45 =	vadd.f32 v57, v45  }
0x587: {  	v60 =	vld [tilespmem:$0x19280]  }
0x588: {  	v45 =	vadd.f32 v58, v45;
	_ =	sdelay $0x1  }
0x589: {  	v45 =	vadd.f32 v59, v45;
	_ =	sdelay $0x1  }
0x58a: {  	v45 =	vadd.f32 v60, v45;
	_ =	sdelay $0x1  }
0x58b: {  	(xrf2) =	vadd.scan.msk.f32 $0xffff, v45;
	_ =	sdelay $0x9  }
0x58c: {  	v45, _, _ =	vpop (xrf2)  }
0x58d: {  	(v2sf) =	vpush v45, $0xF;
	_ =	sdelay $0xe  }
0x58e: {  	s22 =	spop (v2sf)  }
0x58f: {  	s2 =	sadd.f32 $9.999999960e-13, s22;
	_ =	sdelay $0x1  }
0x590: {  	v61 =	vmov s2  }
0x591: {  	v62 =	vshrl.u32 v61, $0x1;
	v45 =	vmul.f32 $5.000000000e-01, v61  }
0x592: {  	v46 =	vsub.s32 $0x5F3759DF, v62  }
0x593: {  	v63 =	vmul.f32 v46, v45;
	_ =	sdelay $0x1  }
0x594: {  	v47 =	vmul.f32 v46, v63;
	_ =	sdelay $0x1  }
0x595: {  	v47 =	vsub.f32 $1.500000000e+00, v47;
	_ =	sdelay $0x1  }
0x596: {  	v46 =	vmul.f32 v46, v47;
	_ =	sdelay $0x1  }
0x597: {  	v47 =	vmul.f32 v46, v45;
	_ =	sdelay $0x1  }
0x598: {  	v47 =	vmul.f32 v47, v46;
	_ =	sdelay $0x1  }
0x599: {  	v47 =	vsub.f32 $1.500000000e+00, v47;
	_ =	sdelay $0x1  }
0x59a: {  	v47 =	vmul.f32 v47, v46;
	_ =	sdelay $0x1  }
0x59b: {  	v45 =	vmul.f32 v47, v45;
	_ =	sdelay $0x1  }
0x59c: {  	v45 =	vmul.f32 v45, v47  }
0x59d: {  	s2 =	simm.s32 $0x0  }
0x59e: {  	v46 =	vld [tilespmem:s2+$0x8280];
	v45 =	vsub.f32 $1.500000000e+00, v45  }
0x59f: {  	v48 =	vld [tilespmem:s2+$0x8300]  }
0x5a0: {  	s3 =	simm.s32 $0x800;
	v45 =	vmul.f32 v45, v47;
	v47 =	vld [tilespmem:s2+$0x8380]  }
.LBB2_9:
0x5a1: {  	p0 =	sne.s32 s3, $0x3F800;
	v49 =	vld [tilespmem:s2+$0x8400];
	_ =	sdelay $0x1  }
0x5a2: {  	v46 =	vmul.f32 v46, v45  }
.Ltmp4:
0x5a3: {  	v48 =	vmul.f32 v48, v45;
	(pc) =	sbr.rel @p0 .LBB2_9-.Ltmp4, $4  }
0x5a4: {  	s10 =	sshra.s32 s3, $0x2;
	[tilespmem:s2+$0x8280] =	vst v46;
	v47 =	vmul.f32 v47, v45  }
0x5a5: {  	v46 =	vld [tilespmem:s10+$0x8280];
	[tilespmem:s2+$0x8300] =	vst v48;
	v49 =	vmul.f32 v49, v45  }
0x5a6: {  	v48 =	vld [tilespmem:s10+$0x8300];
	[tilespmem:s2+$0x8380] =	vst v47  }
0x5a7: {  	s3 =	sadd.s32 $0x800, s3;
	v47 =	vld [tilespmem:s10+$0x8380];
	[tilespmem:s2+$0x8400] =	vst v49;
	s2 =	smov.u32 s10  }
0x5a8: {  	v49 =	vld [tilespmem:s2+$0x8400];
	_ =	sdelay $0x1  }
0x5a9: {  	v46 =	vmul.f32 v46, v45  }
0x5aa: {  	v48 =	vmul.f32 v48, v45  }
0x5ab: {  	[tilespmem:s2+$0x8280] =	vst v46;
	v62 =	vmul.f32 v47, v45  }
0x5ac: {  	[tilespmem:s2+$0x8300] =	vst v48;
	v63 =	vmul.f32 v49, v45  }
0x5ad: {  	[tilespmem:s2+$0x8380] =	vst v62  }
0x5ae: {  	s22 =	simm.s32 $0x0;
	s3 =	rddreg [dreg:$0x8];
	s7 =	simm.s32 $0x8280;
	[tilespmem:s2+$0x8400] =	vst v63  }
0x5af: {  	[hbm4b:s3+s22] =	stream.linear.scatter [tilespmem:s7], [sflag:$0x6], $0x10000, $0x38;
	[tilespmem:$0x19300] =	vst v63  }
0x5b0: {  	_ =	swait.ge [sflag:s16], $0x10000  }
0x5b1: {  	[sflag:s16] =	ssyncset.done $0x0  }
0x5b2: {  	s2 =	simm.s32 $0x0;
	s3 =	simm.s32 $0x800;
	[sflag:s16] =	ssyncadd.s32 $0xFFFF0000  }
.LBB2_11:
0x5b3: {  	p0 =	sne.s32 s3, $0x3F800;
	[tilespmem:s2+$0x8400] =	vst v44;
	s10 =	smov.u32 s3;
	s3 =	sadd.s32 $0x800, s3  }
.Ltmp5:
0x5b4: {  	[tilespmem:s2+$0x8380] =	vst v44;
	(pc) =	sbr.rel @p0 .LBB2_11-.Ltmp5, $3  }
0x5b5: {  	[tilespmem:s2+$0x8280] =	vst v44  }
0x5b6: {  	[tilespmem:s2+$0x8300] =	vst v44;
	_ =	sdelay $0x1  }
0x5b7: {  	s2 =	sshra.s32 s10, $0x2  }
0x5b8: {  	[tilespmem:s2+$0x8400] =	vst v44  }
0x5b9: {  	[tilespmem:s2+$0x8380] =	vst v44  }
0x5ba: {  	[tilespmem:s2+$0x8280] =	vst v44  }
0x5bb: {  	[tilespmem:s2+$0x8300] =	vst v44;
	s21 =	rddreg [dreg:$0xa]  }
0x5bc: {  	[hbm4b:s21+s4] =	stream.linear.scatter [tilespmem:s7], [sflag:$0x6], $0x10000, $0x38;
	[tilespmem:$0x19300] =	vst v63  }
0x5bd: {  	_ =	swait.ge [sflag:s16], $0x10000  }
0x5be: {  	s3 =	rddreg [dreg:$0xc]  }
0x5bf: {  	s22 =	rddreg [dreg:$0x9];
	s3 =	sadd.s32 $0x1, s3  }
0x5c0: {  	p0 =	sne.s32 s3, s22  }
.Ltmp6:
0x5c1: {  	_ = 	snop;
	(pc) =	sbr.rel @p0 .LBB2_1-.Ltmp6, $3  }
0x5c2: {  	_ =	sdelay $0x1  }
0x5c3: {  	[sflag:s16] =	ssyncset.done $0x0  }
0x5c4: {  	[sflag:s16] =	ssyncadd.s32 $0xFFFF0000  }
0x5c5: {  	_ =	sfence.sel $0x180000  }
0x5c6: {  	[bflag:$0x0] =	sbarrier.arrive $0xFFFF  }
0x5c7: {  	_ =	strace $0x90000047  }
0x5c8: {  	s0 =	stileid.u32;
	[bflag:$0x2] =	sbarrier.arrive $0xFFFF  }
0x5c9: {  	p0 =	sne.s32 s0, $0x0;
	s0 =	rddreg [dreg:$0x4]  }
0x5ca: {  	s0 =	sadd.s32 @!p0 $0x100000, s0  }
0x5cb: {  	[sflag:s0] =	ssyncadd.tile.s32 @!p0 $0x1;
	_ =	shalt  }
.Lfunc_end2:
_tile_overlayer_lowered:
.L_overlay_start_2:
0x5cc: {  	(tag) =	ssettag $0x2  }
0x5cd: {  	s0 =	rddreg [dreg:$0x0];
	s2 =	stileid.u32  }
0x5ce: {  	s1 =	rddreg [dreg:$0x1];
	p0 =	sne.s32 s2, $0x0  }
0x5cf: {  	s3 =	rddreg [dreg:$0x2];
	[bflag:$0x3] =	sbarrier.arrive $0xFFFF;
	s2 =	simm.s32 @!p0 $0x1C06  }
0x5d0: {  	[timem:s3], [sflag:s2] =	dma.local @!p0 [hbm:s0], s1  }
0x5d1: {  	s0 =	simm.s32 @!p0 $0x6  }
0x5d2: {  	_ =	swait.ge @!p0 [sflag:s0], s1  }
0x5d3: {  	s1 =	ssub.s32 @!p0 $0x0, s1;
	[sflag:s0] =	ssyncset.done @!p0 $0x0  }
0x5d4: {  	[sflag:s0] =	ssyncadd.s32 @!p0 s1  }
0x5d5: {  	[bflag:$0x3] =	sbarrier.arrive $0xFFFF  }
0x5d6: {  	_ =	shalt  }

</sc_bundles>
